<compile_context>
chip_gen: v7x
topology: tpu7x:2x2x1
jax: 0.10.2.dev20260603
libtpu: 0.0.44.dev20260713+nightly
codegen_flags: <defaults>
</compile_context>

<pallas_src>
import jax
import jax.numpy as jnp
from jax import lax
from jax.experimental import pallas as pl
from jax.experimental.pallas import tpu as pltpu
from jax.experimental.pallas import tpu_sc as plsc

ALPHA = 0.7
BETA = 0.3
TEMPERATURE = 0.1
CONF_TH = 0.8
NUM_NEG = 3

N = 10000
D = 128
DW = D // 2
E = 320000

NW = 32
B = 64
EP = 327680
NCH = EP // (NW * B)
CHT = NW * NCH
NPAD = 10240
NROW = NPAD // 128


def _node_body(l0, l1, lab, lm, um, p0_out, scal):
    a0 = l0[...]
    a1 = l1[...]
    m = jnp.maximum(a0, a1)
    e0 = jnp.exp(a0 - m)
    e1 = jnp.exp(a1 - m)
    z = e0 + e1
    logz = m + jnp.log(z)
    logp0 = a0 - logz
    logp1 = a1 - logz
    labv = lab[...]
    ce = -((1.0 - labv) * logp0 + labv * logp1)
    lmv = lm[...]
    scal[0] = jnp.sum(ce * lmv)
    scal[1] = jnp.sum(lmv)
    p0 = e0 / z
    p1 = e1 / z
    conf = jnp.maximum(p0, p1)
    umv = um[...] * (conf > CONF_TH).astype(jnp.float32)
    t0 = a0 / TEMPERATURE
    t1 = a1 / TEMPERATURE
    tm = jnp.maximum(t0, t1)
    s0 = jnp.exp(t0 - tm)
    s1 = jnp.exp(t1 - tm)
    sz = s0 + s1
    cons_per = -((s0 / sz) * logp0 + (s1 / sz) * logp1)
    scal[2] = jnp.sum(cons_per * umv)
    scal[3] = jnp.sum(umv)
    p0_out[...] = p0


def _node_losses(l0, l1, lab, lm, um):
    return pl.pallas_call(
        _node_body,
        out_shape=[
            jax.ShapeDtypeStruct((NROW, 128), jnp.float32),
            jax.ShapeDtypeStruct((4,), jnp.float32),
        ],
        out_specs=[
            pl.BlockSpec(memory_space=pltpu.VMEM),
            pl.BlockSpec(memory_space=pltpu.SMEM),
        ],
    )(l0, l1, lab, lm, um)


_LANE = None


def _edge_body(emb_h, idx_h, p0_h, scores_h, prop_h,
               emb_sh,
               p0_v, idx0_v, idx1_v,
               s0_v, d0_v, a0_v, b0_v, c0_v,
               s1_v, d1_v, a1_v, b1_v, c1_v,
               sc0_v, sc1_v, pv_v,
               isem0, isem1, gsem0, gsem1, osem0, osem1):
    cid = lax.axis_index("c")
    sid = lax.axis_index("s")
    wid = sid * 2 + cid
    bufs = ((idx0_v, s0_v, d0_v, a0_v, b0_v, c0_v, sc0_v, isem0, gsem0, osem0),
            (idx1_v, s1_v, d1_v, a1_v, b1_v, c1_v, sc1_v, isem1, gsem1, osem1))

    @pl.when(sid == 0)
    def _():
        pltpu.sync_copy(emb_h, emb_sh)

    pltpu.sync_copy(p0_h, p0_v)
    plsc.subcore_barrier()

    def issue_gathers(par, ci):
        idx_v, sv, dv, av, bv, cv = bufs[par][:6]
        del ci
        pltpu.async_copy(emb_sh.at[idx_v.at[pl.ds(0, B)]], sv, bufs[par][8])
        pltpu.async_copy(emb_sh.at[idx_v.at[pl.ds(B, B)]], dv, bufs[par][8])
        pltpu.async_copy(emb_sh.at[idx_v.at[pl.ds(2 * B, B)]], av, bufs[par][8])
        pltpu.async_copy(emb_sh.at[idx_v.at[pl.ds(3 * B, B)]], bv, bufs[par][8])
        pltpu.async_copy(emb_sh.at[idx_v.at[pl.ds(4 * B, B)]], cv, bufs[par][8])

    def wait_gathers(par):
        idx_v, sv, dv, av, bv, cv = bufs[par][:6]
        for buf in (sv, dv, av, bv, cv):
            pltpu.make_async_copy(emb_h.at[idx_v.at[pl.ds(0, B)]], buf,
                                  bufs[par][8]).wait()

    def issue_idx(par, ci):
        pltpu.async_copy(idx_h.at[wid, ci], bufs[par][0], bufs[par][7])

    def wait_idx(par):
        pltpu.make_async_copy(idx_h.at[wid, 0], bufs[par][0],
                              bufs[par][7]).wait()

    def issue_out(par, ci):
        pltpu.async_copy(bufs[par][6], scores_h.at[wid * NCH + ci],
                         bufs[par][9])

    def wait_out(par):
        pltpu.make_async_copy(idx_h.at[wid, 0], bufs[par][6],
                              bufs[par][9]).wait()

    def compute_prop(par, prop_acc):
        idx_v = bufs[par][0]

        def pgroup(g, acc):
            si = idx_v[pl.ds(g * 16, 16)]
            di = idx_v[pl.ds(B + g * 16, 16)]
            wv = plsc.bitcast(idx_v[pl.ds(5 * B + g * 16, 16)], jnp.float32)
            p0s = plsc.load_gather(p0_v, [si])
            p0d = plsc.load_gather(p0_v, [di])
            dp = p0s - p0d
            return acc + wv * (dp * dp * 2.0)

        return lax.fori_loop(0, B // 16, pgroup, prop_acc, unroll=2)

    lane = lax.broadcasted_iota(jnp.int32, (16,), 0)
    m15 = lane == 15

    def compute_dots(par):
        sv, dv, av, bv, cv = bufs[par][1:6]
        sc_v = bufs[par][6]

        def edot(i, carry):
            zero = jnp.zeros((16,), jnp.float32)
            accs = [zero, zero, zero, zero]
            for k in range(DW // 16):
                se, so = plsc.unpack(
                    plsc.bitcast(sv[i, pl.ds(k * 16, 16)], jnp.bfloat16),
                    format=plsc.PackFormat.INTERLEAVED)
                for r, buf in enumerate((dv, av, bv, cv)):
                    te, to = plsc.unpack(
                        plsc.bitcast(buf[i, pl.ds(k * 16, 16)], jnp.bfloat16),
                        format=plsc.PackFormat.INTERLEAVED)
                    accs[r] = accs[r] + se * te + so * to
            for r in range(4):
                cs = plsc.cumsum(accs[r])
                plsc.store_scatter(sc_v, [jnp.full((16,), r * B, jnp.int32) + i],
                                   cs, mask=m15)
            return carry

        lax.fori_loop(0, B, edot, 0, unroll=2)

    nhalf = NCH // 2

    def pair(j, prop_acc):
        last = nhalf - 1
        c0 = 2 * j
        c1 = 2 * j + 1
        wait_gathers(0)
        wait_idx(1)
        issue_gathers(1, c1)
        prop_acc = compute_prop(0, prop_acc)

        @pl.when(j < last)
        def _():
            issue_idx(0, c0 + 2)

        @pl.when(j > 0)
        def _():
            wait_out(0)

        compute_dots(0)
        issue_out(0, c0)
        wait_gathers(1)

        @pl.when(j < last)
        def _():
            wait_idx(0)
            issue_gathers(0, c0 + 2)

        prop_acc = compute_prop(1, prop_acc)

        @pl.when(j < last)
        def _():
            issue_idx(1, c1 + 2)

        @pl.when(j > 0)
        def _():
            wait_out(1)

        compute_dots(1)
        issue_out(1, c1)
        return prop_acc

    pltpu.sync_copy(idx_h.at[wid, 0], idx0_v)
    issue_gathers(0, 0)
    issue_idx(1, 1)
    prop = lax.fori_loop(0, nhalf, pair, jnp.zeros((16,), jnp.float32))
    wait_out(0)
    wait_out(1)
    pv_v[...] = prop
    pltpu.sync_copy(pv_v, prop_h.at[wid])


def _edge_scores(embp, idx, p0):
    mesh = plsc.VectorSubcoreMesh(core_axis_name="c", subcore_axis_name="s",
                                  num_cores=2, num_subcores=16)
    rowbuf = pltpu.VMEM((B, DW), jnp.int32)
    return pl.kernel(
        _edge_body,
        out_type=(
            jax.ShapeDtypeStruct((CHT, 4 * B), jnp.float32),
            jax.ShapeDtypeStruct((NW, 16), jnp.float32),
        ),
        mesh=mesh,
        compiler_params=pltpu.CompilerParams(
            needs_layout_passes=False, use_tc_tiling_on_sc=False),
        scratch_types=[
            pltpu.VMEM_SHARED((N, DW), jnp.int32),
            pltpu.VMEM((N,), jnp.float32),
            pltpu.VMEM((6 * B,), jnp.int32),
            pltpu.VMEM((6 * B,), jnp.int32),
            rowbuf, rowbuf, rowbuf, rowbuf, rowbuf,
            rowbuf, rowbuf, rowbuf, rowbuf, rowbuf,
            pltpu.VMEM((4 * B,), jnp.float32),
            pltpu.VMEM((4 * B,), jnp.float32),
            pltpu.VMEM((16,), jnp.float32),
            pltpu.SemaphoreType.DMA,
            pltpu.SemaphoreType.DMA,
            pltpu.SemaphoreType.DMA,
            pltpu.SemaphoreType.DMA,
            pltpu.SemaphoreType.DMA,
            pltpu.SemaphoreType.DMA,
        ],
    )(embp, idx, p0)


def _combine_body(pos, n1, n2, n3, w, prop, nscal, out):
    wv = w[...]
    pos_loss = -jax.nn.log_sigmoid(pos[...])
    neg_loss = (-jax.nn.log_sigmoid(-n1[...])
                - jax.nn.log_sigmoid(-n2[...])
                - jax.nn.log_sigmoid(-n3[...]))
    graph_num = jnp.sum(wv * (pos_loss + neg_loss))
    wsum = jnp.sum(wv)
    prop_num = jnp.sum(prop[...])
    supervised = nscal[0] / jnp.maximum(nscal[1], 1.0)
    consistency = nscal[2] / jnp.maximum(nscal[3], 1.0)
    graph_loss = graph_num / jnp.maximum(wsum, 1e-8)
    propagation = prop_num / jnp.maximum(wsum, 1e-8)
    out[0] = (ALPHA * supervised + BETA * graph_loss
              + 0.1 * consistency + 0.2 * propagation)


def _combine(pos, n1, n2, n3, w, prop, nscal):
    return pl.pallas_call(
        _combine_body,
        out_shape=jax.ShapeDtypeStruct((1,), jnp.float32),
        in_specs=[
            pl.BlockSpec(memory_space=pltpu.VMEM),
            pl.BlockSpec(memory_space=pltpu.VMEM),
            pl.BlockSpec(memory_space=pltpu.VMEM),
            pl.BlockSpec(memory_space=pltpu.VMEM),
            pl.BlockSpec(memory_space=pltpu.VMEM),
            pl.BlockSpec(memory_space=pltpu.VMEM),
            pl.BlockSpec(memory_space=pltpu.SMEM),
        ],
        out_specs=pl.BlockSpec(memory_space=pltpu.SMEM),
    )(pos, n1, n2, n3, w, prop, nscal)


def kernel(logits, labels, node_embeddings, edge_indices, edge_weights,
           labeled_mask, unlabeled_mask):
    f32 = jnp.float32
    def padn(x):
        return jnp.pad(x.astype(f32), (0, NPAD - N)).reshape(NROW, 128)

    l0 = padn(logits[:, 0])
    l1 = padn(logits[:, 1])
    lab = padn(labels)
    lm = padn(labeled_mask)
    um = padn(unlabeled_mask)
    p0_pad, nscal = _node_losses(l0, l1, lab, lm, um)
    p0 = p0_pad.reshape(NPAD)[:N]

    embp = lax.bitcast_convert_type(
        node_embeddings.astype(jnp.bfloat16).reshape(N, DW, 2), jnp.int32)

    src = edge_indices[0].astype(jnp.int32)
    dst = edge_indices[1].astype(jnp.int32)
    neg = jax.random.randint(jax.random.key(12345), (E, NUM_NEG), 0, N)
    neg = neg.astype(jnp.int32)
    pad_e = EP - E
    w_pad = jnp.pad(edge_weights.astype(f32), (0, pad_e))
    wbits = lax.bitcast_convert_type(w_pad, jnp.int32)
    idx = jnp.stack([
        jnp.pad(src, (0, pad_e)),
        jnp.pad(dst, (0, pad_e)),
        jnp.pad(neg[:, 0], (0, pad_e)),
        jnp.pad(neg[:, 1], (0, pad_e)),
        jnp.pad(neg[:, 2], (0, pad_e)),
        wbits,
    ], axis=0)
    idx = idx.reshape(6, NW, NCH, B).transpose(1, 2, 0, 3).reshape(
        NW, NCH, 6 * B)

    scores, prop_part = _edge_scores(embp, idx, p0)

    s4 = scores.reshape(CHT, 4, B)
    pos = s4[:, 0, :].reshape(EP // 128, 128)
    n1 = s4[:, 1, :].reshape(EP // 128, 128)
    n2 = s4[:, 2, :].reshape(EP // 128, 128)
    n3 = s4[:, 3, :].reshape(EP // 128, 128)
    wfull = w_pad.reshape(EP // 128, 128)
    prop_in = jnp.pad(prop_part, ((0, 0), (0, 112)))
    total = _combine(pos, n1, n2, n3, wfull, prop_in, nscal)
    return total[0]

# --- scband reference (transcript-rebuilt; emitter-appended) ---
"""Pipeline reference for scband-semi-supervised-loss-78632261255934 (READ-ONLY COPY).

The authoritative reference and input builder live on the scoring server;
editing this copy changes nothing except your own understanding.
"""

import jax, jax.numpy as jnp
import numpy as np

ALPHA = 0.7
BETA = 0.3
TEMPERATURE = 0.1
CONF_TH = 0.8
NUM_NEG = 3


def setup_inputs(seed: int = 0) -> dict:
    key = jax.random.key(seed)
    ks = jax.random.split(key, 8)
    N, C, D, E = 10000, 2, 128, 320000
    logits = jax.random.normal(ks[0], (N, C), dtype=jnp.float32)
    labels = jax.random.randint(ks[1], (N,), 0, C).astype(jnp.int64)
    node_embeddings = jax.random.normal(ks[2], (N, D), dtype=jnp.float32)
    edge_indices = jax.random.randint(ks[3], (2, E), 0, N).astype(jnp.int64)
    edge_weights = jax.random.uniform(ks[4], (E,), dtype=jnp.float32)
    labeled_mask = jax.random.randint(ks[5], (N,), 0, 2).astype(jnp.bool_)
    unlabeled_mask = jax.random.randint(ks[6], (N,), 0, 2).astype(jnp.bool_)
    return {
        'logits': logits,
        'labels': labels,
        'node_embeddings': node_embeddings,
        'edge_indices': edge_indices,
        'edge_weights': edge_weights,
        'labeled_mask': labeled_mask,
        'unlabeled_mask': unlabeled_mask,
    }


def reference(logits, labels, node_embeddings, edge_indices, edge_weights,
              labeled_mask, unlabeled_mask):
    num_nodes, num_classes = logits.shape
    # ---- supervised cross-entropy over labeled nodes (mean reduction) ----
    logp = jax.nn.log_softmax(logits, axis=-1)
    ce = -jnp.take_along_axis(logp, labels[:, None].astype(jnp.int32), axis=1)[:, 0]
    lm = labeled_mask.astype(jnp.float32)
    supervised = jnp.sum(ce * lm) / jnp.maximum(jnp.sum(lm), 1.0)
    # ---- SemiGNN-style graph loss: skip-gram with negative sampling ----
    src = edge_indices[0]
    dst = edge_indices[1]
    e_src = jnp.take(node_embeddings, src, axis=0)   # [E, D] gather
    e_dst = jnp.take(node_embeddings, dst, axis=0)   # [E, D] gather
    pos_score = jnp.sum(e_src * e_dst, axis=-1)
    pos_loss = -jax.nn.log_sigmoid(pos_score)
    nkey = jax.random.key(12345)
    neg_idx = jax.random.randint(nkey, (src.shape[0], NUM_NEG), 0, num_nodes)
    e_neg = jnp.take(node_embeddings, neg_idx.reshape(-1), axis=0)
    e_neg = e_neg.reshape(src.shape[0], NUM_NEG, -1)  # [E, Q, D] gather
    neg_scores = jnp.einsum('ed,eqd->eq', e_src, e_neg)
    neg_loss = jnp.sum(-jax.nn.log_sigmoid(-neg_scores), axis=-1)
    w = edge_weights
    graph_loss = jnp.sum(w * (pos_loss + neg_loss)) / jnp.maximum(jnp.sum(w), 1e-8)
    # ---- consistency loss on confident unlabeled predictions ----
    probs = jax.nn.softmax(logits, axis=-1)
    conf = jnp.max(probs, axis=-1)
    um = unlabeled_mask.astype(jnp.float32) * (conf > CONF_TH).astype(jnp.float32)
    sharp = jax.lax.stop_gradient(jax.nn.softmax(logits / TEMPERATURE, axis=-1))
    cons_per = -jnp.sum(sharp * logp, axis=-1)
    consistency = jnp.sum(cons_per * um) / jnp.maximum(jnp.sum(um), 1.0)
    # ---- label-propagation smoothness over weighted edges ----
    p_src = jnp.take(probs, src, axis=0)
    p_dst = jnp.take(probs, dst, axis=0)
    smooth = jnp.sum((p_src - p_dst) ** 2, axis=-1)
    propagation = jnp.sum(w * smooth) / jnp.maximum(jnp.sum(w), 1e-8)
    total = ALPHA * supervised + BETA * graph_loss + 0.1 * consistency + 0.2 * propagation
    return total

if __name__ == "__main__":
    import jax
    _d = setup_inputs()
    print(jax.jit(kernel)(*tuple(_d.values())))

</pallas_src>

<mosaic_0001>
#map = affine_map<(d0, d1) -> (0, 0)>
#map1 = affine_map<(d0, d1) -> (0, 0, 0)>
#map2 = affine_map<(d0, d1) -> (0)>
module attributes {stable_mosaic.version = 14 : i64} {
  func.func @_edge_body(%arg0: i32, %arg1: i32, %arg2: memref<10000x64xi32, #tpu.memory_space<hbm>>, %arg3: memref<32x160x384xi32, #tpu.memory_space<hbm>>, %arg4: memref<10000xf32, #tpu.memory_space<hbm>>, %arg5: memref<5120x256xf32, #tpu.memory_space<hbm>>, %arg6: memref<32x16xf32, #tpu.memory_space<hbm>>, %arg7: memref<10000x64xi32, #tpu.memory_space<vmem_shared>>, %arg8: memref<10000xf32, #tpu.memory_space<vmem>>, %arg9: memref<384xi32, #tpu.memory_space<vmem>>, %arg10: memref<384xi32, #tpu.memory_space<vmem>>, %arg11: memref<64x64xi32, #tpu.memory_space<vmem>>, %arg12: memref<64x64xi32, #tpu.memory_space<vmem>>, %arg13: memref<64x64xi32, #tpu.memory_space<vmem>>, %arg14: memref<64x64xi32, #tpu.memory_space<vmem>>, %arg15: memref<64x64xi32, #tpu.memory_space<vmem>>, %arg16: memref<64x64xi32, #tpu.memory_space<vmem>>, %arg17: memref<64x64xi32, #tpu.memory_space<vmem>>, %arg18: memref<64x64xi32, #tpu.memory_space<vmem>>, %arg19: memref<64x64xi32, #tpu.memory_space<vmem>>, %arg20: memref<64x64xi32, #tpu.memory_space<vmem>>, %arg21: memref<256xf32, #tpu.memory_space<vmem>>, %arg22: memref<256xf32, #tpu.memory_space<vmem>>, %arg23: memref<16xf32, #tpu.memory_space<vmem>>, %arg24: memref<!tpu.dma_semaphore, #tpu.memory_space<semaphore_mem>>, %arg25: memref<!tpu.dma_semaphore, #tpu.memory_space<semaphore_mem>>, %arg26: memref<!tpu.dma_semaphore, #tpu.memory_space<semaphore_mem>>, %arg27: memref<!tpu.dma_semaphore, #tpu.memory_space<semaphore_mem>>, %arg28: memref<!tpu.dma_semaphore, #tpu.memory_space<semaphore_mem>>, %arg29: memref<!tpu.dma_semaphore, #tpu.memory_space<semaphore_mem>>) attributes {dimension_semantics = [#tpu.dimension_semantics<core_parallel>, #tpu.dimension_semantics<subcore_parallel>], iteration_bounds = array<i64: 2, 16>, scalar_prefetch = 0 : i64, scratch_operands = 23 : i64, tpu.core_type = #tpu.core_type<sc_vector_subcore>, window_params = [{transform_indices = #map}, {transform_indices = #map1}, {transform_indices = #map2}, {transform_indices = #map}, {transform_indices = #map}]} {
    %mul3A = arith.constant 2 : i32
    %mul3A_0 = arith.muli %arg1, %mul3A : i32
    %add3A = arith.addi %mul3A_0, %arg0 : i32
    %eq3A = arith.constant 0 : i32
    %eq3A_1 = arith.cmpi eq, %arg1, %eq3A : i32
    %convert_element_type3A = arith.extui %eq3A_1 : i1 to i32
    %cond3A = arith.constant 0 : i32
    %cond3A_2 = arith.cmpi ne, %convert_element_type3A, %cond3A : i32
    scf.if %cond3A_2 {
      "tpu.region"() ({
        %run_scoped3A_57 = tpu.sem_alloc : memref<!tpu.dma_semaphore, #tpu.memory_space<semaphore_mem>>
        tpu.enqueue_dma source(%arg2 : memref<10000x64xi32, #tpu.memory_space<hbm>>) target(%arg7 : memref<10000x64xi32, #tpu.memory_space<vmem_shared>>) target_semaphore(%run_scoped3A_57 : memref<!tpu.dma_semaphore, #tpu.memory_space<semaphore_mem>>)
        tpu.wait_dma2 semaphore(%run_scoped3A_57 : memref<!tpu.dma_semaphore, #tpu.memory_space<semaphore_mem>>) src(%arg2 : memref<10000x64xi32, #tpu.memory_space<hbm>>) dst(%arg7 : memref<10000x64xi32, #tpu.memory_space<vmem_shared>>)
        tpu.yield
      }) : () -> ()
    } else {
    }
    "tpu.region"() ({
      %run_scoped3A_57 = tpu.sem_alloc : memref<!tpu.dma_semaphore, #tpu.memory_space<semaphore_mem>>
      tpu.enqueue_dma source(%arg4 : memref<10000xf32, #tpu.memory_space<hbm>>) target(%arg8 : memref<10000xf32, #tpu.memory_space<vmem>>) target_semaphore(%run_scoped3A_57 : memref<!tpu.dma_semaphore, #tpu.memory_space<semaphore_mem>>)
      tpu.wait_dma2 semaphore(%run_scoped3A_57 : memref<!tpu.dma_semaphore, #tpu.memory_space<semaphore_mem>>) src(%arg4 : memref<10000xf32, #tpu.memory_space<hbm>>) dst(%arg8 : memref<10000xf32, #tpu.memory_space<vmem>>)
      tpu.yield
    }) : () -> ()
    %barrier3A = arith.constant 0 : index
    tpu.barrier barrier_id(%barrier3A)
    %iota3A = tpu.iota {dimensions = array<i32: 0>} : vector<16xi32>
    %eq3A_3 = arith.constant 15 : i32
    %eq3A_4 = vector.broadcast %eq3A_3 : i32 to vector<16xi32>
    %eq3A_5 = arith.cmpi eq, %iota3A, %eq3A_4 : vector<16xi32>
    %run_scoped3A = arith.constant 0 : i32
    "tpu.region"() ({
      %run_scoped3A_57 = tpu.sem_alloc : memref<!tpu.dma_semaphore, #tpu.memory_space<semaphore_mem>>
      %dma_start3A_58 = arith.constant 0 : i32
      %dma_start3A_59 = tpu.memref_slice %arg3[%add3A, %run_scoped3A, %dma_start3A_58] : memref<32x160x384xi32, #tpu.memory_space<hbm>> -> memref<1x1x384xi32, #tpu.memory_space<hbm>>
      %dma_start3A_60 = tpu.memref_squeeze %dma_start3A_59 : memref<1x1x384xi32, #tpu.memory_space<hbm>> -> memref<384xi32, #tpu.memory_space<hbm>>
      %dma_start3A_61 = arith.constant 0 : i32
      %dma_start3A_62 = tpu.memref_slice %arg3[%add3A, %run_scoped3A, %dma_start3A_61] : memref<32x160x384xi32, #tpu.memory_space<hbm>> -> memref<1x1x384xi32, #tpu.memory_space<hbm>>
      %dma_start3A_63 = tpu.memref_squeeze %dma_start3A_62 : memref<1x1x384xi32, #tpu.memory_space<hbm>> -> memref<384xi32, #tpu.memory_space<hbm>>
      tpu.enqueue_dma source(%dma_start3A_63 : memref<384xi32, #tpu.memory_space<hbm>>) target(%arg9 : memref<384xi32, #tpu.memory_space<vmem>>) target_semaphore(%run_scoped3A_57 : memref<!tpu.dma_semaphore, #tpu.memory_space<semaphore_mem>>)
      %dma_wait3A_64 = arith.constant 0 : i32
      %dma_wait3A_65 = tpu.memref_slice %arg3[%add3A, %run_scoped3A, %dma_wait3A_64] : memref<32x160x384xi32, #tpu.memory_space<hbm>> -> memref<1x1x384xi32, #tpu.memory_space<hbm>>
      %dma_wait3A_66 = tpu.memref_squeeze %dma_wait3A_65 : memref<1x1x384xi32, #tpu.memory_space<hbm>> -> memref<384xi32, #tpu.memory_space<hbm>>
      %dma_wait3A_67 = arith.constant 0 : i32
      %dma_wait3A_68 = tpu.memref_slice %arg3[%add3A, %run_scoped3A, %dma_wait3A_67] : memref<32x160x384xi32, #tpu.memory_space<hbm>> -> memref<1x1x384xi32, #tpu.memory_space<hbm>>
      %dma_wait3A_69 = tpu.memref_squeeze %dma_wait3A_68 : memref<1x1x384xi32, #tpu.memory_space<hbm>> -> memref<384xi32, #tpu.memory_space<hbm>>
      tpu.wait_dma2 semaphore(%run_scoped3A_57 : memref<!tpu.dma_semaphore, #tpu.memory_space<semaphore_mem>>) src(%dma_wait3A_69 : memref<384xi32, #tpu.memory_space<hbm>>) dst(%arg9 : memref<384xi32, #tpu.memory_space<vmem>>)
      tpu.yield
    }) : () -> ()
    %dma_start3A = arith.constant 0 : i32
    %dma_start3A_6 = tpu.memref_slice %arg9[%dma_start3A] : memref<384xi32, #tpu.memory_space<vmem>> -> memref<64xi32, #tpu.memory_space<vmem>>
    %dma_start3A_7 = arith.constant 0 : i32
    %dma_start3A_8 = arith.constant 0 : i32
    %dma_start3A_9 = tpu.memref_slice %arg7[%dma_start3A_7, %dma_start3A_8] : memref<10000x64xi32, #tpu.memory_space<vmem_shared>> -> memref<10000x64xi32, #tpu.memory_space<vmem_shared>>
    tpu.enqueue_indirect_dma source(%dma_start3A_9 : memref<10000x64xi32, #tpu.memory_space<vmem_shared>>) target(%arg11 : memref<64x64xi32, #tpu.memory_space<vmem>>) offsets(%dma_start3A_6 : memref<64xi32, #tpu.memory_space<vmem>>) semaphore(%arg26 : memref<!tpu.dma_semaphore, #tpu.memory_space<semaphore_mem>>)
    %dma_start3A_10 = arith.constant 64 : i32
    %dma_start3A_11 = tpu.memref_slice %arg9[%dma_start3A_10] : memref<384xi32, #tpu.memory_space<vmem>> -> memref<64xi32, #tpu.memory_space<vmem>>
    %dma_start3A_12 = arith.constant 0 : i32
    %dma_start3A_13 = arith.constant 0 : i32
    %dma_start3A_14 = tpu.memref_slice %arg7[%dma_start3A_12, %dma_start3A_13] : memref<10000x64xi32, #tpu.memory_space<vmem_shared>> -> memref<10000x64xi32, #tpu.memory_space<vmem_shared>>
    tpu.enqueue_indirect_dma source(%dma_start3A_14 : memref<10000x64xi32, #tpu.memory_space<vmem_shared>>) target(%arg12 : memref<64x64xi32, #tpu.memory_space<vmem>>) offsets(%dma_start3A_11 : memref<64xi32, #tpu.memory_space<vmem>>) semaphore(%arg26 : memref<!tpu.dma_semaphore, #tpu.memory_space<semaphore_mem>>)
    %dma_start3A_15 = arith.constant 128 : i32
    %dma_start3A_16 = tpu.memref_slice %arg9[%dma_start3A_15] : memref<384xi32, #tpu.memory_space<vmem>> -> memref<64xi32, #tpu.memory_space<vmem>>
    %dma_start3A_17 = arith.constant 0 : i32
    %dma_start3A_18 = arith.constant 0 : i32
    %dma_start3A_19 = tpu.memref_slice %arg7[%dma_start3A_17, %dma_start3A_18] : memref<10000x64xi32, #tpu.memory_space<vmem_shared>> -> memref<10000x64xi32, #tpu.memory_space<vmem_shared>>
    tpu.enqueue_indirect_dma source(%dma_start3A_19 : memref<10000x64xi32, #tpu.memory_space<vmem_shared>>) target(%arg13 : memref<64x64xi32, #tpu.memory_space<vmem>>) offsets(%dma_start3A_16 : memref<64xi32, #tpu.memory_space<vmem>>) semaphore(%arg26 : memref<!tpu.dma_semaphore, #tpu.memory_space<semaphore_mem>>)
    %dma_start3A_20 = arith.constant 192 : i32
    %dma_start3A_21 = tpu.memref_slice %arg9[%dma_start3A_20] : memref<384xi32, #tpu.memory_space<vmem>> -> memref<64xi32, #tpu.memory_space<vmem>>
    %dma_start3A_22 = arith.constant 0 : i32
    %dma_start3A_23 = arith.constant 0 : i32
    %dma_start3A_24 = tpu.memref_slice %arg7[%dma_start3A_22, %dma_start3A_23] : memref<10000x64xi32, #tpu.memory_space<vmem_shared>> -> memref<10000x64xi32, #tpu.memory_space<vmem_shared>>
    tpu.enqueue_indirect_dma source(%dma_start3A_24 : memref<10000x64xi32, #tpu.memory_space<vmem_shared>>) target(%arg14 : memref<64x64xi32, #tpu.memory_space<vmem>>) offsets(%dma_start3A_21 : memref<64xi32, #tpu.memory_space<vmem>>) semaphore(%arg26 : memref<!tpu.dma_semaphore, #tpu.memory_space<semaphore_mem>>)
    %dma_start3A_25 = arith.constant 256 : i32
    %dma_start3A_26 = tpu.memref_slice %arg9[%dma_start3A_25] : memref<384xi32, #tpu.memory_space<vmem>> -> memref<64xi32, #tpu.memory_space<vmem>>
    %dma_start3A_27 = arith.constant 0 : i32
    %dma_start3A_28 = arith.constant 0 : i32
    %dma_start3A_29 = tpu.memref_slice %arg7[%dma_start3A_27, %dma_start3A_28] : memref<10000x64xi32, #tpu.memory_space<vmem_shared>> -> memref<10000x64xi32, #tpu.memory_space<vmem_shared>>
    tpu.enqueue_indirect_dma source(%dma_start3A_29 : memref<10000x64xi32, #tpu.memory_space<vmem_shared>>) target(%arg15 : memref<64x64xi32, #tpu.memory_space<vmem>>) offsets(%dma_start3A_26 : memref<64xi32, #tpu.memory_space<vmem>>) semaphore(%arg26 : memref<!tpu.dma_semaphore, #tpu.memory_space<semaphore_mem>>)
    %dma_start3A_30 = arith.constant 1 : i32
    %dma_start3A_31 = arith.constant 0 : i32
    %dma_start3A_32 = tpu.memref_slice %arg3[%add3A, %dma_start3A_30, %dma_start3A_31] : memref<32x160x384xi32, #tpu.memory_space<hbm>> -> memref<1x1x384xi32, #tpu.memory_space<hbm>>
    %dma_start3A_33 = tpu.memref_squeeze %dma_start3A_32 : memref<1x1x384xi32, #tpu.memory_space<hbm>> -> memref<384xi32, #tpu.memory_space<hbm>>
    %dma_start3A_34 = arith.constant 0 : i32
    %dma_start3A_35 = tpu.memref_slice %arg3[%add3A, %dma_start3A_30, %dma_start3A_34] : memref<32x160x384xi32, #tpu.memory_space<hbm>> -> memref<1x1x384xi32, #tpu.memory_space<hbm>>
    %dma_start3A_36 = tpu.memref_squeeze %dma_start3A_35 : memref<1x1x384xi32, #tpu.memory_space<hbm>> -> memref<384xi32, #tpu.memory_space<hbm>>
    tpu.enqueue_dma source(%dma_start3A_36 : memref<384xi32, #tpu.memory_space<hbm>>) target(%arg10 : memref<384xi32, #tpu.memory_space<vmem>>) target_semaphore(%arg25 : memref<!tpu.dma_semaphore, #tpu.memory_space<semaphore_mem>>)
    %broadcast_in_dim3A = arith.constant 0.000000e+00 : f32
    %broadcast_in_dim3A_37 = vector.broadcast %broadcast_in_dim3A : f32 to vector<16xf32>
    %scan3A = arith.constant 0 : i32
    %scan3A_38 = arith.constant 80 : i32
    %scan3A_39 = arith.addi %scan3A, %scan3A_38 : i32
    %scan3A_40 = arith.constant 1 : i32
    %scan3A_41 = scf.for %scan3A_57 = %scan3A to %scan3A_39 step %scan3A_40 iter_args(%scan3A_58 = %broadcast_in_dim3A_37) -> (vector<16xf32>)  : i32 {
      %mul3A_59 = arith.constant 2 : i32
      %mul3A_60 = arith.muli %mul3A_59, %scan3A_57 : i32
      %mul3A_61 = arith.constant 2 : i32
      %mul3A_62 = arith.muli %mul3A_61, %scan3A_57 : i32
      %add3A_63 = arith.constant 1 : i32
      %add3A_64 = arith.addi %mul3A_62, %add3A_63 : i32
      %dma_wait3A_65 = arith.constant 0 : i32
      %dma_wait3A_66 = tpu.memref_slice %arg9[%dma_wait3A_65] : memref<384xi32, #tpu.memory_space<vmem>> -> memref<64xi32, #tpu.memory_space<vmem>>
      %dma_wait3A_67 = arith.constant 0 : i32
      %dma_wait3A_68 = arith.constant 0 : i32
      %dma_wait3A_69 = tpu.memref_slice %arg2[%dma_wait3A_67, %dma_wait3A_68] : memref<10000x64xi32, #tpu.memory_space<hbm>> -> memref<10000x64xi32, #tpu.memory_space<hbm>>
      tpu.wait_indirect_dma semaphore(%arg26 : memref<!tpu.dma_semaphore, #tpu.memory_space<semaphore_mem>>) src(%dma_wait3A_69 : memref<10000x64xi32, #tpu.memory_space<hbm>>) dst(%arg11 : memref<64x64xi32, #tpu.memory_space<vmem>>)
      %dma_wait3A_70 = arith.constant 0 : i32
      %dma_wait3A_71 = tpu.memref_slice %arg9[%dma_wait3A_70] : memref<384xi32, #tpu.memory_space<vmem>> -> memref<64xi32, #tpu.memory_space<vmem>>
      %dma_wait3A_72 = arith.constant 0 : i32
      %dma_wait3A_73 = arith.constant 0 : i32
      %dma_wait3A_74 = tpu.memref_slice %arg2[%dma_wait3A_72, %dma_wait3A_73] : memref<10000x64xi32, #tpu.memory_space<hbm>> -> memref<10000x64xi32, #tpu.memory_space<hbm>>
      tpu.wait_indirect_dma semaphore(%arg26 : memref<!tpu.dma_semaphore, #tpu.memory_space<semaphore_mem>>) src(%dma_wait3A_74 : memref<10000x64xi32, #tpu.memory_space<hbm>>) dst(%arg12 : memref<64x64xi32, #tpu.memory_space<vmem>>)
      %dma_wait3A_75 = arith.constant 0 : i32
      %dma_wait3A_76 = tpu.memref_slice %arg9[%dma_wait3A_75] : memref<384xi32, #tpu.memory_space<vmem>> -> memref<64xi32, #tpu.memory_space<vmem>>
      %dma_wait3A_77 = arith.constant 0 : i32
      %dma_wait3A_78 = arith.constant 0 : i32
      %dma_wait3A_79 = tpu.memref_slice %arg2[%dma_wait3A_77, %dma_wait3A_78] : memref<10000x64xi32, #tpu.memory_space<hbm>> -> memref<10000x64xi32, #tpu.memory_space<hbm>>
      tpu.wait_indirect_dma semaphore(%arg26 : memref<!tpu.dma_semaphore, #tpu.memory_space<semaphore_mem>>) src(%dma_wait3A_79 : memref<10000x64xi32, #tpu.memory_space<hbm>>) dst(%arg13 : memref<64x64xi32, #tpu.memory_space<vmem>>)
      %dma_wait3A_80 = arith.constant 0 : i32
      %dma_wait3A_81 = tpu.memref_slice %arg9[%dma_wait3A_80] : memref<384xi32, #tpu.memory_space<vmem>> -> memref<64xi32, #tpu.memory_space<vmem>>
      %dma_wait3A_82 = arith.constant 0 : i32
      %dma_wait3A_83 = arith.constant 0 : i32
      %dma_wait3A_84 = tpu.memref_slice %arg2[%dma_wait3A_82, %dma_wait3A_83] : memref<10000x64xi32, #tpu.memory_space<hbm>> -> memref<10000x64xi32, #tpu.memory_space<hbm>>
      tpu.wait_indirect_dma semaphore(%arg26 : memref<!tpu.dma_semaphore, #tpu.memory_space<semaphore_mem>>) src(%dma_wait3A_84 : memref<10000x64xi32, #tpu.memory_space<hbm>>) dst(%arg14 : memref<64x64xi32, #tpu.memory_space<vmem>>)
      %dma_wait3A_85 = arith.constant 0 : i32
      %dma_wait3A_86 = tpu.memref_slice %arg9[%dma_wait3A_85] : memref<384xi32, #tpu.memory_space<vmem>> -> memref<64xi32, #tpu.memory_space<vmem>>
      %dma_wait3A_87 = arith.constant 0 : i32
      %dma_wait3A_88 = arith.constant 0 : i32
      %dma_wait3A_89 = tpu.memref_slice %arg2[%dma_wait3A_87, %dma_wait3A_88] : memref<10000x64xi32, #tpu.memory_space<hbm>> -> memref<10000x64xi32, #tpu.memory_space<hbm>>
      tpu.wait_indirect_dma semaphore(%arg26 : memref<!tpu.dma_semaphore, #tpu.memory_space<semaphore_mem>>) src(%dma_wait3A_89 : memref<10000x64xi32, #tpu.memory_space<hbm>>) dst(%arg15 : memref<64x64xi32, #tpu.memory_space<vmem>>)
      %dma_wait3A_90 = arith.constant 0 : i32
      %dma_wait3A_91 = arith.constant 0 : i32
      %dma_wait3A_92 = tpu.memref_slice %arg3[%add3A, %dma_wait3A_90, %dma_wait3A_91] : memref<32x160x384xi32, #tpu.memory_space<hbm>> -> memref<1x1x384xi32, #tpu.memory_space<hbm>>
      %dma_wait3A_93 = tpu.memref_squeeze %dma_wait3A_92 : memref<1x1x384xi32, #tpu.memory_space<hbm>> -> memref<384xi32, #tpu.memory_space<hbm>>
      %dma_wait3A_94 = arith.constant 0 : i32
      %dma_wait3A_95 = tpu.memref_slice %arg3[%add3A, %dma_wait3A_90, %dma_wait3A_94] : memref<32x160x384xi32, #tpu.memory_space<hbm>> -> memref<1x1x384xi32, #tpu.memory_space<hbm>>
      %dma_wait3A_96 = tpu.memref_squeeze %dma_wait3A_95 : memref<1x1x384xi32, #tpu.memory_space<hbm>> -> memref<384xi32, #tpu.memory_space<hbm>>
      tpu.wait_dma2 semaphore(%arg25 : memref<!tpu.dma_semaphore, #tpu.memory_space<semaphore_mem>>) src(%dma_wait3A_96 : memref<384xi32, #tpu.memory_space<hbm>>) dst(%arg10 : memref<384xi32, #tpu.memory_space<vmem>>)
      %dma_start3A_97 = arith.constant 0 : i32
      %dma_start3A_98 = tpu.memref_slice %arg10[%dma_start3A_97] : memref<384xi32, #tpu.memory_space<vmem>> -> memref<64xi32, #tpu.memory_space<vmem>>
      %dma_start3A_99 = arith.constant 0 : i32
      %dma_start3A_100 = arith.constant 0 : i32
      %dma_start3A_101 = tpu.memref_slice %arg7[%dma_start3A_99, %dma_start3A_100] : memref<10000x64xi32, #tpu.memory_space<vmem_shared>> -> memref<10000x64xi32, #tpu.memory_space<vmem_shared>>
      tpu.enqueue_indirect_dma source(%dma_start3A_101 : memref<10000x64xi32, #tpu.memory_space<vmem_shared>>) target(%arg16 : memref<64x64xi32, #tpu.memory_space<vmem>>) offsets(%dma_start3A_98 : memref<64xi32, #tpu.memory_space<vmem>>) semaphore(%arg27 : memref<!tpu.dma_semaphore, #tpu.memory_space<semaphore_mem>>)
      %dma_start3A_102 = arith.constant 64 : i32
      %dma_start3A_103 = tpu.memref_slice %arg10[%dma_start3A_102] : memref<384xi32, #tpu.memory_space<vmem>> -> memref<64xi32, #tpu.memory_space<vmem>>
      %dma_start3A_104 = arith.constant 0 : i32
      %dma_start3A_105 = arith.constant 0 : i32
      %dma_start3A_106 = tpu.memref_slice %arg7[%dma_start3A_104, %dma_start3A_105] : memref<10000x64xi32, #tpu.memory_space<vmem_shared>> -> memref<10000x64xi32, #tpu.memory_space<vmem_shared>>
      tpu.enqueue_indirect_dma source(%dma_start3A_106 : memref<10000x64xi32, #tpu.memory_space<vmem_shared>>) target(%arg17 : memref<64x64xi32, #tpu.memory_space<vmem>>) offsets(%dma_start3A_103 : memref<64xi32, #tpu.memory_space<vmem>>) semaphore(%arg27 : memref<!tpu.dma_semaphore, #tpu.memory_space<semaphore_mem>>)
      %dma_start3A_107 = arith.constant 128 : i32
      %dma_start3A_108 = tpu.memref_slice %arg10[%dma_start3A_107] : memref<384xi32, #tpu.memory_space<vmem>> -> memref<64xi32, #tpu.memory_space<vmem>>
      %dma_start3A_109 = arith.constant 0 : i32
      %dma_start3A_110 = arith.constant 0 : i32
      %dma_start3A_111 = tpu.memref_slice %arg7[%dma_start3A_109, %dma_start3A_110] : memref<10000x64xi32, #tpu.memory_space<vmem_shared>> -> memref<10000x64xi32, #tpu.memory_space<vmem_shared>>
      tpu.enqueue_indirect_dma source(%dma_start3A_111 : memref<10000x64xi32, #tpu.memory_space<vmem_shared>>) target(%arg18 : memref<64x64xi32, #tpu.memory_space<vmem>>) offsets(%dma_start3A_108 : memref<64xi32, #tpu.memory_space<vmem>>) semaphore(%arg27 : memref<!tpu.dma_semaphore, #tpu.memory_space<semaphore_mem>>)
      %dma_start3A_112 = arith.constant 192 : i32
      %dma_start3A_113 = tpu.memref_slice %arg10[%dma_start3A_112] : memref<384xi32, #tpu.memory_space<vmem>> -> memref<64xi32, #tpu.memory_space<vmem>>
      %dma_start3A_114 = arith.constant 0 : i32
      %dma_start3A_115 = arith.constant 0 : i32
      %dma_start3A_116 = tpu.memref_slice %arg7[%dma_start3A_114, %dma_start3A_115] : memref<10000x64xi32, #tpu.memory_space<vmem_shared>> -> memref<10000x64xi32, #tpu.memory_space<vmem_shared>>
      tpu.enqueue_indirect_dma source(%dma_start3A_116 : memref<10000x64xi32, #tpu.memory_space<vmem_shared>>) target(%arg19 : memref<64x64xi32, #tpu.memory_space<vmem>>) offsets(%dma_start3A_113 : memref<64xi32, #tpu.memory_space<vmem>>) semaphore(%arg27 : memref<!tpu.dma_semaphore, #tpu.memory_space<semaphore_mem>>)
      %dma_start3A_117 = arith.constant 256 : i32
      %dma_start3A_118 = tpu.memref_slice %arg10[%dma_start3A_117] : memref<384xi32, #tpu.memory_space<vmem>> -> memref<64xi32, #tpu.memory_space<vmem>>
      %dma_start3A_119 = arith.constant 0 : i32
      %dma_start3A_120 = arith.constant 0 : i32
      %dma_start3A_121 = tpu.memref_slice %arg7[%dma_start3A_119, %dma_start3A_120] : memref<10000x64xi32, #tpu.memory_space<vmem_shared>> -> memref<10000x64xi32, #tpu.memory_space<vmem_shared>>
      tpu.enqueue_indirect_dma source(%dma_start3A_121 : memref<10000x64xi32, #tpu.memory_space<vmem_shared>>) target(%arg20 : memref<64x64xi32, #tpu.memory_space<vmem>>) offsets(%dma_start3A_118 : memref<64xi32, #tpu.memory_space<vmem>>) semaphore(%arg27 : memref<!tpu.dma_semaphore, #tpu.memory_space<semaphore_mem>>)
      %scan3A_122 = arith.constant 0 : i32
      %scan3A_123 = arith.constant 4 : i32
      %scan3A_124 = arith.addi %scan3A_122, %scan3A_123 : i32
      %scan3A_125 = arith.constant 2 : i32
      %scan3A_126 = scf.for %scan3A_212 = %scan3A_122 to %scan3A_124 step %scan3A_125 iter_args(%scan3A_213 = %scan3A_58) -> (vector<16xf32>)  : i32 {
        %mul3A_214 = arith.constant 16 : i32
        %mul3A_215 = arith.muli %scan3A_212, %mul3A_214 : i32
        %get3A = arith.index_cast %mul3A_215 : i32 to index
        %get3A_216 = tpu.vector_load %arg9[%get3A] {strides = array<i32>} : memref<384xi32, #tpu.memory_space<vmem>>, vector<16xi32>,
        %mul3A_217 = arith.constant 16 : i32
        %mul3A_218 = arith.muli %scan3A_212, %mul3A_217 : i32
        %add3A_219 = arith.constant 64 : i32
        %add3A_220 = arith.addi %add3A_219, %mul3A_218 : i32
        %get3A_221 = arith.index_cast %add3A_220 : i32 to index
        %get3A_222 = tpu.vector_load %arg9[%get3A_221] {strides = array<i32>} : memref<384xi32, #tpu.memory_space<vmem>>, vector<16xi32>,
        %mul3A_223 = arith.constant 16 : i32
        %mul3A_224 = arith.muli %scan3A_212, %mul3A_223 : i32
        %add3A_225 = arith.constant 320 : i32
        %add3A_226 = arith.addi %add3A_225, %mul3A_224 : i32
        %get3A_227 = arith.index_cast %add3A_226 : i32 to index
        %get3A_228 = tpu.vector_load %arg9[%get3A_227] {strides = array<i32>} : memref<384xi32, #tpu.memory_space<vmem>>, vector<16xi32>,
        %bitcast3A = vector.bitcast %get3A_228 : vector<16xi32> to vector<16xf32>
        %gather3A = tpu.vector_load_idx %arg8[%get3A_216] : memref<10000xf32, #tpu.memory_space<vmem>>[vector<16xi32>], vector<16xf32>,
        %gather3A_229 = tpu.vector_load_idx %arg8[%get3A_222] : memref<10000xf32, #tpu.memory_space<vmem>>[vector<16xi32>], vector<16xf32>,
        %sub3A = arith.subf %gather3A, %gather3A_229 : vector<16xf32>
        %mul3A_230 = arith.mulf %sub3A, %sub3A : vector<16xf32>
        %mul3A_231 = arith.constant 2.000000e+00 : f32
        %mul3A_232 = vector.broadcast %mul3A_231 : f32 to vector<16xf32>
        %mul3A_233 = arith.mulf %mul3A_230, %mul3A_232 : vector<16xf32>
        %mul3A_234 = arith.mulf %bitcast3A, %mul3A_233 : vector<16xf32>
        %add3A_235 = arith.addf %scan3A_213, %mul3A_234 : vector<16xf32>
        %scan3A_236 = arith.constant 1 : i32
        %scan3A_237 = arith.addi %scan3A_212, %scan3A_236 : i32
        %mul3A_238 = arith.constant 16 : i32
        %mul3A_239 = arith.muli %scan3A_237, %mul3A_238 : i32
        %get3A_240 = arith.index_cast %mul3A_239 : i32 to index
        %get3A_241 = tpu.vector_load %arg9[%get3A_240] {strides = array<i32>} : memref<384xi32, #tpu.memory_space<vmem>>, vector<16xi32>,
        %mul3A_242 = arith.constant 16 : i32
        %mul3A_243 = arith.muli %scan3A_237, %mul3A_242 : i32
        %add3A_244 = arith.constant 64 : i32
        %add3A_245 = arith.addi %add3A_244, %mul3A_243 : i32
        %get3A_246 = arith.index_cast %add3A_245 : i32 to index
        %get3A_247 = tpu.vector_load %arg9[%get3A_246] {strides = array<i32>} : memref<384xi32, #tpu.memory_space<vmem>>, vector<16xi32>,
        %mul3A_248 = arith.constant 16 : i32
        %mul3A_249 = arith.muli %scan3A_237, %mul3A_248 : i32
        %add3A_250 = arith.constant 320 : i32
        %add3A_251 = arith.addi %add3A_250, %mul3A_249 : i32
        %get3A_252 = arith.index_cast %add3A_251 : i32 to index
        %get3A_253 = tpu.vector_load %arg9[%get3A_252] {strides = array<i32>} : memref<384xi32, #tpu.memory_space<vmem>>, vector<16xi32>,
        %bitcast3A_254 = vector.bitcast %get3A_253 : vector<16xi32> to vector<16xf32>
        %gather3A_255 = tpu.vector_load_idx %arg8[%get3A_241] : memref<10000xf32, #tpu.memory_space<vmem>>[vector<16xi32>], vector<16xf32>,
        %gather3A_256 = tpu.vector_load_idx %arg8[%get3A_247] : memref<10000xf32, #tpu.memory_space<vmem>>[vector<16xi32>], vector<16xf32>,
        %sub3A_257 = arith.subf %gather3A_255, %gather3A_256 : vector<16xf32>
        %mul3A_258 = arith.mulf %sub3A_257, %sub3A_257 : vector<16xf32>
        %mul3A_259 = arith.constant 2.000000e+00 : f32
        %mul3A_260 = vector.broadcast %mul3A_259 : f32 to vector<16xf32>
        %mul3A_261 = arith.mulf %mul3A_258, %mul3A_260 : vector<16xf32>
        %mul3A_262 = arith.mulf %bitcast3A_254, %mul3A_261 : vector<16xf32>
        %add3A_263 = arith.addf %add3A_235, %mul3A_262 : vector<16xf32>
        scf.yield %add3A_263 : vector<16xf32>
      }
      %scan3A_127 = arith.constant 4 : i32
      %lt3A = arith.constant 79 : i32
      %lt3A_128 = arith.cmpi slt, %scan3A_57, %lt3A : i32
      %convert_element_type3A_129 = arith.extui %lt3A_128 : i1 to i32
      %cond3A_130 = arith.constant 0 : i32
      %cond3A_131 = arith.cmpi ne, %convert_element_type3A_129, %cond3A_130 : i32
      scf.if %cond3A_131 {
        %add3A_212 = arith.constant 2 : i32
        %add3A_213 = arith.addi %mul3A_60, %add3A_212 : i32
        %dma_start3A_214 = arith.constant 0 : i32
        %dma_start3A_215 = tpu.memref_slice %arg3[%add3A, %add3A_213, %dma_start3A_214] : memref<32x160x384xi32, #tpu.memory_space<hbm>> -> memref<1x1x384xi32, #tpu.memory_space<hbm>>
        %dma_start3A_216 = tpu.memref_squeeze %dma_start3A_215 : memref<1x1x384xi32, #tpu.memory_space<hbm>> -> memref<384xi32, #tpu.memory_space<hbm>>
        %dma_start3A_217 = arith.constant 0 : i32
        %dma_start3A_218 = tpu.memref_slice %arg3[%add3A, %add3A_213, %dma_start3A_217] : memref<32x160x384xi32, #tpu.memory_space<hbm>> -> memref<1x1x384xi32, #tpu.memory_space<hbm>>
        %dma_start3A_219 = tpu.memref_squeeze %dma_start3A_218 : memref<1x1x384xi32, #tpu.memory_space<hbm>> -> memref<384xi32, #tpu.memory_space<hbm>>
        tpu.enqueue_dma source(%dma_start3A_219 : memref<384xi32, #tpu.memory_space<hbm>>) target(%arg9 : memref<384xi32, #tpu.memory_space<vmem>>) target_semaphore(%arg24 : memref<!tpu.dma_semaphore, #tpu.memory_space<semaphore_mem>>)
      } else {
      }
      %gt3A = arith.constant 0 : i32
      %gt3A_132 = arith.cmpi sgt, %scan3A_57, %gt3A : i32
      %convert_element_type3A_133 = arith.extui %gt3A_132 : i1 to i32
      %cond3A_134 = arith.constant 0 : i32
      %cond3A_135 = arith.cmpi ne, %convert_element_type3A_133, %cond3A_134 : i32
      scf.if %cond3A_135 {
        %dma_wait3A_212 = arith.constant 0 : i32
        %dma_wait3A_213 = arith.constant 0 : i32
        %dma_wait3A_214 = tpu.memref_slice %arg3[%add3A, %dma_wait3A_212, %dma_wait3A_213] : memref<32x160x384xi32, #tpu.memory_space<hbm>> -> memref<1x1x384xi32, #tpu.memory_space<hbm>>
        %dma_wait3A_215 = tpu.memref_squeeze %dma_wait3A_214 : memref<1x1x384xi32, #tpu.memory_space<hbm>> -> memref<384xi32, #tpu.memory_space<hbm>>
        %dma_wait3A_216 = arith.constant 0 : i32
        %dma_wait3A_217 = tpu.memref_slice %arg3[%add3A, %dma_wait3A_212, %dma_wait3A_216] : memref<32x160x384xi32, #tpu.memory_space<hbm>> -> memref<1x1x384xi32, #tpu.memory_space<hbm>>
        %dma_wait3A_218 = tpu.memref_squeeze %dma_wait3A_217 : memref<1x1x384xi32, #tpu.memory_space<hbm>> -> memref<384xi32, #tpu.memory_space<hbm>>
        tpu.wait_dma2 semaphore(%arg28 : memref<!tpu.dma_semaphore, #tpu.memory_space<semaphore_mem>>) src(%dma_wait3A_218 : memref<384xi32, #tpu.memory_space<hbm>>) dst(%arg21 : memref<256xf32, #tpu.memory_space<vmem>>)
      } else {
      }
      %scan3A_136 = arith.constant 0 : i32
      %scan3A_137 = arith.constant 0 : i32
      %scan3A_138 = arith.constant 64 : i32
      %scan3A_139 = arith.addi %scan3A_137, %scan3A_138 : i32
      %scan3A_140 = arith.constant 2 : i32
      scf.for %scan3A_212 = %scan3A_137 to %scan3A_139 step %scan3A_140  : i32 {
        %broadcast_in_dim3A_213 = arith.constant 0.000000e+00 : f32
        %broadcast_in_dim3A_214 = vector.broadcast %broadcast_in_dim3A_213 : f32 to vector<16xf32>
        %get3A = arith.index_cast %scan3A_212 : i32 to index
        %get3A_215 = arith.constant 0 : index
        %get3A_216 = tpu.vector_load %arg11[%get3A, %get3A_215] {strides = array<i32>} : memref<64x64xi32, #tpu.memory_space<vmem>>, vector<16xi32>,
        %bitcast3A = vector.bitcast %get3A_216 : vector<16xi32> to vector<32xbf16>
        %unpack3A = tpu.unpack_subelements %bitcast3A, 0 {pack_format = #tpu.pack_format<interleaved>} : vector<32xbf16> -> vector<16xf32>
        %unpack3A_217 = tpu.unpack_subelements %bitcast3A, 1 {pack_format = #tpu.pack_format<interleaved>} : vector<32xbf16> -> vector<16xf32>
        %get3A_218 = arith.index_cast %scan3A_212 : i32 to index
        %get3A_219 = arith.constant 0 : index
        %get3A_220 = tpu.vector_load %arg12[%get3A_218, %get3A_219] {strides = array<i32>} : memref<64x64xi32, #tpu.memory_space<vmem>>, vector<16xi32>,
        %bitcast3A_221 = vector.bitcast %get3A_220 : vector<16xi32> to vector<32xbf16>
        %unpack3A_222 = tpu.unpack_subelements %bitcast3A_221, 0 {pack_format = #tpu.pack_format<interleaved>} : vector<32xbf16> -> vector<16xf32>
        %unpack3A_223 = tpu.unpack_subelements %bitcast3A_221, 1 {pack_format = #tpu.pack_format<interleaved>} : vector<32xbf16> -> vector<16xf32>
        %mul3A_224 = arith.mulf %unpack3A, %unpack3A_222 : vector<16xf32>
        %add3A_225 = arith.addf %broadcast_in_dim3A_214, %mul3A_224 : vector<16xf32>
        %mul3A_226 = arith.mulf %unpack3A_217, %unpack3A_223 : vector<16xf32>
        %add3A_227 = arith.addf %add3A_225, %mul3A_226 : vector<16xf32>
        %get3A_228 = arith.index_cast %scan3A_212 : i32 to index
        %get3A_229 = arith.constant 0 : index
        %get3A_230 = tpu.vector_load %arg13[%get3A_228, %get3A_229] {strides = array<i32>} : memref<64x64xi32, #tpu.memory_space<vmem>>, vector<16xi32>,
        %bitcast3A_231 = vector.bitcast %get3A_230 : vector<16xi32> to vector<32xbf16>
        %unpack3A_232 = tpu.unpack_subelements %bitcast3A_231, 0 {pack_format = #tpu.pack_format<interleaved>} : vector<32xbf16> -> vector<16xf32>
        %unpack3A_233 = tpu.unpack_subelements %bitcast3A_231, 1 {pack_format = #tpu.pack_format<interleaved>} : vector<32xbf16> -> vector<16xf32>
        %mul3A_234 = arith.mulf %unpack3A, %unpack3A_232 : vector<16xf32>
        %add3A_235 = arith.addf %broadcast_in_dim3A_214, %mul3A_234 : vector<16xf32>
        %mul3A_236 = arith.mulf %unpack3A_217, %unpack3A_233 : vector<16xf32>
        %add3A_237 = arith.addf %add3A_235, %mul3A_236 : vector<16xf32>
        %get3A_238 = arith.index_cast %scan3A_212 : i32 to index
        %get3A_239 = arith.constant 0 : index
        %get3A_240 = tpu.vector_load %arg14[%get3A_238, %get3A_239] {strides = array<i32>} : memref<64x64xi32, #tpu.memory_space<vmem>>, vector<16xi32>,
        %bitcast3A_241 = vector.bitcast %get3A_240 : vector<16xi32> to vector<32xbf16>
        %unpack3A_242 = tpu.unpack_subelements %bitcast3A_241, 0 {pack_format = #tpu.pack_format<interleaved>} : vector<32xbf16> -> vector<16xf32>
        %unpack3A_243 = tpu.unpack_subelements %bitcast3A_241, 1 {pack_format = #tpu.pack_format<interleaved>} : vector<32xbf16> -> vector<16xf32>
        %mul3A_244 = arith.mulf %unpack3A, %unpack3A_242 : vector<16xf32>
        %add3A_245 = arith.addf %broadcast_in_dim3A_214, %mul3A_244 : vector<16xf32>
        %mul3A_246 = arith.mulf %unpack3A_217, %unpack3A_243 : vector<16xf32>
        %add3A_247 = arith.addf %add3A_245, %mul3A_246 : vector<16xf32>
        %get3A_248 = arith.index_cast %scan3A_212 : i32 to index
        %get3A_249 = arith.constant 0 : index
        %get3A_250 = tpu.vector_load %arg15[%get3A_248, %get3A_249] {strides = array<i32>} : memref<64x64xi32, #tpu.memory_space<vmem>>, vector<16xi32>,
        %bitcast3A_251 = vector.bitcast %get3A_250 : vector<16xi32> to vector<32xbf16>
        %unpack3A_252 = tpu.unpack_subelements %bitcast3A_251, 0 {pack_format = #tpu.pack_format<interleaved>} : vector<32xbf16> -> vector<16xf32>
        %unpack3A_253 = tpu.unpack_subelements %bitcast3A_251, 1 {pack_format = #tpu.pack_format<interleaved>} : vector<32xbf16> -> vector<16xf32>
        %mul3A_254 = arith.mulf %unpack3A, %unpack3A_252 : vector<16xf32>
        %add3A_255 = arith.addf %broadcast_in_dim3A_214, %mul3A_254 : vector<16xf32>
        %mul3A_256 = arith.mulf %unpack3A_217, %unpack3A_253 : vector<16xf32>
        %add3A_257 = arith.addf %add3A_255, %mul3A_256 : vector<16xf32>
        %get3A_258 = arith.index_cast %scan3A_212 : i32 to index
        %get3A_259 = arith.constant 16 : index
        %get3A_260 = tpu.vector_load %arg11[%get3A_258, %get3A_259] {strides = array<i32>} : memref<64x64xi32, #tpu.memory_space<vmem>>, vector<16xi32>,
        %bitcast3A_261 = vector.bitcast %get3A_260 : vector<16xi32> to vector<32xbf16>
        %unpack3A_262 = tpu.unpack_subelements %bitcast3A_261, 0 {pack_format = #tpu.pack_format<interleaved>} : vector<32xbf16> -> vector<16xf32>
        %unpack3A_263 = tpu.unpack_subelements %bitcast3A_261, 1 {pack_format = #tpu.pack_format<interleaved>} : vector<32xbf16> -> vector<16xf32>
        %get3A_264 = arith.index_cast %scan3A_212 : i32 to index
        %get3A_265 = arith.constant 16 : index
        %get3A_266 = tpu.vector_load %arg12[%get3A_264, %get3A_265] {strides = array<i32>} : memref<64x64xi32, #tpu.memory_space<vmem>>, vector<16xi32>,
        %bitcast3A_267 = vector.bitcast %get3A_266 : vector<16xi32> to vector<32xbf16>
        %unpack3A_268 = tpu.unpack_subelements %bitcast3A_267, 0 {pack_format = #tpu.pack_format<interleaved>} : vector<32xbf16> -> vector<16xf32>
        %unpack3A_269 = tpu.unpack_subelements %bitcast3A_267, 1 {pack_format = #tpu.pack_format<interleaved>} : vector<32xbf16> -> vector<16xf32>
        %mul3A_270 = arith.mulf %unpack3A_262, %unpack3A_268 : vector<16xf32>
        %add3A_271 = arith.addf %add3A_227, %mul3A_270 : vector<16xf32>
        %mul3A_272 = arith.mulf %unpack3A_263, %unpack3A_269 : vector<16xf32>
        %add3A_273 = arith.addf %add3A_271, %mul3A_272 : vector<16xf32>
        %get3A_274 = arith.index_cast %scan3A_212 : i32 to index
        %get3A_275 = arith.constant 16 : index
        %get3A_276 = tpu.vector_load %arg13[%get3A_274, %get3A_275] {strides = array<i32>} : memref<64x64xi32, #tpu.memory_space<vmem>>, vector<16xi32>,
        %bitcast3A_277 = vector.bitcast %get3A_276 : vector<16xi32> to vector<32xbf16>
        %unpack3A_278 = tpu.unpack_subelements %bitcast3A_277, 0 {pack_format = #tpu.pack_format<interleaved>} : vector<32xbf16> -> vector<16xf32>
        %unpack3A_279 = tpu.unpack_subelements %bitcast3A_277, 1 {pack_format = #tpu.pack_format<interleaved>} : vector<32xbf16> -> vector<16xf32>
        %mul3A_280 = arith.mulf %unpack3A_262, %unpack3A_278 : vector<16xf32>
        %add3A_281 = arith.addf %add3A_237, %mul3A_280 : vector<16xf32>
        %mul3A_282 = arith.mulf %unpack3A_263, %unpack3A_279 : vector<16xf32>
        %add3A_283 = arith.addf %add3A_281, %mul3A_282 : vector<16xf32>
        %get3A_284 = arith.index_cast %scan3A_212 : i32 to index
        %get3A_285 = arith.constant 16 : index
        %get3A_286 = tpu.vector_load %arg14[%get3A_284, %get3A_285] {strides = array<i32>} : memref<64x64xi32, #tpu.memory_space<vmem>>, vector<16xi32>,
        %bitcast3A_287 = vector.bitcast %get3A_286 : vector<16xi32> to vector<32xbf16>
        %unpack3A_288 = tpu.unpack_subelements %bitcast3A_287, 0 {pack_format = #tpu.pack_format<interleaved>} : vector<32xbf16> -> vector<16xf32>
        %unpack3A_289 = tpu.unpack_subelements %bitcast3A_287, 1 {pack_format = #tpu.pack_format<interleaved>} : vector<32xbf16> -> vector<16xf32>
        %mul3A_290 = arith.mulf %unpack3A_262, %unpack3A_288 : vector<16xf32>
        %add3A_291 = arith.addf %add3A_247, %mul3A_290 : vector<16xf32>
        %mul3A_292 = arith.mulf %unpack3A_263, %unpack3A_289 : vector<16xf32>
        %add3A_293 = arith.addf %add3A_291, %mul3A_292 : vector<16xf32>
        %get3A_294 = arith.index_cast %scan3A_212 : i32 to index
        %get3A_295 = arith.constant 16 : index
        %get3A_296 = tpu.vector_load %arg15[%get3A_294, %get3A_295] {strides = array<i32>} : memref<64x64xi32, #tpu.memory_space<vmem>>, vector<16xi32>,
        %bitcast3A_297 = vector.bitcast %get3A_296 : vector<16xi32> to vector<32xbf16>
        %unpack3A_298 = tpu.unpack_subelements %bitcast3A_297, 0 {pack_format = #tpu.pack_format<interleaved>} : vector<32xbf16> -> vector<16xf32>
        %unpack3A_299 = tpu.unpack_subelements %bitcast3A_297, 1 {pack_format = #tpu.pack_format<interleaved>} : vector<32xbf16> -> vector<16xf32>
        %mul3A_300 = arith.mulf %unpack3A_262, %unpack3A_298 : vector<16xf32>
        %add3A_301 = arith.addf %add3A_257, %mul3A_300 : vector<16xf32>
        %mul3A_302 = arith.mulf %unpack3A_263, %unpack3A_299 : vector<16xf32>
        %add3A_303 = arith.addf %add3A_301, %mul3A_302 : vector<16xf32>
        %get3A_304 = arith.index_cast %scan3A_212 : i32 to index
        %get3A_305 = arith.constant 32 : index
        %get3A_306 = tpu.vector_load %arg11[%get3A_304, %get3A_305] {strides = array<i32>} : memref<64x64xi32, #tpu.memory_space<vmem>>, vector<16xi32>,
        %bitcast3A_307 = vector.bitcast %get3A_306 : vector<16xi32> to vector<32xbf16>
        %unpack3A_308 = tpu.unpack_subelements %bitcast3A_307, 0 {pack_format = #tpu.pack_format<interleaved>} : vector<32xbf16> -> vector<16xf32>
        %unpack3A_309 = tpu.unpack_subelements %bitcast3A_307, 1 {pack_format = #tpu.pack_format<interleaved>} : vector<32xbf16> -> vector<16xf32>
        %get3A_310 = arith.index_cast %scan3A_212 : i32 to index
        %get3A_311 = arith.constant 32 : index
        %get3A_312 = tpu.vector_load %arg12[%get3A_310, %get3A_311] {strides = array<i32>} : memref<64x64xi32, #tpu.memory_space<vmem>>, vector<16xi32>,
        %bitcast3A_313 = vector.bitcast %get3A_312 : vector<16xi32> to vector<32xbf16>
        %unpack3A_314 = tpu.unpack_subelements %bitcast3A_313, 0 {pack_format = #tpu.pack_format<interleaved>} : vector<32xbf16> -> vector<16xf32>
        %unpack3A_315 = tpu.unpack_subelements %bitcast3A_313, 1 {pack_format = #tpu.pack_format<interleaved>} : vector<32xbf16> -> vector<16xf32>
        %mul3A_316 = arith.mulf %unpack3A_308, %unpack3A_314 : vector<16xf32>
        %add3A_317 = arith.addf %add3A_273, %mul3A_316 : vector<16xf32>
        %mul3A_318 = arith.mulf %unpack3A_309, %unpack3A_315 : vector<16xf32>
        %add3A_319 = arith.addf %add3A_317, %mul3A_318 : vector<16xf32>
        %get3A_320 = arith.index_cast %scan3A_212 : i32 to index
        %get3A_321 = arith.constant 32 : index
        %get3A_322 = tpu.vector_load %arg13[%get3A_320, %get3A_321] {strides = array<i32>} : memref<64x64xi32, #tpu.memory_space<vmem>>, vector<16xi32>,
        %bitcast3A_323 = vector.bitcast %get3A_322 : vector<16xi32> to vector<32xbf16>
        %unpack3A_324 = tpu.unpack_subelements %bitcast3A_323, 0 {pack_format = #tpu.pack_format<interleaved>} : vector<32xbf16> -> vector<16xf32>
        %unpack3A_325 = tpu.unpack_subelements %bitcast3A_323, 1 {pack_format = #tpu.pack_format<interleaved>} : vector<32xbf16> -> vector<16xf32>
        %mul3A_326 = arith.mulf %unpack3A_308, %unpack3A_324 : vector<16xf32>
        %add3A_327 = arith.addf %add3A_283, %mul3A_326 : vector<16xf32>
        %mul3A_328 = arith.mulf %unpack3A_309, %unpack3A_325 : vector<16xf32>
        %add3A_329 = arith.addf %add3A_327, %mul3A_328 : vector<16xf32>
        %get3A_330 = arith.index_cast %scan3A_212 : i32 to index
        %get3A_331 = arith.constant 32 : index
        %get3A_332 = tpu.vector_load %arg14[%get3A_330, %get3A_331] {strides = array<i32>} : memref<64x64xi32, #tpu.memory_space<vmem>>, vector<16xi32>,
        %bitcast3A_333 = vector.bitcast %get3A_332 : vector<16xi32> to vector<32xbf16>
        %unpack3A_334 = tpu.unpack_subelements %bitcast3A_333, 0 {pack_format = #tpu.pack_format<interleaved>} : vector<32xbf16> -> vector<16xf32>
        %unpack3A_335 = tpu.unpack_subelements %bitcast3A_333, 1 {pack_format = #tpu.pack_format<interleaved>} : vector<32xbf16> -> vector<16xf32>
        %mul3A_336 = arith.mulf %unpack3A_308, %unpack3A_334 : vector<16xf32>
        %add3A_337 = arith.addf %add3A_293, %mul3A_336 : vector<16xf32>
        %mul3A_338 = arith.mulf %unpack3A_309, %unpack3A_335 : vector<16xf32>
        %add3A_339 = arith.addf %add3A_337, %mul3A_338 : vector<16xf32>
        %get3A_340 = arith.index_cast %scan3A_212 : i32 to index
        %get3A_341 = arith.constant 32 : index
        %get3A_342 = tpu.vector_load %arg15[%get3A_340, %get3A_341] {strides = array<i32>} : memref<64x64xi32, #tpu.memory_space<vmem>>, vector<16xi32>,
        %bitcast3A_343 = vector.bitcast %get3A_342 : vector<16xi32> to vector<32xbf16>
        %unpack3A_344 = tpu.unpack_subelements %bitcast3A_343, 0 {pack_format = #tpu.pack_format<interleaved>} : vector<32xbf16> -> vector<16xf32>
        %unpack3A_345 = tpu.unpack_subelements %bitcast3A_343, 1 {pack_format = #tpu.pack_format<interleaved>} : vector<32xbf16> -> vector<16xf32>
        %mul3A_346 = arith.mulf %unpack3A_308, %unpack3A_344 : vector<16xf32>
        %add3A_347 = arith.addf %add3A_303, %mul3A_346 : vector<16xf32>
        %mul3A_348 = arith.mulf %unpack3A_309, %unpack3A_345 : vector<16xf32>
        %add3A_349 = arith.addf %add3A_347, %mul3A_348 : vector<16xf32>
        %get3A_350 = arith.index_cast %scan3A_212 : i32 to index
        %get3A_351 = arith.constant 48 : index
        %get3A_352 = tpu.vector_load %arg11[%get3A_350, %get3A_351] {strides = array<i32>} : memref<64x64xi32, #tpu.memory_space<vmem>>, vector<16xi32>,
        %bitcast3A_353 = vector.bitcast %get3A_352 : vector<16xi32> to vector<32xbf16>
        %unpack3A_354 = tpu.unpack_subelements %bitcast3A_353, 0 {pack_format = #tpu.pack_format<interleaved>} : vector<32xbf16> -> vector<16xf32>
        %unpack3A_355 = tpu.unpack_subelements %bitcast3A_353, 1 {pack_format = #tpu.pack_format<interleaved>} : vector<32xbf16> -> vector<16xf32>
        %get3A_356 = arith.index_cast %scan3A_212 : i32 to index
        %get3A_357 = arith.constant 48 : index
        %get3A_358 = tpu.vector_load %arg12[%get3A_356, %get3A_357] {strides = array<i32>} : memref<64x64xi32, #tpu.memory_space<vmem>>, vector<16xi32>,
        %bitcast3A_359 = vector.bitcast %get3A_358 : vector<16xi32> to vector<32xbf16>
        %unpack3A_360 = tpu.unpack_subelements %bitcast3A_359, 0 {pack_format = #tpu.pack_format<interleaved>} : vector<32xbf16> -> vector<16xf32>
        %unpack3A_361 = tpu.unpack_subelements %bitcast3A_359, 1 {pack_format = #tpu.pack_format<interleaved>} : vector<32xbf16> -> vector<16xf32>
        %mul3A_362 = arith.mulf %unpack3A_354, %unpack3A_360 : vector<16xf32>
        %add3A_363 = arith.addf %add3A_319, %mul3A_362 : vector<16xf32>
        %mul3A_364 = arith.mulf %unpack3A_355, %unpack3A_361 : vector<16xf32>
        %add3A_365 = arith.addf %add3A_363, %mul3A_364 : vector<16xf32>
        %get3A_366 = arith.index_cast %scan3A_212 : i32 to index
        %get3A_367 = arith.constant 48 : index
        %get3A_368 = tpu.vector_load %arg13[%get3A_366, %get3A_367] {strides = array<i32>} : memref<64x64xi32, #tpu.memory_space<vmem>>, vector<16xi32>,
        %bitcast3A_369 = vector.bitcast %get3A_368 : vector<16xi32> to vector<32xbf16>
        %unpack3A_370 = tpu.unpack_subelements %bitcast3A_369, 0 {pack_format = #tpu.pack_format<interleaved>} : vector<32xbf16> -> vector<16xf32>
        %unpack3A_371 = tpu.unpack_subelements %bitcast3A_369, 1 {pack_format = #tpu.pack_format<interleaved>} : vector<32xbf16> -> vector<16xf32>
        %mul3A_372 = arith.mulf %unpack3A_354, %unpack3A_370 : vector<16xf32>
        %add3A_373 = arith.addf %add3A_329, %mul3A_372 : vector<16xf32>
        %mul3A_374 = arith.mulf %unpack3A_355, %unpack3A_371 : vector<16xf32>
        %add3A_375 = arith.addf %add3A_373, %mul3A_374 : vector<16xf32>
        %get3A_376 = arith.index_cast %scan3A_212 : i32 to index
        %get3A_377 = arith.constant 48 : index
        %get3A_378 = tpu.vector_load %arg14[%get3A_376, %get3A_377] {strides = array<i32>} : memref<64x64xi32, #tpu.memory_space<vmem>>, vector<16xi32>,
        %bitcast3A_379 = vector.bitcast %get3A_378 : vector<16xi32> to vector<32xbf16>
        %unpack3A_380 = tpu.unpack_subelements %bitcast3A_379, 0 {pack_format = #tpu.pack_format<interleaved>} : vector<32xbf16> -> vector<16xf32>
        %unpack3A_381 = tpu.unpack_subelements %bitcast3A_379, 1 {pack_format = #tpu.pack_format<interleaved>} : vector<32xbf16> -> vector<16xf32>
        %mul3A_382 = arith.mulf %unpack3A_354, %unpack3A_380 : vector<16xf32>
        %add3A_383 = arith.addf %add3A_339, %mul3A_382 : vector<16xf32>
        %mul3A_384 = arith.mulf %unpack3A_355, %unpack3A_381 : vector<16xf32>
        %add3A_385 = arith.addf %add3A_383, %mul3A_384 : vector<16xf32>
        %get3A_386 = arith.index_cast %scan3A_212 : i32 to index
        %get3A_387 = arith.constant 48 : index
        %get3A_388 = tpu.vector_load %arg15[%get3A_386, %get3A_387] {strides = array<i32>} : memref<64x64xi32, #tpu.memory_space<vmem>>, vector<16xi32>,
        %bitcast3A_389 = vector.bitcast %get3A_388 : vector<16xi32> to vector<32xbf16>
        %unpack3A_390 = tpu.unpack_subelements %bitcast3A_389, 0 {pack_format = #tpu.pack_format<interleaved>} : vector<32xbf16> -> vector<16xf32>
        %unpack3A_391 = tpu.unpack_subelements %bitcast3A_389, 1 {pack_format = #tpu.pack_format<interleaved>} : vector<32xbf16> -> vector<16xf32>
        %mul3A_392 = arith.mulf %unpack3A_354, %unpack3A_390 : vector<16xf32>
        %add3A_393 = arith.addf %add3A_349, %mul3A_392 : vector<16xf32>
        %mul3A_394 = arith.mulf %unpack3A_355, %unpack3A_391 : vector<16xf32>
        %add3A_395 = arith.addf %add3A_393, %mul3A_394 : vector<16xf32>
        %broadcast_in_dim3A_396 = arith.constant true
        %broadcast_in_dim3A_397 = vector.broadcast %broadcast_in_dim3A_396 : i1 to vector<16xi1>
        %masked_cumsum3A = tpu.scan <sum>, %add3A_365 masked %broadcast_in_dim3A_397 : vector<16xf32>, vector<16xi1> -> vector<16xf32>
        %broadcast_in_dim3A_398 = arith.constant 0 : i32
        %broadcast_in_dim3A_399 = vector.broadcast %broadcast_in_dim3A_398 : i32 to vector<16xi32>
        %add3A_400 = vector.broadcast %scan3A_212 : i32 to vector<16xi32>
        %add3A_401 = arith.addi %broadcast_in_dim3A_399, %add3A_400 : vector<16xi32>
        tpu.vector_store_idx %arg21[%add3A_401], %masked_cumsum3A masked %eq3A_5 : memref<256xf32, #tpu.memory_space<vmem>>[vector<16xi32>], vector<16xf32>, vector<16xi1>
        %broadcast_in_dim3A_402 = arith.constant true
        %broadcast_in_dim3A_403 = vector.broadcast %broadcast_in_dim3A_402 : i1 to vector<16xi1>
        %masked_cumsum3A_404 = tpu.scan <sum>, %add3A_375 masked %broadcast_in_dim3A_403 : vector<16xf32>, vector<16xi1> -> vector<16xf32>
        %broadcast_in_dim3A_405 = arith.constant 64 : i32
        %broadcast_in_dim3A_406 = vector.broadcast %broadcast_in_dim3A_405 : i32 to vector<16xi32>
        %add3A_407 = vector.broadcast %scan3A_212 : i32 to vector<16xi32>
        %add3A_408 = arith.addi %broadcast_in_dim3A_406, %add3A_407 : vector<16xi32>
        tpu.vector_store_idx %arg21[%add3A_408], %masked_cumsum3A_404 masked %eq3A_5 : memref<256xf32, #tpu.memory_space<vmem>>[vector<16xi32>], vector<16xf32>, vector<16xi1>
        %broadcast_in_dim3A_409 = arith.constant true
        %broadcast_in_dim3A_410 = vector.broadcast %broadcast_in_dim3A_409 : i1 to vector<16xi1>
        %masked_cumsum3A_411 = tpu.scan <sum>, %add3A_385 masked %broadcast_in_dim3A_410 : vector<16xf32>, vector<16xi1> -> vector<16xf32>
        %broadcast_in_dim3A_412 = arith.constant 128 : i32
        %broadcast_in_dim3A_413 = vector.broadcast %broadcast_in_dim3A_412 : i32 to vector<16xi32>
        %add3A_414 = vector.broadcast %scan3A_212 : i32 to vector<16xi32>
        %add3A_415 = arith.addi %broadcast_in_dim3A_413, %add3A_414 : vector<16xi32>
        tpu.vector_store_idx %arg21[%add3A_415], %masked_cumsum3A_411 masked %eq3A_5 : memref<256xf32, #tpu.memory_space<vmem>>[vector<16xi32>], vector<16xf32>, vector<16xi1>
        %broadcast_in_dim3A_416 = arith.constant true
        %broadcast_in_dim3A_417 = vector.broadcast %broadcast_in_dim3A_416 : i1 to vector<16xi1>
        %masked_cumsum3A_418 = tpu.scan <sum>, %add3A_395 masked %broadcast_in_dim3A_417 : vector<16xf32>, vector<16xi1> -> vector<16xf32>
        %broadcast_in_dim3A_419 = arith.constant 192 : i32
        %broadcast_in_dim3A_420 = vector.broadcast %broadcast_in_dim3A_419 : i32 to vector<16xi32>
        %add3A_421 = vector.broadcast %scan3A_212 : i32 to vector<16xi32>
        %add3A_422 = arith.addi %broadcast_in_dim3A_420, %add3A_421 : vector<16xi32>
        tpu.vector_store_idx %arg21[%add3A_422], %masked_cumsum3A_418 masked %eq3A_5 : memref<256xf32, #tpu.memory_space<vmem>>[vector<16xi32>], vector<16xf32>, vector<16xi1>
        %scan3A_423 = arith.constant 1 : i32
        %scan3A_424 = arith.addi %scan3A_212, %scan3A_423 : i32
        %broadcast_in_dim3A_425 = arith.constant 0.000000e+00 : f32
        %broadcast_in_dim3A_426 = vector.broadcast %broadcast_in_dim3A_425 : f32 to vector<16xf32>
        %get3A_427 = arith.index_cast %scan3A_424 : i32 to index
        %get3A_428 = arith.constant 0 : index
        %get3A_429 = tpu.vector_load %arg11[%get3A_427, %get3A_428] {strides = array<i32>} : memref<64x64xi32, #tpu.memory_space<vmem>>, vector<16xi32>,
        %bitcast3A_430 = vector.bitcast %get3A_429 : vector<16xi32> to vector<32xbf16>
        %unpack3A_431 = tpu.unpack_subelements %bitcast3A_430, 0 {pack_format = #tpu.pack_format<interleaved>} : vector<32xbf16> -> vector<16xf32>
        %unpack3A_432 = tpu.unpack_subelements %bitcast3A_430, 1 {pack_format = #tpu.pack_format<interleaved>} : vector<32xbf16> -> vector<16xf32>
        %get3A_433 = arith.index_cast %scan3A_424 : i32 to index
        %get3A_434 = arith.constant 0 : index
        %get3A_435 = tpu.vector_load %arg12[%get3A_433, %get3A_434] {strides = array<i32>} : memref<64x64xi32, #tpu.memory_space<vmem>>, vector<16xi32>,
        %bitcast3A_436 = vector.bitcast %get3A_435 : vector<16xi32> to vector<32xbf16>
        %unpack3A_437 = tpu.unpack_subelements %bitcast3A_436, 0 {pack_format = #tpu.pack_format<interleaved>} : vector<32xbf16> -> vector<16xf32>
        %unpack3A_438 = tpu.unpack_subelements %bitcast3A_436, 1 {pack_format = #tpu.pack_format<interleaved>} : vector<32xbf16> -> vector<16xf32>
        %mul3A_439 = arith.mulf %unpack3A_431, %unpack3A_437 : vector<16xf32>
        %add3A_440 = arith.addf %broadcast_in_dim3A_426, %mul3A_439 : vector<16xf32>
        %mul3A_441 = arith.mulf %unpack3A_432, %unpack3A_438 : vector<16xf32>
        %add3A_442 = arith.addf %add3A_440, %mul3A_441 : vector<16xf32>
        %get3A_443 = arith.index_cast %scan3A_424 : i32 to index
        %get3A_444 = arith.constant 0 : index
        %get3A_445 = tpu.vector_load %arg13[%get3A_443, %get3A_444] {strides = array<i32>} : memref<64x64xi32, #tpu.memory_space<vmem>>, vector<16xi32>,
        %bitcast3A_446 = vector.bitcast %get3A_445 : vector<16xi32> to vector<32xbf16>
        %unpack3A_447 = tpu.unpack_subelements %bitcast3A_446, 0 {pack_format = #tpu.pack_format<interleaved>} : vector<32xbf16> -> vector<16xf32>
        %unpack3A_448 = tpu.unpack_subelements %bitcast3A_446, 1 {pack_format = #tpu.pack_format<interleaved>} : vector<32xbf16> -> vector<16xf32>
        %mul3A_449 = arith.mulf %unpack3A_431, %unpack3A_447 : vector<16xf32>
        %add3A_450 = arith.addf %broadcast_in_dim3A_426, %mul3A_449 : vector<16xf32>
        %mul3A_451 = arith.mulf %unpack3A_432, %unpack3A_448 : vector<16xf32>
        %add3A_452 = arith.addf %add3A_450, %mul3A_451 : vector<16xf32>
        %get3A_453 = arith.index_cast %scan3A_424 : i32 to index
        %get3A_454 = arith.constant 0 : index
        %get3A_455 = tpu.vector_load %arg14[%get3A_453, %get3A_454] {strides = array<i32>} : memref<64x64xi32, #tpu.memory_space<vmem>>, vector<16xi32>,
        %bitcast3A_456 = vector.bitcast %get3A_455 : vector<16xi32> to vector<32xbf16>
        %unpack3A_457 = tpu.unpack_subelements %bitcast3A_456, 0 {pack_format = #tpu.pack_format<interleaved>} : vector<32xbf16> -> vector<16xf32>
        %unpack3A_458 = tpu.unpack_subelements %bitcast3A_456, 1 {pack_format = #tpu.pack_format<interleaved>} : vector<32xbf16> -> vector<16xf32>
        %mul3A_459 = arith.mulf %unpack3A_431, %unpack3A_457 : vector<16xf32>
        %add3A_460 = arith.addf %broadcast_in_dim3A_426, %mul3A_459 : vector<16xf32>
        %mul3A_461 = arith.mulf %unpack3A_432, %unpack3A_458 : vector<16xf32>
        %add3A_462 = arith.addf %add3A_460, %mul3A_461 : vector<16xf32>
        %get3A_463 = arith.index_cast %scan3A_424 : i32 to index
        %get3A_464 = arith.constant 0 : index
        %get3A_465 = tpu.vector_load %arg15[%get3A_463, %get3A_464] {strides = array<i32>} : memref<64x64xi32, #tpu.memory_space<vmem>>, vector<16xi32>,
        %bitcast3A_466 = vector.bitcast %get3A_465 : vector<16xi32> to vector<32xbf16>
        %unpack3A_467 = tpu.unpack_subelements %bitcast3A_466, 0 {pack_format = #tpu.pack_format<interleaved>} : vector<32xbf16> -> vector<16xf32>
        %unpack3A_468 = tpu.unpack_subelements %bitcast3A_466, 1 {pack_format = #tpu.pack_format<interleaved>} : vector<32xbf16> -> vector<16xf32>
        %mul3A_469 = arith.mulf %unpack3A_431, %unpack3A_467 : vector<16xf32>
        %add3A_470 = arith.addf %broadcast_in_dim3A_426, %mul3A_469 : vector<16xf32>
        %mul3A_471 = arith.mulf %unpack3A_432, %unpack3A_468 : vector<16xf32>
        %add3A_472 = arith.addf %add3A_470, %mul3A_471 : vector<16xf32>
        %get3A_473 = arith.index_cast %scan3A_424 : i32 to index
        %get3A_474 = arith.constant 16 : index
        %get3A_475 = tpu.vector_load %arg11[%get3A_473, %get3A_474] {strides = array<i32>} : memref<64x64xi32, #tpu.memory_space<vmem>>, vector<16xi32>,
        %bitcast3A_476 = vector.bitcast %get3A_475 : vector<16xi32> to vector<32xbf16>
        %unpack3A_477 = tpu.unpack_subelements %bitcast3A_476, 0 {pack_format = #tpu.pack_format<interleaved>} : vector<32xbf16> -> vector<16xf32>
        %unpack3A_478 = tpu.unpack_subelements %bitcast3A_476, 1 {pack_format = #tpu.pack_format<interleaved>} : vector<32xbf16> -> vector<16xf32>
        %get3A_479 = arith.index_cast %scan3A_424 : i32 to index
        %get3A_480 = arith.constant 16 : index
        %get3A_481 = tpu.vector_load %arg12[%get3A_479, %get3A_480] {strides = array<i32>} : memref<64x64xi32, #tpu.memory_space<vmem>>, vector<16xi32>,
        %bitcast3A_482 = vector.bitcast %get3A_481 : vector<16xi32> to vector<32xbf16>
        %unpack3A_483 = tpu.unpack_subelements %bitcast3A_482, 0 {pack_format = #tpu.pack_format<interleaved>} : vector<32xbf16> -> vector<16xf32>
        %unpack3A_484 = tpu.unpack_subelements %bitcast3A_482, 1 {pack_format = #tpu.pack_format<interleaved>} : vector<32xbf16> -> vector<16xf32>
        %mul3A_485 = arith.mulf %unpack3A_477, %unpack3A_483 : vector<16xf32>
        %add3A_486 = arith.addf %add3A_442, %mul3A_485 : vector<16xf32>
        %mul3A_487 = arith.mulf %unpack3A_478, %unpack3A_484 : vector<16xf32>
        %add3A_488 = arith.addf %add3A_486, %mul3A_487 : vector<16xf32>
        %get3A_489 = arith.index_cast %scan3A_424 : i32 to index
        %get3A_490 = arith.constant 16 : index
        %get3A_491 = tpu.vector_load %arg13[%get3A_489, %get3A_490] {strides = array<i32>} : memref<64x64xi32, #tpu.memory_space<vmem>>, vector<16xi32>,
        %bitcast3A_492 = vector.bitcast %get3A_491 : vector<16xi32> to vector<32xbf16>
        %unpack3A_493 = tpu.unpack_subelements %bitcast3A_492, 0 {pack_format = #tpu.pack_format<interleaved>} : vector<32xbf16> -> vector<16xf32>
        %unpack3A_494 = tpu.unpack_subelements %bitcast3A_492, 1 {pack_format = #tpu.pack_format<interleaved>} : vector<32xbf16> -> vector<16xf32>
        %mul3A_495 = arith.mulf %unpack3A_477, %unpack3A_493 : vector<16xf32>
        %add3A_496 = arith.addf %add3A_452, %mul3A_495 : vector<16xf32>
        %mul3A_497 = arith.mulf %unpack3A_478, %unpack3A_494 : vector<16xf32>
        %add3A_498 = arith.addf %add3A_496, %mul3A_497 : vector<16xf32>
        %get3A_499 = arith.index_cast %scan3A_424 : i32 to index
        %get3A_500 = arith.constant 16 : index
        %get3A_501 = tpu.vector_load %arg14[%get3A_499, %get3A_500] {strides = array<i32>} : memref<64x64xi32, #tpu.memory_space<vmem>>, vector<16xi32>,
        %bitcast3A_502 = vector.bitcast %get3A_501 : vector<16xi32> to vector<32xbf16>
        %unpack3A_503 = tpu.unpack_subelements %bitcast3A_502, 0 {pack_format = #tpu.pack_format<interleaved>} : vector<32xbf16> -> vector<16xf32>
        %unpack3A_504 = tpu.unpack_subelements %bitcast3A_502, 1 {pack_format = #tpu.pack_format<interleaved>} : vector<32xbf16> -> vector<16xf32>
        %mul3A_505 = arith.mulf %unpack3A_477, %unpack3A_503 : vector<16xf32>
        %add3A_506 = arith.addf %add3A_462, %mul3A_505 : vector<16xf32>
        %mul3A_507 = arith.mulf %unpack3A_478, %unpack3A_504 : vector<16xf32>
        %add3A_508 = arith.addf %add3A_506, %mul3A_507 : vector<16xf32>
        %get3A_509 = arith.index_cast %scan3A_424 : i32 to index
        %get3A_510 = arith.constant 16 : index
        %get3A_511 = tpu.vector_load %arg15[%get3A_509, %get3A_510] {strides = array<i32>} : memref<64x64xi32, #tpu.memory_space<vmem>>, vector<16xi32>,
        %bitcast3A_512 = vector.bitcast %get3A_511 : vector<16xi32> to vector<32xbf16>
        %unpack3A_513 = tpu.unpack_subelements %bitcast3A_512, 0 {pack_format = #tpu.pack_format<interleaved>} : vector<32xbf16> -> vector<16xf32>
        %unpack3A_514 = tpu.unpack_subelements %bitcast3A_512, 1 {pack_format = #tpu.pack_format<interleaved>} : vector<32xbf16> -> vector<16xf32>
        %mul3A_515 = arith.mulf %unpack3A_477, %unpack3A_513 : vector<16xf32>
        %add3A_516 = arith.addf %add3A_472, %mul3A_515 : vector<16xf32>
        %mul3A_517 = arith.mulf %unpack3A_478, %unpack3A_514 : vector<16xf32>
        %add3A_518 = arith.addf %add3A_516, %mul3A_517 : vector<16xf32>
        %get3A_519 = arith.index_cast %scan3A_424 : i32 to index
        %get3A_520 = arith.constant 32 : index
        %get3A_521 = tpu.vector_load %arg11[%get3A_519, %get3A_520] {strides = array<i32>} : memref<64x64xi32, #tpu.memory_space<vmem>>, vector<16xi32>,
        %bitcast3A_522 = vector.bitcast %get3A_521 : vector<16xi32> to vector<32xbf16>
        %unpack3A_523 = tpu.unpack_subelements %bitcast3A_522, 0 {pack_format = #tpu.pack_format<interleaved>} : vector<32xbf16> -> vector<16xf32>
        %unpack3A_524 = tpu.unpack_subelements %bitcast3A_522, 1 {pack_format = #tpu.pack_format<interleaved>} : vector<32xbf16> -> vector<16xf32>
        %get3A_525 = arith.index_cast %scan3A_424 : i32 to index
        %get3A_526 = arith.constant 32 : index
        %get3A_527 = tpu.vector_load %arg12[%get3A_525, %get3A_526] {strides = array<i32>} : memref<64x64xi32, #tpu.memory_space<vmem>>, vector<16xi32>,
        %bitcast3A_528 = vector.bitcast %get3A_527 : vector<16xi32> to vector<32xbf16>
        %unpack3A_529 = tpu.unpack_subelements %bitcast3A_528, 0 {pack_format = #tpu.pack_format<interleaved>} : vector<32xbf16> -> vector<16xf32>
        %unpack3A_530 = tpu.unpack_subelements %bitcast3A_528, 1 {pack_format = #tpu.pack_format<interleaved>} : vector<32xbf16> -> vector<16xf32>
        %mul3A_531 = arith.mulf %unpack3A_523, %unpack3A_529 : vector<16xf32>
        %add3A_532 = arith.addf %add3A_488, %mul3A_531 : vector<16xf32>
        %mul3A_533 = arith.mulf %unpack3A_524, %unpack3A_530 : vector<16xf32>
        %add3A_534 = arith.addf %add3A_532, %mul3A_533 : vector<16xf32>
        %get3A_535 = arith.index_cast %scan3A_424 : i32 to index
        %get3A_536 = arith.constant 32 : index
        %get3A_537 = tpu.vector_load %arg13[%get3A_535, %get3A_536] {strides = array<i32>} : memref<64x64xi32, #tpu.memory_space<vmem>>, vector<16xi32>,
        %bitcast3A_538 = vector.bitcast %get3A_537 : vector<16xi32> to vector<32xbf16>
        %unpack3A_539 = tpu.unpack_subelements %bitcast3A_538, 0 {pack_format = #tpu.pack_format<interleaved>} : vector<32xbf16> -> vector<16xf32>
        %unpack3A_540 = tpu.unpack_subelements %bitcast3A_538, 1 {pack_format = #tpu.pack_format<interleaved>} : vector<32xbf16> -> vector<16xf32>
        %mul3A_541 = arith.mulf %unpack3A_523, %unpack3A_539 : vector<16xf32>
        %add3A_542 = arith.addf %add3A_498, %mul3A_541 : vector<16xf32>
        %mul3A_543 = arith.mulf %unpack3A_524, %unpack3A_540 : vector<16xf32>
        %add3A_544 = arith.addf %add3A_542, %mul3A_543 : vector<16xf32>
        %get3A_545 = arith.index_cast %scan3A_424 : i32 to index
        %get3A_546 = arith.constant 32 : index
        %get3A_547 = tpu.vector_load %arg14[%get3A_545, %get3A_546] {strides = array<i32>} : memref<64x64xi32, #tpu.memory_space<vmem>>, vector<16xi32>,
        %bitcast3A_548 = vector.bitcast %get3A_547 : vector<16xi32> to vector<32xbf16>
        %unpack3A_549 = tpu.unpack_subelements %bitcast3A_548, 0 {pack_format = #tpu.pack_format<interleaved>} : vector<32xbf16> -> vector<16xf32>
        %unpack3A_550 = tpu.unpack_subelements %bitcast3A_548, 1 {pack_format = #tpu.pack_format<interleaved>} : vector<32xbf16> -> vector<16xf32>
        %mul3A_551 = arith.mulf %unpack3A_523, %unpack3A_549 : vector<16xf32>
        %add3A_552 = arith.addf %add3A_508, %mul3A_551 : vector<16xf32>
        %mul3A_553 = arith.mulf %unpack3A_524, %unpack3A_550 : vector<16xf32>
        %add3A_554 = arith.addf %add3A_552, %mul3A_553 : vector<16xf32>
        %get3A_555 = arith.index_cast %scan3A_424 : i32 to index
        %get3A_556 = arith.constant 32 : index
        %get3A_557 = tpu.vector_load %arg15[%get3A_555, %get3A_556] {strides = array<i32>} : memref<64x64xi32, #tpu.memory_space<vmem>>, vector<16xi32>,
        %bitcast3A_558 = vector.bitcast %get3A_557 : vector<16xi32> to vector<32xbf16>
        %unpack3A_559 = tpu.unpack_subelements %bitcast3A_558, 0 {pack_format = #tpu.pack_format<interleaved>} : vector<32xbf16> -> vector<16xf32>
        %unpack3A_560 = tpu.unpack_subelements %bitcast3A_558, 1 {pack_format = #tpu.pack_format<interleaved>} : vector<32xbf16> -> vector<16xf32>
        %mul3A_561 = arith.mulf %unpack3A_523, %unpack3A_559 : vector<16xf32>
        %add3A_562 = arith.addf %add3A_518, %mul3A_561 : vector<16xf32>
        %mul3A_563 = arith.mulf %unpack3A_524, %unpack3A_560 : vector<16xf32>
        %add3A_564 = arith.addf %add3A_562, %mul3A_563 : vector<16xf32>
        %get3A_565 = arith.index_cast %scan3A_424 : i32 to index
        %get3A_566 = arith.constant 48 : index
        %get3A_567 = tpu.vector_load %arg11[%get3A_565, %get3A_566] {strides = array<i32>} : memref<64x64xi32, #tpu.memory_space<vmem>>, vector<16xi32>,
        %bitcast3A_568 = vector.bitcast %get3A_567 : vector<16xi32> to vector<32xbf16>
        %unpack3A_569 = tpu.unpack_subelements %bitcast3A_568, 0 {pack_format = #tpu.pack_format<interleaved>} : vector<32xbf16> -> vector<16xf32>
        %unpack3A_570 = tpu.unpack_subelements %bitcast3A_568, 1 {pack_format = #tpu.pack_format<interleaved>} : vector<32xbf16> -> vector<16xf32>
        %get3A_571 = arith.index_cast %scan3A_424 : i32 to index
        %get3A_572 = arith.constant 48 : index
        %get3A_573 = tpu.vector_load %arg12[%get3A_571, %get3A_572] {strides = array<i32>} : memref<64x64xi32, #tpu.memory_space<vmem>>, vector<16xi32>,
        %bitcast3A_574 = vector.bitcast %get3A_573 : vector<16xi32> to vector<32xbf16>
        %unpack3A_575 = tpu.unpack_subelements %bitcast3A_574, 0 {pack_format = #tpu.pack_format<interleaved>} : vector<32xbf16> -> vector<16xf32>
        %unpack3A_576 = tpu.unpack_subelements %bitcast3A_574, 1 {pack_format = #tpu.pack_format<interleaved>} : vector<32xbf16> -> vector<16xf32>
        %mul3A_577 = arith.mulf %unpack3A_569, %unpack3A_575 : vector<16xf32>
        %add3A_578 = arith.addf %add3A_534, %mul3A_577 : vector<16xf32>
        %mul3A_579 = arith.mulf %unpack3A_570, %unpack3A_576 : vector<16xf32>
        %add3A_580 = arith.addf %add3A_578, %mul3A_579 : vector<16xf32>
        %get3A_581 = arith.index_cast %scan3A_424 : i32 to index
        %get3A_582 = arith.constant 48 : index
        %get3A_583 = tpu.vector_load %arg13[%get3A_581, %get3A_582] {strides = array<i32>} : memref<64x64xi32, #tpu.memory_space<vmem>>, vector<16xi32>,
        %bitcast3A_584 = vector.bitcast %get3A_583 : vector<16xi32> to vector<32xbf16>
        %unpack3A_585 = tpu.unpack_subelements %bitcast3A_584, 0 {pack_format = #tpu.pack_format<interleaved>} : vector<32xbf16> -> vector<16xf32>
        %unpack3A_586 = tpu.unpack_subelements %bitcast3A_584, 1 {pack_format = #tpu.pack_format<interleaved>} : vector<32xbf16> -> vector<16xf32>
        %mul3A_587 = arith.mulf %unpack3A_569, %unpack3A_585 : vector<16xf32>
        %add3A_588 = arith.addf %add3A_544, %mul3A_587 : vector<16xf32>
        %mul3A_589 = arith.mulf %unpack3A_570, %unpack3A_586 : vector<16xf32>
        %add3A_590 = arith.addf %add3A_588, %mul3A_589 : vector<16xf32>
        %get3A_591 = arith.index_cast %scan3A_424 : i32 to index
        %get3A_592 = arith.constant 48 : index
        %get3A_593 = tpu.vector_load %arg14[%get3A_591, %get3A_592] {strides = array<i32>} : memref<64x64xi32, #tpu.memory_space<vmem>>, vector<16xi32>,
        %bitcast3A_594 = vector.bitcast %get3A_593 : vector<16xi32> to vector<32xbf16>
        %unpack3A_595 = tpu.unpack_subelements %bitcast3A_594, 0 {pack_format = #tpu.pack_format<interleaved>} : vector<32xbf16> -> vector<16xf32>
        %unpack3A_596 = tpu.unpack_subelements %bitcast3A_594, 1 {pack_format = #tpu.pack_format<interleaved>} : vector<32xbf16> -> vector<16xf32>
        %mul3A_597 = arith.mulf %unpack3A_569, %unpack3A_595 : vector<16xf32>
        %add3A_598 = arith.addf %add3A_554, %mul3A_597 : vector<16xf32>
        %mul3A_599 = arith.mulf %unpack3A_570, %unpack3A_596 : vector<16xf32>
        %add3A_600 = arith.addf %add3A_598, %mul3A_599 : vector<16xf32>
        %get3A_601 = arith.index_cast %scan3A_424 : i32 to index
        %get3A_602 = arith.constant 48 : index
        %get3A_603 = tpu.vector_load %arg15[%get3A_601, %get3A_602] {strides = array<i32>} : memref<64x64xi32, #tpu.memory_space<vmem>>, vector<16xi32>,
        %bitcast3A_604 = vector.bitcast %get3A_603 : vector<16xi32> to vector<32xbf16>
        %unpack3A_605 = tpu.unpack_subelements %bitcast3A_604, 0 {pack_format = #tpu.pack_format<interleaved>} : vector<32xbf16> -> vector<16xf32>
        %unpack3A_606 = tpu.unpack_subelements %bitcast3A_604, 1 {pack_format = #tpu.pack_format<interleaved>} : vector<32xbf16> -> vector<16xf32>
        %mul3A_607 = arith.mulf %unpack3A_569, %unpack3A_605 : vector<16xf32>
        %add3A_608 = arith.addf %add3A_564, %mul3A_607 : vector<16xf32>
        %mul3A_609 = arith.mulf %unpack3A_570, %unpack3A_606 : vector<16xf32>
        %add3A_610 = arith.addf %add3A_608, %mul3A_609 : vector<16xf32>
        %broadcast_in_dim3A_611 = arith.constant true
        %broadcast_in_dim3A_612 = vector.broadcast %broadcast_in_dim3A_611 : i1 to vector<16xi1>
        %masked_cumsum3A_613 = tpu.scan <sum>, %add3A_580 masked %broadcast_in_dim3A_612 : vector<16xf32>, vector<16xi1> -> vector<16xf32>
        %broadcast_in_dim3A_614 = arith.constant 0 : i32
        %broadcast_in_dim3A_615 = vector.broadcast %broadcast_in_dim3A_614 : i32 to vector<16xi32>
        %add3A_616 = vector.broadcast %scan3A_424 : i32 to vector<16xi32>
        %add3A_617 = arith.addi %broadcast_in_dim3A_615, %add3A_616 : vector<16xi32>
        tpu.vector_store_idx %arg21[%add3A_617], %masked_cumsum3A_613 masked %eq3A_5 : memref<256xf32, #tpu.memory_space<vmem>>[vector<16xi32>], vector<16xf32>, vector<16xi1>
        %broadcast_in_dim3A_618 = arith.constant true
        %broadcast_in_dim3A_619 = vector.broadcast %broadcast_in_dim3A_618 : i1 to vector<16xi1>
        %masked_cumsum3A_620 = tpu.scan <sum>, %add3A_590 masked %broadcast_in_dim3A_619 : vector<16xf32>, vector<16xi1> -> vector<16xf32>
        %broadcast_in_dim3A_621 = arith.constant 64 : i32
        %broadcast_in_dim3A_622 = vector.broadcast %broadcast_in_dim3A_621 : i32 to vector<16xi32>
        %add3A_623 = vector.broadcast %scan3A_424 : i32 to vector<16xi32>
        %add3A_624 = arith.addi %broadcast_in_dim3A_622, %add3A_623 : vector<16xi32>
        tpu.vector_store_idx %arg21[%add3A_624], %masked_cumsum3A_620 masked %eq3A_5 : memref<256xf32, #tpu.memory_space<vmem>>[vector<16xi32>], vector<16xf32>, vector<16xi1>
        %broadcast_in_dim3A_625 = arith.constant true
        %broadcast_in_dim3A_626 = vector.broadcast %broadcast_in_dim3A_625 : i1 to vector<16xi1>
        %masked_cumsum3A_627 = tpu.scan <sum>, %add3A_600 masked %broadcast_in_dim3A_626 : vector<16xf32>, vector<16xi1> -> vector<16xf32>
        %broadcast_in_dim3A_628 = arith.constant 128 : i32
        %broadcast_in_dim3A_629 = vector.broadcast %broadcast_in_dim3A_628 : i32 to vector<16xi32>
        %add3A_630 = vector.broadcast %scan3A_424 : i32 to vector<16xi32>
        %add3A_631 = arith.addi %broadcast_in_dim3A_629, %add3A_630 : vector<16xi32>
        tpu.vector_store_idx %arg21[%add3A_631], %masked_cumsum3A_627 masked %eq3A_5 : memref<256xf32, #tpu.memory_space<vmem>>[vector<16xi32>], vector<16xf32>, vector<16xi1>
        %broadcast_in_dim3A_632 = arith.constant true
        %broadcast_in_dim3A_633 = vector.broadcast %broadcast_in_dim3A_632 : i1 to vector<16xi1>
        %masked_cumsum3A_634 = tpu.scan <sum>, %add3A_610 masked %broadcast_in_dim3A_633 : vector<16xf32>, vector<16xi1> -> vector<16xf32>
        %broadcast_in_dim3A_635 = arith.constant 192 : i32
        %broadcast_in_dim3A_636 = vector.broadcast %broadcast_in_dim3A_635 : i32 to vector<16xi32>
        %add3A_637 = vector.broadcast %scan3A_424 : i32 to vector<16xi32>
        %add3A_638 = arith.addi %broadcast_in_dim3A_636, %add3A_637 : vector<16xi32>
        tpu.vector_store_idx %arg21[%add3A_638], %masked_cumsum3A_634 masked %eq3A_5 : memref<256xf32, #tpu.memory_space<vmem>>[vector<16xi32>], vector<16xf32>, vector<16xi1>
      }
      %scan3A_141 = arith.constant 64 : i32
      %mul3A_142 = arith.constant 160 : i32
      %mul3A_143 = arith.muli %add3A, %mul3A_142 : i32
      %add3A_144 = arith.addi %mul3A_143, %mul3A_60 : i32
      %dma_start3A_145 = arith.constant 0 : i32
      %dma_start3A_146 = tpu.memref_slice %arg5[%add3A_144, %dma_start3A_145] : memref<5120x256xf32, #tpu.memory_space<hbm>> -> memref<1x256xf32, #tpu.memory_space<hbm>>
      %dma_start3A_147 = tpu.memref_squeeze %dma_start3A_146 : memref<1x256xf32, #tpu.memory_space<hbm>> -> memref<256xf32, #tpu.memory_space<hbm>>
      %dma_start3A_148 = arith.constant 0 : i32
      %dma_start3A_149 = tpu.memref_slice %arg5[%add3A_144, %dma_start3A_148] : memref<5120x256xf32, #tpu.memory_space<hbm>> -> memref<1x256xf32, #tpu.memory_space<hbm>>
      %dma_start3A_150 = tpu.memref_squeeze %dma_start3A_149 : memref<1x256xf32, #tpu.memory_space<hbm>> -> memref<256xf32, #tpu.memory_space<hbm>>
      tpu.enqueue_dma source(%arg21 : memref<256xf32, #tpu.memory_space<vmem>>) target(%dma_start3A_150 : memref<256xf32, #tpu.memory_space<hbm>>) target_semaphore(%arg28 : memref<!tpu.dma_semaphore, #tpu.memory_space<semaphore_mem>>)
      %dma_wait3A_151 = arith.constant 0 : i32
      %dma_wait3A_152 = tpu.memref_slice %arg10[%dma_wait3A_151] : memref<384xi32, #tpu.memory_space<vmem>> -> memref<64xi32, #tpu.memory_space<vmem>>
      %dma_wait3A_153 = arith.constant 0 : i32
      %dma_wait3A_154 = arith.constant 0 : i32
      %dma_wait3A_155 = tpu.memref_slice %arg2[%dma_wait3A_153, %dma_wait3A_154] : memref<10000x64xi32, #tpu.memory_space<hbm>> -> memref<10000x64xi32, #tpu.memory_space<hbm>>
      tpu.wait_indirect_dma semaphore(%arg27 : memref<!tpu.dma_semaphore, #tpu.memory_space<semaphore_mem>>) src(%dma_wait3A_155 : memref<10000x64xi32, #tpu.memory_space<hbm>>) dst(%arg16 : memref<64x64xi32, #tpu.memory_space<vmem>>)
      %dma_wait3A_156 = arith.constant 0 : i32
      %dma_wait3A_157 = tpu.memref_slice %arg10[%dma_wait3A_156] : memref<384xi32, #tpu.memory_space<vmem>> -> memref<64xi32, #tpu.memory_space<vmem>>
      %dma_wait3A_158 = arith.constant 0 : i32
      %dma_wait3A_159 = arith.constant 0 : i32
      %dma_wait3A_160 = tpu.memref_slice %arg2[%dma_wait3A_158, %dma_wait3A_159] : memref<10000x64xi32, #tpu.memory_space<hbm>> -> memref<10000x64xi32, #tpu.memory_space<hbm>>
      tpu.wait_indirect_dma semaphore(%arg27 : memref<!tpu.dma_semaphore, #tpu.memory_space<semaphore_mem>>) src(%dma_wait3A_160 : memref<10000x64xi32, #tpu.memory_space<hbm>>) dst(%arg17 : memref<64x64xi32, #tpu.memory_space<vmem>>)
      %dma_wait3A_161 = arith.constant 0 : i32
      %dma_wait3A_162 = tpu.memref_slice %arg10[%dma_wait3A_161] : memref<384xi32, #tpu.memory_space<vmem>> -> memref<64xi32, #tpu.memory_space<vmem>>
      %dma_wait3A_163 = arith.constant 0 : i32
      %dma_wait3A_164 = arith.constant 0 : i32
      %dma_wait3A_165 = tpu.memref_slice %arg2[%dma_wait3A_163, %dma_wait3A_164] : memref<10000x64xi32, #tpu.memory_space<hbm>> -> memref<10000x64xi32, #tpu.memory_space<hbm>>
      tpu.wait_indirect_dma semaphore(%arg27 : memref<!tpu.dma_semaphore, #tpu.memory_space<semaphore_mem>>) src(%dma_wait3A_165 : memref<10000x64xi32, #tpu.memory_space<hbm>>) dst(%arg18 : memref<64x64xi32, #tpu.memory_space<vmem>>)
      %dma_wait3A_166 = arith.constant 0 : i32
      %dma_wait3A_167 = tpu.memref_slice %arg10[%dma_wait3A_166] : memref<384xi32, #tpu.memory_space<vmem>> -> memref<64xi32, #tpu.memory_space<vmem>>
      %dma_wait3A_168 = arith.constant 0 : i32
      %dma_wait3A_169 = arith.constant 0 : i32
      %dma_wait3A_170 = tpu.memref_slice %arg2[%dma_wait3A_168, %dma_wait3A_169] : memref<10000x64xi32, #tpu.memory_space<hbm>> -> memref<10000x64xi32, #tpu.memory_space<hbm>>
      tpu.wait_indirect_dma semaphore(%arg27 : memref<!tpu.dma_semaphore, #tpu.memory_space<semaphore_mem>>) src(%dma_wait3A_170 : memref<10000x64xi32, #tpu.memory_space<hbm>>) dst(%arg19 : memref<64x64xi32, #tpu.memory_space<vmem>>)
      %dma_wait3A_171 = arith.constant 0 : i32
      %dma_wait3A_172 = tpu.memref_slice %arg10[%dma_wait3A_171] : memref<384xi32, #tpu.memory_space<vmem>> -> memref<64xi32, #tpu.memory_space<vmem>>
      %dma_wait3A_173 = arith.constant 0 : i32
      %dma_wait3A_174 = arith.constant 0 : i32
      %dma_wait3A_175 = tpu.memref_slice %arg2[%dma_wait3A_173, %dma_wait3A_174] : memref<10000x64xi32, #tpu.memory_space<hbm>> -> memref<10000x64xi32, #tpu.memory_space<hbm>>
      tpu.wait_indirect_dma semaphore(%arg27 : memref<!tpu.dma_semaphore, #tpu.memory_space<semaphore_mem>>) src(%dma_wait3A_175 : memref<10000x64xi32, #tpu.memory_space<hbm>>) dst(%arg20 : memref<64x64xi32, #tpu.memory_space<vmem>>)
      %lt3A_176 = arith.constant 79 : i32
      %lt3A_177 = arith.cmpi slt, %scan3A_57, %lt3A_176 : i32
      %convert_element_type3A_178 = arith.extui %lt3A_177 : i1 to i32
      %cond3A_179 = arith.constant 0 : i32
      %cond3A_180 = arith.cmpi ne, %convert_element_type3A_178, %cond3A_179 : i32
      scf.if %cond3A_180 {
        %dma_wait3A_212 = arith.constant 0 : i32
        %dma_wait3A_213 = arith.constant 0 : i32
        %dma_wait3A_214 = tpu.memref_slice %arg3[%add3A, %dma_wait3A_212, %dma_wait3A_213] : memref<32x160x384xi32, #tpu.memory_space<hbm>> -> memref<1x1x384xi32, #tpu.memory_space<hbm>>
        %dma_wait3A_215 = tpu.memref_squeeze %dma_wait3A_214 : memref<1x1x384xi32, #tpu.memory_space<hbm>> -> memref<384xi32, #tpu.memory_space<hbm>>
        %dma_wait3A_216 = arith.constant 0 : i32
        %dma_wait3A_217 = tpu.memref_slice %arg3[%add3A, %dma_wait3A_212, %dma_wait3A_216] : memref<32x160x384xi32, #tpu.memory_space<hbm>> -> memref<1x1x384xi32, #tpu.memory_space<hbm>>
        %dma_wait3A_218 = tpu.memref_squeeze %dma_wait3A_217 : memref<1x1x384xi32, #tpu.memory_space<hbm>> -> memref<384xi32, #tpu.memory_space<hbm>>
        tpu.wait_dma2 semaphore(%arg24 : memref<!tpu.dma_semaphore, #tpu.memory_space<semaphore_mem>>) src(%dma_wait3A_218 : memref<384xi32, #tpu.memory_space<hbm>>) dst(%arg9 : memref<384xi32, #tpu.memory_space<vmem>>)
        %add3A_219 = arith.constant 2 : i32
        %add3A_220 = arith.addi %mul3A_60, %add3A_219 : i32
        %dma_start3A_221 = arith.constant 0 : i32
        %dma_start3A_222 = tpu.memref_slice %arg9[%dma_start3A_221] : memref<384xi32, #tpu.memory_space<vmem>> -> memref<64xi32, #tpu.memory_space<vmem>>
        %dma_start3A_223 = arith.constant 0 : i32
        %dma_start3A_224 = arith.constant 0 : i32
        %dma_start3A_225 = tpu.memref_slice %arg7[%dma_start3A_223, %dma_start3A_224] : memref<10000x64xi32, #tpu.memory_space<vmem_shared>> -> memref<10000x64xi32, #tpu.memory_space<vmem_shared>>
        tpu.enqueue_indirect_dma source(%dma_start3A_225 : memref<10000x64xi32, #tpu.memory_space<vmem_shared>>) target(%arg11 : memref<64x64xi32, #tpu.memory_space<vmem>>) offsets(%dma_start3A_222 : memref<64xi32, #tpu.memory_space<vmem>>) semaphore(%arg26 : memref<!tpu.dma_semaphore, #tpu.memory_space<semaphore_mem>>)
        %dma_start3A_226 = arith.constant 64 : i32
        %dma_start3A_227 = tpu.memref_slice %arg9[%dma_start3A_226] : memref<384xi32, #tpu.memory_space<vmem>> -> memref<64xi32, #tpu.memory_space<vmem>>
        %dma_start3A_228 = arith.constant 0 : i32
        %dma_start3A_229 = arith.constant 0 : i32
        %dma_start3A_230 = tpu.memref_slice %arg7[%dma_start3A_228, %dma_start3A_229] : memref<10000x64xi32, #tpu.memory_space<vmem_shared>> -> memref<10000x64xi32, #tpu.memory_space<vmem_shared>>
        tpu.enqueue_indirect_dma source(%dma_start3A_230 : memref<10000x64xi32, #tpu.memory_space<vmem_shared>>) target(%arg12 : memref<64x64xi32, #tpu.memory_space<vmem>>) offsets(%dma_start3A_227 : memref<64xi32, #tpu.memory_space<vmem>>) semaphore(%arg26 : memref<!tpu.dma_semaphore, #tpu.memory_space<semaphore_mem>>)
        %dma_start3A_231 = arith.constant 128 : i32
        %dma_start3A_232 = tpu.memref_slice %arg9[%dma_start3A_231] : memref<384xi32, #tpu.memory_space<vmem>> -> memref<64xi32, #tpu.memory_space<vmem>>
        %dma_start3A_233 = arith.constant 0 : i32
        %dma_start3A_234 = arith.constant 0 : i32
        %dma_start3A_235 = tpu.memref_slice %arg7[%dma_start3A_233, %dma_start3A_234] : memref<10000x64xi32, #tpu.memory_space<vmem_shared>> -> memref<10000x64xi32, #tpu.memory_space<vmem_shared>>
        tpu.enqueue_indirect_dma source(%dma_start3A_235 : memref<10000x64xi32, #tpu.memory_space<vmem_shared>>) target(%arg13 : memref<64x64xi32, #tpu.memory_space<vmem>>) offsets(%dma_start3A_232 : memref<64xi32, #tpu.memory_space<vmem>>) semaphore(%arg26 : memref<!tpu.dma_semaphore, #tpu.memory_space<semaphore_mem>>)
        %dma_start3A_236 = arith.constant 192 : i32
        %dma_start3A_237 = tpu.memref_slice %arg9[%dma_start3A_236] : memref<384xi32, #tpu.memory_space<vmem>> -> memref<64xi32, #tpu.memory_space<vmem>>
        %dma_start3A_238 = arith.constant 0 : i32
        %dma_start3A_239 = arith.constant 0 : i32
        %dma_start3A_240 = tpu.memref_slice %arg7[%dma_start3A_238, %dma_start3A_239] : memref<10000x64xi32, #tpu.memory_space<vmem_shared>> -> memref<10000x64xi32, #tpu.memory_space<vmem_shared>>
        tpu.enqueue_indirect_dma source(%dma_start3A_240 : memref<10000x64xi32, #tpu.memory_space<vmem_shared>>) target(%arg14 : memref<64x64xi32, #tpu.memory_space<vmem>>) offsets(%dma_start3A_237 : memref<64xi32, #tpu.memory_space<vmem>>) semaphore(%arg26 : memref<!tpu.dma_semaphore, #tpu.memory_space<semaphore_mem>>)
        %dma_start3A_241 = arith.constant 256 : i32
        %dma_start3A_242 = tpu.memref_slice %arg9[%dma_start3A_241] : memref<384xi32, #tpu.memory_space<vmem>> -> memref<64xi32, #tpu.memory_space<vmem>>
        %dma_start3A_243 = arith.constant 0 : i32
        %dma_start3A_244 = arith.constant 0 : i32
        %dma_start3A_245 = tpu.memref_slice %arg7[%dma_start3A_243, %dma_start3A_244] : memref<10000x64xi32, #tpu.memory_space<vmem_shared>> -> memref<10000x64xi32, #tpu.memory_space<vmem_shared>>
        tpu.enqueue_indirect_dma source(%dma_start3A_245 : memref<10000x64xi32, #tpu.memory_space<vmem_shared>>) target(%arg15 : memref<64x64xi32, #tpu.memory_space<vmem>>) offsets(%dma_start3A_242 : memref<64xi32, #tpu.memory_space<vmem>>) semaphore(%arg26 : memref<!tpu.dma_semaphore, #tpu.memory_space<semaphore_mem>>)
      } else {
      }
      %scan3A_181 = arith.constant 0 : i32
      %scan3A_182 = arith.constant 4 : i32
      %scan3A_183 = arith.addi %scan3A_181, %scan3A_182 : i32
      %scan3A_184 = arith.constant 2 : i32
      %scan3A_185 = scf.for %scan3A_212 = %scan3A_181 to %scan3A_183 step %scan3A_184 iter_args(%scan3A_213 = %scan3A_126) -> (vector<16xf32>)  : i32 {
        %mul3A_214 = arith.constant 16 : i32
        %mul3A_215 = arith.muli %scan3A_212, %mul3A_214 : i32
        %get3A = arith.index_cast %mul3A_215 : i32 to index
        %get3A_216 = tpu.vector_load %arg10[%get3A] {strides = array<i32>} : memref<384xi32, #tpu.memory_space<vmem>>, vector<16xi32>,
        %mul3A_217 = arith.constant 16 : i32
        %mul3A_218 = arith.muli %scan3A_212, %mul3A_217 : i32
        %add3A_219 = arith.constant 64 : i32
        %add3A_220 = arith.addi %add3A_219, %mul3A_218 : i32
        %get3A_221 = arith.index_cast %add3A_220 : i32 to index
        %get3A_222 = tpu.vector_load %arg10[%get3A_221] {strides = array<i32>} : memref<384xi32, #tpu.memory_space<vmem>>, vector<16xi32>,
        %mul3A_223 = arith.constant 16 : i32
        %mul3A_224 = arith.muli %scan3A_212, %mul3A_223 : i32
        %add3A_225 = arith.constant 320 : i32
        %add3A_226 = arith.addi %add3A_225, %mul3A_224 : i32
        %get3A_227 = arith.index_cast %add3A_226 : i32 to index
        %get3A_228 = tpu.vector_load %arg10[%get3A_227] {strides = array<i32>} : memref<384xi32, #tpu.memory_space<vmem>>, vector<16xi32>,
        %bitcast3A = vector.bitcast %get3A_228 : vector<16xi32> to vector<16xf32>
        %gather3A = tpu.vector_load_idx %arg8[%get3A_216] : memref<10000xf32, #tpu.memory_space<vmem>>[vector<16xi32>], vector<16xf32>,
        %gather3A_229 = tpu.vector_load_idx %arg8[%get3A_222] : memref<10000xf32, #tpu.memory_space<vmem>>[vector<16xi32>], vector<16xf32>,
        %sub3A = arith.subf %gather3A, %gather3A_229 : vector<16xf32>
        %mul3A_230 = arith.mulf %sub3A, %sub3A : vector<16xf32>
        %mul3A_231 = arith.constant 2.000000e+00 : f32
        %mul3A_232 = vector.broadcast %mul3A_231 : f32 to vector<16xf32>
        %mul3A_233 = arith.mulf %mul3A_230, %mul3A_232 : vector<16xf32>
        %mul3A_234 = arith.mulf %bitcast3A, %mul3A_233 : vector<16xf32>
        %add3A_235 = arith.addf %scan3A_213, %mul3A_234 : vector<16xf32>
        %scan3A_236 = arith.constant 1 : i32
        %scan3A_237 = arith.addi %scan3A_212, %scan3A_236 : i32
        %mul3A_238 = arith.constant 16 : i32
        %mul3A_239 = arith.muli %scan3A_237, %mul3A_238 : i32
        %get3A_240 = arith.index_cast %mul3A_239 : i32 to index
        %get3A_241 = tpu.vector_load %arg10[%get3A_240] {strides = array<i32>} : memref<384xi32, #tpu.memory_space<vmem>>, vector<16xi32>,
        %mul3A_242 = arith.constant 16 : i32
        %mul3A_243 = arith.muli %scan3A_237, %mul3A_242 : i32
        %add3A_244 = arith.constant 64 : i32
        %add3A_245 = arith.addi %add3A_244, %mul3A_243 : i32
        %get3A_246 = arith.index_cast %add3A_245 : i32 to index
        %get3A_247 = tpu.vector_load %arg10[%get3A_246] {strides = array<i32>} : memref<384xi32, #tpu.memory_space<vmem>>, vector<16xi32>,
        %mul3A_248 = arith.constant 16 : i32
        %mul3A_249 = arith.muli %scan3A_237, %mul3A_248 : i32
        %add3A_250 = arith.constant 320 : i32
        %add3A_251 = arith.addi %add3A_250, %mul3A_249 : i32
        %get3A_252 = arith.index_cast %add3A_251 : i32 to index
        %get3A_253 = tpu.vector_load %arg10[%get3A_252] {strides = array<i32>} : memref<384xi32, #tpu.memory_space<vmem>>, vector<16xi32>,
        %bitcast3A_254 = vector.bitcast %get3A_253 : vector<16xi32> to vector<16xf32>
        %gather3A_255 = tpu.vector_load_idx %arg8[%get3A_241] : memref<10000xf32, #tpu.memory_space<vmem>>[vector<16xi32>], vector<16xf32>,
        %gather3A_256 = tpu.vector_load_idx %arg8[%get3A_247] : memref<10000xf32, #tpu.memory_space<vmem>>[vector<16xi32>], vector<16xf32>,
        %sub3A_257 = arith.subf %gather3A_255, %gather3A_256 : vector<16xf32>
        %mul3A_258 = arith.mulf %sub3A_257, %sub3A_257 : vector<16xf32>
        %mul3A_259 = arith.constant 2.000000e+00 : f32
        %mul3A_260 = vector.broadcast %mul3A_259 : f32 to vector<16xf32>
        %mul3A_261 = arith.mulf %mul3A_258, %mul3A_260 : vector<16xf32>
        %mul3A_262 = arith.mulf %bitcast3A_254, %mul3A_261 : vector<16xf32>
        %add3A_263 = arith.addf %add3A_235, %mul3A_262 : vector<16xf32>
        scf.yield %add3A_263 : vector<16xf32>
      }
      %scan3A_186 = arith.constant 4 : i32
      %lt3A_187 = arith.constant 79 : i32
      %lt3A_188 = arith.cmpi slt, %scan3A_57, %lt3A_187 : i32
      %convert_element_type3A_189 = arith.extui %lt3A_188 : i1 to i32
      %cond3A_190 = arith.constant 0 : i32
      %cond3A_191 = arith.cmpi ne, %convert_element_type3A_189, %cond3A_190 : i32
      scf.if %cond3A_191 {
        %add3A_212 = arith.constant 2 : i32
        %add3A_213 = arith.addi %add3A_64, %add3A_212 : i32
        %dma_start3A_214 = arith.constant 0 : i32
        %dma_start3A_215 = tpu.memref_slice %arg3[%add3A, %add3A_213, %dma_start3A_214] : memref<32x160x384xi32, #tpu.memory_space<hbm>> -> memref<1x1x384xi32, #tpu.memory_space<hbm>>
        %dma_start3A_216 = tpu.memref_squeeze %dma_start3A_215 : memref<1x1x384xi32, #tpu.memory_space<hbm>> -> memref<384xi32, #tpu.memory_space<hbm>>
        %dma_start3A_217 = arith.constant 0 : i32
        %dma_start3A_218 = tpu.memref_slice %arg3[%add3A, %add3A_213, %dma_start3A_217] : memref<32x160x384xi32, #tpu.memory_space<hbm>> -> memref<1x1x384xi32, #tpu.memory_space<hbm>>
        %dma_start3A_219 = tpu.memref_squeeze %dma_start3A_218 : memref<1x1x384xi32, #tpu.memory_space<hbm>> -> memref<384xi32, #tpu.memory_space<hbm>>
        tpu.enqueue_dma source(%dma_start3A_219 : memref<384xi32, #tpu.memory_space<hbm>>) target(%arg10 : memref<384xi32, #tpu.memory_space<vmem>>) target_semaphore(%arg25 : memref<!tpu.dma_semaphore, #tpu.memory_space<semaphore_mem>>)
      } else {
      }
      %gt3A_192 = arith.constant 0 : i32
      %gt3A_193 = arith.cmpi sgt, %scan3A_57, %gt3A_192 : i32
      %convert_element_type3A_194 = arith.extui %gt3A_193 : i1 to i32
      %cond3A_195 = arith.constant 0 : i32
      %cond3A_196 = arith.cmpi ne, %convert_element_type3A_194, %cond3A_195 : i32
      scf.if %cond3A_196 {
        %dma_wait3A_212 = arith.constant 0 : i32
        %dma_wait3A_213 = arith.constant 0 : i32
        %dma_wait3A_214 = tpu.memref_slice %arg3[%add3A, %dma_wait3A_212, %dma_wait3A_213] : memref<32x160x384xi32, #tpu.memory_space<hbm>> -> memref<1x1x384xi32, #tpu.memory_space<hbm>>
        %dma_wait3A_215 = tpu.memref_squeeze %dma_wait3A_214 : memref<1x1x384xi32, #tpu.memory_space<hbm>> -> memref<384xi32, #tpu.memory_space<hbm>>
        %dma_wait3A_216 = arith.constant 0 : i32
        %dma_wait3A_217 = tpu.memref_slice %arg3[%add3A, %dma_wait3A_212, %dma_wait3A_216] : memref<32x160x384xi32, #tpu.memory_space<hbm>> -> memref<1x1x384xi32, #tpu.memory_space<hbm>>
        %dma_wait3A_218 = tpu.memref_squeeze %dma_wait3A_217 : memref<1x1x384xi32, #tpu.memory_space<hbm>> -> memref<384xi32, #tpu.memory_space<hbm>>
        tpu.wait_dma2 semaphore(%arg29 : memref<!tpu.dma_semaphore, #tpu.memory_space<semaphore_mem>>) src(%dma_wait3A_218 : memref<384xi32, #tpu.memory_space<hbm>>) dst(%arg22 : memref<256xf32, #tpu.memory_space<vmem>>)
      } else {
      }
      %scan3A_197 = arith.constant 0 : i32
      %scan3A_198 = arith.constant 0 : i32
      %scan3A_199 = arith.constant 64 : i32
      %scan3A_200 = arith.addi %scan3A_198, %scan3A_199 : i32
      %scan3A_201 = arith.constant 2 : i32
      scf.for %scan3A_212 = %scan3A_198 to %scan3A_200 step %scan3A_201  : i32 {
        %broadcast_in_dim3A_213 = arith.constant 0.000000e+00 : f32
        %broadcast_in_dim3A_214 = vector.broadcast %broadcast_in_dim3A_213 : f32 to vector<16xf32>
        %get3A = arith.index_cast %scan3A_212 : i32 to index
        %get3A_215 = arith.constant 0 : index
        %get3A_216 = tpu.vector_load %arg16[%get3A, %get3A_215] {strides = array<i32>} : memref<64x64xi32, #tpu.memory_space<vmem>>, vector<16xi32>,
        %bitcast3A = vector.bitcast %get3A_216 : vector<16xi32> to vector<32xbf16>
        %unpack3A = tpu.unpack_subelements %bitcast3A, 0 {pack_format = #tpu.pack_format<interleaved>} : vector<32xbf16> -> vector<16xf32>
        %unpack3A_217 = tpu.unpack_subelements %bitcast3A, 1 {pack_format = #tpu.pack_format<interleaved>} : vector<32xbf16> -> vector<16xf32>
        %get3A_218 = arith.index_cast %scan3A_212 : i32 to index
        %get3A_219 = arith.constant 0 : index
        %get3A_220 = tpu.vector_load %arg17[%get3A_218, %get3A_219] {strides = array<i32>} : memref<64x64xi32, #tpu.memory_space<vmem>>, vector<16xi32>,
        %bitcast3A_221 = vector.bitcast %get3A_220 : vector<16xi32> to vector<32xbf16>
        %unpack3A_222 = tpu.unpack_subelements %bitcast3A_221, 0 {pack_format = #tpu.pack_format<interleaved>} : vector<32xbf16> -> vector<16xf32>
        %unpack3A_223 = tpu.unpack_subelements %bitcast3A_221, 1 {pack_format = #tpu.pack_format<interleaved>} : vector<32xbf16> -> vector<16xf32>
        %mul3A_224 = arith.mulf %unpack3A, %unpack3A_222 : vector<16xf32>
        %add3A_225 = arith.addf %broadcast_in_dim3A_214, %mul3A_224 : vector<16xf32>
        %mul3A_226 = arith.mulf %unpack3A_217, %unpack3A_223 : vector<16xf32>
        %add3A_227 = arith.addf %add3A_225, %mul3A_226 : vector<16xf32>
        %get3A_228 = arith.index_cast %scan3A_212 : i32 to index
        %get3A_229 = arith.constant 0 : index
        %get3A_230 = tpu.vector_load %arg18[%get3A_228, %get3A_229] {strides = array<i32>} : memref<64x64xi32, #tpu.memory_space<vmem>>, vector<16xi32>,
        %bitcast3A_231 = vector.bitcast %get3A_230 : vector<16xi32> to vector<32xbf16>
        %unpack3A_232 = tpu.unpack_subelements %bitcast3A_231, 0 {pack_format = #tpu.pack_format<interleaved>} : vector<32xbf16> -> vector<16xf32>
        %unpack3A_233 = tpu.unpack_subelements %bitcast3A_231, 1 {pack_format = #tpu.pack_format<interleaved>} : vector<32xbf16> -> vector<16xf32>
        %mul3A_234 = arith.mulf %unpack3A, %unpack3A_232 : vector<16xf32>
        %add3A_235 = arith.addf %broadcast_in_dim3A_214, %mul3A_234 : vector<16xf32>
        %mul3A_236 = arith.mulf %unpack3A_217, %unpack3A_233 : vector<16xf32>
        %add3A_237 = arith.addf %add3A_235, %mul3A_236 : vector<16xf32>
        %get3A_238 = arith.index_cast %scan3A_212 : i32 to index
        %get3A_239 = arith.constant 0 : index
        %get3A_240 = tpu.vector_load %arg19[%get3A_238, %get3A_239] {strides = array<i32>} : memref<64x64xi32, #tpu.memory_space<vmem>>, vector<16xi32>,
        %bitcast3A_241 = vector.bitcast %get3A_240 : vector<16xi32> to vector<32xbf16>
        %unpack3A_242 = tpu.unpack_subelements %bitcast3A_241, 0 {pack_format = #tpu.pack_format<interleaved>} : vector<32xbf16> -> vector<16xf32>
        %unpack3A_243 = tpu.unpack_subelements %bitcast3A_241, 1 {pack_format = #tpu.pack_format<interleaved>} : vector<32xbf16> -> vector<16xf32>
        %mul3A_244 = arith.mulf %unpack3A, %unpack3A_242 : vector<16xf32>
        %add3A_245 = arith.addf %broadcast_in_dim3A_214, %mul3A_244 : vector<16xf32>
        %mul3A_246 = arith.mulf %unpack3A_217, %unpack3A_243 : vector<16xf32>
        %add3A_247 = arith.addf %add3A_245, %mul3A_246 : vector<16xf32>
        %get3A_248 = arith.index_cast %scan3A_212 : i32 to index
        %get3A_249 = arith.constant 0 : index
        %get3A_250 = tpu.vector_load %arg20[%get3A_248, %get3A_249] {strides = array<i32>} : memref<64x64xi32, #tpu.memory_space<vmem>>, vector<16xi32>,
        %bitcast3A_251 = vector.bitcast %get3A_250 : vector<16xi32> to vector<32xbf16>
        %unpack3A_252 = tpu.unpack_subelements %bitcast3A_251, 0 {pack_format = #tpu.pack_format<interleaved>} : vector<32xbf16> -> vector<16xf32>
        %unpack3A_253 = tpu.unpack_subelements %bitcast3A_251, 1 {pack_format = #tpu.pack_format<interleaved>} : vector<32xbf16> -> vector<16xf32>
        %mul3A_254 = arith.mulf %unpack3A, %unpack3A_252 : vector<16xf32>
        %add3A_255 = arith.addf %broadcast_in_dim3A_214, %mul3A_254 : vector<16xf32>
        %mul3A_256 = arith.mulf %unpack3A_217, %unpack3A_253 : vector<16xf32>
        %add3A_257 = arith.addf %add3A_255, %mul3A_256 : vector<16xf32>
        %get3A_258 = arith.index_cast %scan3A_212 : i32 to index
        %get3A_259 = arith.constant 16 : index
        %get3A_260 = tpu.vector_load %arg16[%get3A_258, %get3A_259] {strides = array<i32>} : memref<64x64xi32, #tpu.memory_space<vmem>>, vector<16xi32>,
        %bitcast3A_261 = vector.bitcast %get3A_260 : vector<16xi32> to vector<32xbf16>
        %unpack3A_262 = tpu.unpack_subelements %bitcast3A_261, 0 {pack_format = #tpu.pack_format<interleaved>} : vector<32xbf16> -> vector<16xf32>
        %unpack3A_263 = tpu.unpack_subelements %bitcast3A_261, 1 {pack_format = #tpu.pack_format<interleaved>} : vector<32xbf16> -> vector<16xf32>
        %get3A_264 = arith.index_cast %scan3A_212 : i32 to index
        %get3A_265 = arith.constant 16 : index
        %get3A_266 = tpu.vector_load %arg17[%get3A_264, %get3A_265] {strides = array<i32>} : memref<64x64xi32, #tpu.memory_space<vmem>>, vector<16xi32>,
        %bitcast3A_267 = vector.bitcast %get3A_266 : vector<16xi32> to vector<32xbf16>
        %unpack3A_268 = tpu.unpack_subelements %bitcast3A_267, 0 {pack_format = #tpu.pack_format<interleaved>} : vector<32xbf16> -> vector<16xf32>
        %unpack3A_269 = tpu.unpack_subelements %bitcast3A_267, 1 {pack_format = #tpu.pack_format<interleaved>} : vector<32xbf16> -> vector<16xf32>
        %mul3A_270 = arith.mulf %unpack3A_262, %unpack3A_268 : vector<16xf32>
        %add3A_271 = arith.addf %add3A_227, %mul3A_270 : vector<16xf32>
        %mul3A_272 = arith.mulf %unpack3A_263, %unpack3A_269 : vector<16xf32>
        %add3A_273 = arith.addf %add3A_271, %mul3A_272 : vector<16xf32>
        %get3A_274 = arith.index_cast %scan3A_212 : i32 to index
        %get3A_275 = arith.constant 16 : index
        %get3A_276 = tpu.vector_load %arg18[%get3A_274, %get3A_275] {strides = array<i32>} : memref<64x64xi32, #tpu.memory_space<vmem>>, vector<16xi32>,
        %bitcast3A_277 = vector.bitcast %get3A_276 : vector<16xi32> to vector<32xbf16>
        %unpack3A_278 = tpu.unpack_subelements %bitcast3A_277, 0 {pack_format = #tpu.pack_format<interleaved>} : vector<32xbf16> -> vector<16xf32>
        %unpack3A_279 = tpu.unpack_subelements %bitcast3A_277, 1 {pack_format = #tpu.pack_format<interleaved>} : vector<32xbf16> -> vector<16xf32>
        %mul3A_280 = arith.mulf %unpack3A_262, %unpack3A_278 : vector<16xf32>
        %add3A_281 = arith.addf %add3A_237, %mul3A_280 : vector<16xf32>
        %mul3A_282 = arith.mulf %unpack3A_263, %unpack3A_279 : vector<16xf32>
        %add3A_283 = arith.addf %add3A_281, %mul3A_282 : vector<16xf32>
        %get3A_284 = arith.index_cast %scan3A_212 : i32 to index
        %get3A_285 = arith.constant 16 : index
        %get3A_286 = tpu.vector_load %arg19[%get3A_284, %get3A_285] {strides = array<i32>} : memref<64x64xi32, #tpu.memory_space<vmem>>, vector<16xi32>,
        %bitcast3A_287 = vector.bitcast %get3A_286 : vector<16xi32> to vector<32xbf16>
        %unpack3A_288 = tpu.unpack_subelements %bitcast3A_287, 0 {pack_format = #tpu.pack_format<interleaved>} : vector<32xbf16> -> vector<16xf32>
        %unpack3A_289 = tpu.unpack_subelements %bitcast3A_287, 1 {pack_format = #tpu.pack_format<interleaved>} : vector<32xbf16> -> vector<16xf32>
        %mul3A_290 = arith.mulf %unpack3A_262, %unpack3A_288 : vector<16xf32>
        %add3A_291 = arith.addf %add3A_247, %mul3A_290 : vector<16xf32>
        %mul3A_292 = arith.mulf %unpack3A_263, %unpack3A_289 : vector<16xf32>
        %add3A_293 = arith.addf %add3A_291, %mul3A_292 : vector<16xf32>
        %get3A_294 = arith.index_cast %scan3A_212 : i32 to index
        %get3A_295 = arith.constant 16 : index
        %get3A_296 = tpu.vector_load %arg20[%get3A_294, %get3A_295] {strides = array<i32>} : memref<64x64xi32, #tpu.memory_space<vmem>>, vector<16xi32>,
        %bitcast3A_297 = vector.bitcast %get3A_296 : vector<16xi32> to vector<32xbf16>
        %unpack3A_298 = tpu.unpack_subelements %bitcast3A_297, 0 {pack_format = #tpu.pack_format<interleaved>} : vector<32xbf16> -> vector<16xf32>
        %unpack3A_299 = tpu.unpack_subelements %bitcast3A_297, 1 {pack_format = #tpu.pack_format<interleaved>} : vector<32xbf16> -> vector<16xf32>
        %mul3A_300 = arith.mulf %unpack3A_262, %unpack3A_298 : vector<16xf32>
        %add3A_301 = arith.addf %add3A_257, %mul3A_300 : vector<16xf32>
        %mul3A_302 = arith.mulf %unpack3A_263, %unpack3A_299 : vector<16xf32>
        %add3A_303 = arith.addf %add3A_301, %mul3A_302 : vector<16xf32>
        %get3A_304 = arith.index_cast %scan3A_212 : i32 to index
        %get3A_305 = arith.constant 32 : index
        %get3A_306 = tpu.vector_load %arg16[%get3A_304, %get3A_305] {strides = array<i32>} : memref<64x64xi32, #tpu.memory_space<vmem>>, vector<16xi32>,
        %bitcast3A_307 = vector.bitcast %get3A_306 : vector<16xi32> to vector<32xbf16>
        %unpack3A_308 = tpu.unpack_subelements %bitcast3A_307, 0 {pack_format = #tpu.pack_format<interleaved>} : vector<32xbf16> -> vector<16xf32>
        %unpack3A_309 = tpu.unpack_subelements %bitcast3A_307, 1 {pack_format = #tpu.pack_format<interleaved>} : vector<32xbf16> -> vector<16xf32>
        %get3A_310 = arith.index_cast %scan3A_212 : i32 to index
        %get3A_311 = arith.constant 32 : index
        %get3A_312 = tpu.vector_load %arg17[%get3A_310, %get3A_311] {strides = array<i32>} : memref<64x64xi32, #tpu.memory_space<vmem>>, vector<16xi32>,
        %bitcast3A_313 = vector.bitcast %get3A_312 : vector<16xi32> to vector<32xbf16>
        %unpack3A_314 = tpu.unpack_subelements %bitcast3A_313, 0 {pack_format = #tpu.pack_format<interleaved>} : vector<32xbf16> -> vector<16xf32>
        %unpack3A_315 = tpu.unpack_subelements %bitcast3A_313, 1 {pack_format = #tpu.pack_format<interleaved>} : vector<32xbf16> -> vector<16xf32>
        %mul3A_316 = arith.mulf %unpack3A_308, %unpack3A_314 : vector<16xf32>
        %add3A_317 = arith.addf %add3A_273, %mul3A_316 : vector<16xf32>
        %mul3A_318 = arith.mulf %unpack3A_309, %unpack3A_315 : vector<16xf32>
        %add3A_319 = arith.addf %add3A_317, %mul3A_318 : vector<16xf32>
        %get3A_320 = arith.index_cast %scan3A_212 : i32 to index
        %get3A_321 = arith.constant 32 : index
        %get3A_322 = tpu.vector_load %arg18[%get3A_320, %get3A_321] {strides = array<i32>} : memref<64x64xi32, #tpu.memory_space<vmem>>, vector<16xi32>,
        %bitcast3A_323 = vector.bitcast %get3A_322 : vector<16xi32> to vector<32xbf16>
        %unpack3A_324 = tpu.unpack_subelements %bitcast3A_323, 0 {pack_format = #tpu.pack_format<interleaved>} : vector<32xbf16> -> vector<16xf32>
        %unpack3A_325 = tpu.unpack_subelements %bitcast3A_323, 1 {pack_format = #tpu.pack_format<interleaved>} : vector<32xbf16> -> vector<16xf32>
        %mul3A_326 = arith.mulf %unpack3A_308, %unpack3A_324 : vector<16xf32>
        %add3A_327 = arith.addf %add3A_283, %mul3A_326 : vector<16xf32>
        %mul3A_328 = arith.mulf %unpack3A_309, %unpack3A_325 : vector<16xf32>
        %add3A_329 = arith.addf %add3A_327, %mul3A_328 : vector<16xf32>
        %get3A_330 = arith.index_cast %scan3A_212 : i32 to index
        %get3A_331 = arith.constant 32 : index
        %get3A_332 = tpu.vector_load %arg19[%get3A_330, %get3A_331] {strides = array<i32>} : memref<64x64xi32, #tpu.memory_space<vmem>>, vector<16xi32>,
        %bitcast3A_333 = vector.bitcast %get3A_332 : vector<16xi32> to vector<32xbf16>
        %unpack3A_334 = tpu.unpack_subelements %bitcast3A_333, 0 {pack_format = #tpu.pack_format<interleaved>} : vector<32xbf16> -> vector<16xf32>
        %unpack3A_335 = tpu.unpack_subelements %bitcast3A_333, 1 {pack_format = #tpu.pack_format<interleaved>} : vector<32xbf16> -> vector<16xf32>
        %mul3A_336 = arith.mulf %unpack3A_308, %unpack3A_334 : vector<16xf32>
        %add3A_337 = arith.addf %add3A_293, %mul3A_336 : vector<16xf32>
        %mul3A_338 = arith.mulf %unpack3A_309, %unpack3A_335 : vector<16xf32>
        %add3A_339 = arith.addf %add3A_337, %mul3A_338 : vector<16xf32>
        %get3A_340 = arith.index_cast %scan3A_212 : i32 to index
        %get3A_341 = arith.constant 32 : index
        %get3A_342 = tpu.vector_load %arg20[%get3A_340, %get3A_341] {strides = array<i32>} : memref<64x64xi32, #tpu.memory_space<vmem>>, vector<16xi32>,
        %bitcast3A_343 = vector.bitcast %get3A_342 : vector<16xi32> to vector<32xbf16>
        %unpack3A_344 = tpu.unpack_subelements %bitcast3A_343, 0 {pack_format = #tpu.pack_format<interleaved>} : vector<32xbf16> -> vector<16xf32>
        %unpack3A_345 = tpu.unpack_subelements %bitcast3A_343, 1 {pack_format = #tpu.pack_format<interleaved>} : vector<32xbf16> -> vector<16xf32>
        %mul3A_346 = arith.mulf %unpack3A_308, %unpack3A_344 : vector<16xf32>
        %add3A_347 = arith.addf %add3A_303, %mul3A_346 : vector<16xf32>
        %mul3A_348 = arith.mulf %unpack3A_309, %unpack3A_345 : vector<16xf32>
        %add3A_349 = arith.addf %add3A_347, %mul3A_348 : vector<16xf32>
        %get3A_350 = arith.index_cast %scan3A_212 : i32 to index
        %get3A_351 = arith.constant 48 : index
        %get3A_352 = tpu.vector_load %arg16[%get3A_350, %get3A_351] {strides = array<i32>} : memref<64x64xi32, #tpu.memory_space<vmem>>, vector<16xi32>,
        %bitcast3A_353 = vector.bitcast %get3A_352 : vector<16xi32> to vector<32xbf16>
        %unpack3A_354 = tpu.unpack_subelements %bitcast3A_353, 0 {pack_format = #tpu.pack_format<interleaved>} : vector<32xbf16> -> vector<16xf32>
        %unpack3A_355 = tpu.unpack_subelements %bitcast3A_353, 1 {pack_format = #tpu.pack_format<interleaved>} : vector<32xbf16> -> vector<16xf32>
        %get3A_356 = arith.index_cast %scan3A_212 : i32 to index
        %get3A_357 = arith.constant 48 : index
        %get3A_358 = tpu.vector_load %arg17[%get3A_356, %get3A_357] {strides = array<i32>} : memref<64x64xi32, #tpu.memory_space<vmem>>, vector<16xi32>,
        %bitcast3A_359 = vector.bitcast %get3A_358 : vector<16xi32> to vector<32xbf16>
        %unpack3A_360 = tpu.unpack_subelements %bitcast3A_359, 0 {pack_format = #tpu.pack_format<interleaved>} : vector<32xbf16> -> vector<16xf32>
        %unpack3A_361 = tpu.unpack_subelements %bitcast3A_359, 1 {pack_format = #tpu.pack_format<interleaved>} : vector<32xbf16> -> vector<16xf32>
        %mul3A_362 = arith.mulf %unpack3A_354, %unpack3A_360 : vector<16xf32>
        %add3A_363 = arith.addf %add3A_319, %mul3A_362 : vector<16xf32>
        %mul3A_364 = arith.mulf %unpack3A_355, %unpack3A_361 : vector<16xf32>
        %add3A_365 = arith.addf %add3A_363, %mul3A_364 : vector<16xf32>
        %get3A_366 = arith.index_cast %scan3A_212 : i32 to index
        %get3A_367 = arith.constant 48 : index
        %get3A_368 = tpu.vector_load %arg18[%get3A_366, %get3A_367] {strides = array<i32>} : memref<64x64xi32, #tpu.memory_space<vmem>>, vector<16xi32>,
        %bitcast3A_369 = vector.bitcast %get3A_368 : vector<16xi32> to vector<32xbf16>
        %unpack3A_370 = tpu.unpack_subelements %bitcast3A_369, 0 {pack_format = #tpu.pack_format<interleaved>} : vector<32xbf16> -> vector<16xf32>
        %unpack3A_371 = tpu.unpack_subelements %bitcast3A_369, 1 {pack_format = #tpu.pack_format<interleaved>} : vector<32xbf16> -> vector<16xf32>
        %mul3A_372 = arith.mulf %unpack3A_354, %unpack3A_370 : vector<16xf32>
        %add3A_373 = arith.addf %add3A_329, %mul3A_372 : vector<16xf32>
        %mul3A_374 = arith.mulf %unpack3A_355, %unpack3A_371 : vector<16xf32>
        %add3A_375 = arith.addf %add3A_373, %mul3A_374 : vector<16xf32>
        %get3A_376 = arith.index_cast %scan3A_212 : i32 to index
        %get3A_377 = arith.constant 48 : index
        %get3A_378 = tpu.vector_load %arg19[%get3A_376, %get3A_377] {strides = array<i32>} : memref<64x64xi32, #tpu.memory_space<vmem>>, vector<16xi32>,
        %bitcast3A_379 = vector.bitcast %get3A_378 : vector<16xi32> to vector<32xbf16>
        %unpack3A_380 = tpu.unpack_subelements %bitcast3A_379, 0 {pack_format = #tpu.pack_format<interleaved>} : vector<32xbf16> -> vector<16xf32>
        %unpack3A_381 = tpu.unpack_subelements %bitcast3A_379, 1 {pack_format = #tpu.pack_format<interleaved>} : vector<32xbf16> -> vector<16xf32>
        %mul3A_382 = arith.mulf %unpack3A_354, %unpack3A_380 : vector<16xf32>
        %add3A_383 = arith.addf %add3A_339, %mul3A_382 : vector<16xf32>
        %mul3A_384 = arith.mulf %unpack3A_355, %unpack3A_381 : vector<16xf32>
        %add3A_385 = arith.addf %add3A_383, %mul3A_384 : vector<16xf32>
        %get3A_386 = arith.index_cast %scan3A_212 : i32 to index
        %get3A_387 = arith.constant 48 : index
        %get3A_388 = tpu.vector_load %arg20[%get3A_386, %get3A_387] {strides = array<i32>} : memref<64x64xi32, #tpu.memory_space<vmem>>, vector<16xi32>,
        %bitcast3A_389 = vector.bitcast %get3A_388 : vector<16xi32> to vector<32xbf16>
        %unpack3A_390 = tpu.unpack_subelements %bitcast3A_389, 0 {pack_format = #tpu.pack_format<interleaved>} : vector<32xbf16> -> vector<16xf32>
        %unpack3A_391 = tpu.unpack_subelements %bitcast3A_389, 1 {pack_format = #tpu.pack_format<interleaved>} : vector<32xbf16> -> vector<16xf32>
        %mul3A_392 = arith.mulf %unpack3A_354, %unpack3A_390 : vector<16xf32>
        %add3A_393 = arith.addf %add3A_349, %mul3A_392 : vector<16xf32>
        %mul3A_394 = arith.mulf %unpack3A_355, %unpack3A_391 : vector<16xf32>
        %add3A_395 = arith.addf %add3A_393, %mul3A_394 : vector<16xf32>
        %broadcast_in_dim3A_396 = arith.constant true
        %broadcast_in_dim3A_397 = vector.broadcast %broadcast_in_dim3A_396 : i1 to vector<16xi1>
        %masked_cumsum3A = tpu.scan <sum>, %add3A_365 masked %broadcast_in_dim3A_397 : vector<16xf32>, vector<16xi1> -> vector<16xf32>
        %broadcast_in_dim3A_398 = arith.constant 0 : i32
        %broadcast_in_dim3A_399 = vector.broadcast %broadcast_in_dim3A_398 : i32 to vector<16xi32>
        %add3A_400 = vector.broadcast %scan3A_212 : i32 to vector<16xi32>
        %add3A_401 = arith.addi %broadcast_in_dim3A_399, %add3A_400 : vector<16xi32>
        tpu.vector_store_idx %arg22[%add3A_401], %masked_cumsum3A masked %eq3A_5 : memref<256xf32, #tpu.memory_space<vmem>>[vector<16xi32>], vector<16xf32>, vector<16xi1>
        %broadcast_in_dim3A_402 = arith.constant true
        %broadcast_in_dim3A_403 = vector.broadcast %broadcast_in_dim3A_402 : i1 to vector<16xi1>
        %masked_cumsum3A_404 = tpu.scan <sum>, %add3A_375 masked %broadcast_in_dim3A_403 : vector<16xf32>, vector<16xi1> -> vector<16xf32>
        %broadcast_in_dim3A_405 = arith.constant 64 : i32
        %broadcast_in_dim3A_406 = vector.broadcast %broadcast_in_dim3A_405 : i32 to vector<16xi32>
        %add3A_407 = vector.broadcast %scan3A_212 : i32 to vector<16xi32>
        %add3A_408 = arith.addi %broadcast_in_dim3A_406, %add3A_407 : vector<16xi32>
        tpu.vector_store_idx %arg22[%add3A_408], %masked_cumsum3A_404 masked %eq3A_5 : memref<256xf32, #tpu.memory_space<vmem>>[vector<16xi32>], vector<16xf32>, vector<16xi1>
        %broadcast_in_dim3A_409 = arith.constant true
        %broadcast_in_dim3A_410 = vector.broadcast %broadcast_in_dim3A_409 : i1 to vector<16xi1>
        %masked_cumsum3A_411 = tpu.scan <sum>, %add3A_385 masked %broadcast_in_dim3A_410 : vector<16xf32>, vector<16xi1> -> vector<16xf32>
        %broadcast_in_dim3A_412 = arith.constant 128 : i32
        %broadcast_in_dim3A_413 = vector.broadcast %broadcast_in_dim3A_412 : i32 to vector<16xi32>
        %add3A_414 = vector.broadcast %scan3A_212 : i32 to vector<16xi32>
        %add3A_415 = arith.addi %broadcast_in_dim3A_413, %add3A_414 : vector<16xi32>
        tpu.vector_store_idx %arg22[%add3A_415], %masked_cumsum3A_411 masked %eq3A_5 : memref<256xf32, #tpu.memory_space<vmem>>[vector<16xi32>], vector<16xf32>, vector<16xi1>
        %broadcast_in_dim3A_416 = arith.constant true
        %broadcast_in_dim3A_417 = vector.broadcast %broadcast_in_dim3A_416 : i1 to vector<16xi1>
        %masked_cumsum3A_418 = tpu.scan <sum>, %add3A_395 masked %broadcast_in_dim3A_417 : vector<16xf32>, vector<16xi1> -> vector<16xf32>
        %broadcast_in_dim3A_419 = arith.constant 192 : i32
        %broadcast_in_dim3A_420 = vector.broadcast %broadcast_in_dim3A_419 : i32 to vector<16xi32>
        %add3A_421 = vector.broadcast %scan3A_212 : i32 to vector<16xi32>
        %add3A_422 = arith.addi %broadcast_in_dim3A_420, %add3A_421 : vector<16xi32>
        tpu.vector_store_idx %arg22[%add3A_422], %masked_cumsum3A_418 masked %eq3A_5 : memref<256xf32, #tpu.memory_space<vmem>>[vector<16xi32>], vector<16xf32>, vector<16xi1>
        %scan3A_423 = arith.constant 1 : i32
        %scan3A_424 = arith.addi %scan3A_212, %scan3A_423 : i32
        %broadcast_in_dim3A_425 = arith.constant 0.000000e+00 : f32
        %broadcast_in_dim3A_426 = vector.broadcast %broadcast_in_dim3A_425 : f32 to vector<16xf32>
        %get3A_427 = arith.index_cast %scan3A_424 : i32 to index
        %get3A_428 = arith.constant 0 : index
        %get3A_429 = tpu.vector_load %arg16[%get3A_427, %get3A_428] {strides = array<i32>} : memref<64x64xi32, #tpu.memory_space<vmem>>, vector<16xi32>,
        %bitcast3A_430 = vector.bitcast %get3A_429 : vector<16xi32> to vector<32xbf16>
        %unpack3A_431 = tpu.unpack_subelements %bitcast3A_430, 0 {pack_format = #tpu.pack_format<interleaved>} : vector<32xbf16> -> vector<16xf32>
        %unpack3A_432 = tpu.unpack_subelements %bitcast3A_430, 1 {pack_format = #tpu.pack_format<interleaved>} : vector<32xbf16> -> vector<16xf32>
        %get3A_433 = arith.index_cast %scan3A_424 : i32 to index
        %get3A_434 = arith.constant 0 : index
        %get3A_435 = tpu.vector_load %arg17[%get3A_433, %get3A_434] {strides = array<i32>} : memref<64x64xi32, #tpu.memory_space<vmem>>, vector<16xi32>,
        %bitcast3A_436 = vector.bitcast %get3A_435 : vector<16xi32> to vector<32xbf16>
        %unpack3A_437 = tpu.unpack_subelements %bitcast3A_436, 0 {pack_format = #tpu.pack_format<interleaved>} : vector<32xbf16> -> vector<16xf32>
        %unpack3A_438 = tpu.unpack_subelements %bitcast3A_436, 1 {pack_format = #tpu.pack_format<interleaved>} : vector<32xbf16> -> vector<16xf32>
        %mul3A_439 = arith.mulf %unpack3A_431, %unpack3A_437 : vector<16xf32>
        %add3A_440 = arith.addf %broadcast_in_dim3A_426, %mul3A_439 : vector<16xf32>
        %mul3A_441 = arith.mulf %unpack3A_432, %unpack3A_438 : vector<16xf32>
        %add3A_442 = arith.addf %add3A_440, %mul3A_441 : vector<16xf32>
        %get3A_443 = arith.index_cast %scan3A_424 : i32 to index
        %get3A_444 = arith.constant 0 : index
        %get3A_445 = tpu.vector_load %arg18[%get3A_443, %get3A_444] {strides = array<i32>} : memref<64x64xi32, #tpu.memory_space<vmem>>, vector<16xi32>,
        %bitcast3A_446 = vector.bitcast %get3A_445 : vector<16xi32> to vector<32xbf16>
        %unpack3A_447 = tpu.unpack_subelements %bitcast3A_446, 0 {pack_format = #tpu.pack_format<interleaved>} : vector<32xbf16> -> vector<16xf32>
        %unpack3A_448 = tpu.unpack_subelements %bitcast3A_446, 1 {pack_format = #tpu.pack_format<interleaved>} : vector<32xbf16> -> vector<16xf32>
        %mul3A_449 = arith.mulf %unpack3A_431, %unpack3A_447 : vector<16xf32>
        %add3A_450 = arith.addf %broadcast_in_dim3A_426, %mul3A_449 : vector<16xf32>
        %mul3A_451 = arith.mulf %unpack3A_432, %unpack3A_448 : vector<16xf32>
        %add3A_452 = arith.addf %add3A_450, %mul3A_451 : vector<16xf32>
        %get3A_453 = arith.index_cast %scan3A_424 : i32 to index
        %get3A_454 = arith.constant 0 : index
        %get3A_455 = tpu.vector_load %arg19[%get3A_453, %get3A_454] {strides = array<i32>} : memref<64x64xi32, #tpu.memory_space<vmem>>, vector<16xi32>,
        %bitcast3A_456 = vector.bitcast %get3A_455 : vector<16xi32> to vector<32xbf16>
        %unpack3A_457 = tpu.unpack_subelements %bitcast3A_456, 0 {pack_format = #tpu.pack_format<interleaved>} : vector<32xbf16> -> vector<16xf32>
        %unpack3A_458 = tpu.unpack_subelements %bitcast3A_456, 1 {pack_format = #tpu.pack_format<interleaved>} : vector<32xbf16> -> vector<16xf32>
        %mul3A_459 = arith.mulf %unpack3A_431, %unpack3A_457 : vector<16xf32>
        %add3A_460 = arith.addf %broadcast_in_dim3A_426, %mul3A_459 : vector<16xf32>
        %mul3A_461 = arith.mulf %unpack3A_432, %unpack3A_458 : vector<16xf32>
        %add3A_462 = arith.addf %add3A_460, %mul3A_461 : vector<16xf32>
        %get3A_463 = arith.index_cast %scan3A_424 : i32 to index
        %get3A_464 = arith.constant 0 : index
        %get3A_465 = tpu.vector_load %arg20[%get3A_463, %get3A_464] {strides = array<i32>} : memref<64x64xi32, #tpu.memory_space<vmem>>, vector<16xi32>,
        %bitcast3A_466 = vector.bitcast %get3A_465 : vector<16xi32> to vector<32xbf16>
        %unpack3A_467 = tpu.unpack_subelements %bitcast3A_466, 0 {pack_format = #tpu.pack_format<interleaved>} : vector<32xbf16> -> vector<16xf32>
        %unpack3A_468 = tpu.unpack_subelements %bitcast3A_466, 1 {pack_format = #tpu.pack_format<interleaved>} : vector<32xbf16> -> vector<16xf32>
        %mul3A_469 = arith.mulf %unpack3A_431, %unpack3A_467 : vector<16xf32>
        %add3A_470 = arith.addf %broadcast_in_dim3A_426, %mul3A_469 : vector<16xf32>
        %mul3A_471 = arith.mulf %unpack3A_432, %unpack3A_468 : vector<16xf32>
        %add3A_472 = arith.addf %add3A_470, %mul3A_471 : vector<16xf32>
        %get3A_473 = arith.index_cast %scan3A_424 : i32 to index
        %get3A_474 = arith.constant 16 : index
        %get3A_475 = tpu.vector_load %arg16[%get3A_473, %get3A_474] {strides = array<i32>} : memref<64x64xi32, #tpu.memory_space<vmem>>, vector<16xi32>,
        %bitcast3A_476 = vector.bitcast %get3A_475 : vector<16xi32> to vector<32xbf16>
        %unpack3A_477 = tpu.unpack_subelements %bitcast3A_476, 0 {pack_format = #tpu.pack_format<interleaved>} : vector<32xbf16> -> vector<16xf32>
        %unpack3A_478 = tpu.unpack_subelements %bitcast3A_476, 1 {pack_format = #tpu.pack_format<interleaved>} : vector<32xbf16> -> vector<16xf32>
        %get3A_479 = arith.index_cast %scan3A_424 : i32 to index
        %get3A_480 = arith.constant 16 : index
        %get3A_481 = tpu.vector_load %arg17[%get3A_479, %get3A_480] {strides = array<i32>} : memref<64x64xi32, #tpu.memory_space<vmem>>, vector<16xi32>,
        %bitcast3A_482 = vector.bitcast %get3A_481 : vector<16xi32> to vector<32xbf16>
        %unpack3A_483 = tpu.unpack_subelements %bitcast3A_482, 0 {pack_format = #tpu.pack_format<interleaved>} : vector<32xbf16> -> vector<16xf32>
        %unpack3A_484 = tpu.unpack_subelements %bitcast3A_482, 1 {pack_format = #tpu.pack_format<interleaved>} : vector<32xbf16> -> vector<16xf32>
        %mul3A_485 = arith.mulf %unpack3A_477, %unpack3A_483 : vector<16xf32>
        %add3A_486 = arith.addf %add3A_442, %mul3A_485 : vector<16xf32>
        %mul3A_487 = arith.mulf %unpack3A_478, %unpack3A_484 : vector<16xf32>
        %add3A_488 = arith.addf %add3A_486, %mul3A_487 : vector<16xf32>
        %get3A_489 = arith.index_cast %scan3A_424 : i32 to index
        %get3A_490 = arith.constant 16 : index
        %get3A_491 = tpu.vector_load %arg18[%get3A_489, %get3A_490] {strides = array<i32>} : memref<64x64xi32, #tpu.memory_space<vmem>>, vector<16xi32>,
        %bitcast3A_492 = vector.bitcast %get3A_491 : vector<16xi32> to vector<32xbf16>
        %unpack3A_493 = tpu.unpack_subelements %bitcast3A_492, 0 {pack_format = #tpu.pack_format<interleaved>} : vector<32xbf16> -> vector<16xf32>
        %unpack3A_494 = tpu.unpack_subelements %bitcast3A_492, 1 {pack_format = #tpu.pack_format<interleaved>} : vector<32xbf16> -> vector<16xf32>
        %mul3A_495 = arith.mulf %unpack3A_477, %unpack3A_493 : vector<16xf32>
        %add3A_496 = arith.addf %add3A_452, %mul3A_495 : vector<16xf32>
        %mul3A_497 = arith.mulf %unpack3A_478, %unpack3A_494 : vector<16xf32>
        %add3A_498 = arith.addf %add3A_496, %mul3A_497 : vector<16xf32>
        %get3A_499 = arith.index_cast %scan3A_424 : i32 to index
        %get3A_500 = arith.constant 16 : index
        %get3A_501 = tpu.vector_load %arg19[%get3A_499, %get3A_500] {strides = array<i32>} : memref<64x64xi32, #tpu.memory_space<vmem>>, vector<16xi32>,
        %bitcast3A_502 = vector.bitcast %get3A_501 : vector<16xi32> to vector<32xbf16>
        %unpack3A_503 = tpu.unpack_subelements %bitcast3A_502, 0 {pack_format = #tpu.pack_format<interleaved>} : vector<32xbf16> -> vector<16xf32>
        %unpack3A_504 = tpu.unpack_subelements %bitcast3A_502, 1 {pack_format = #tpu.pack_format<interleaved>} : vector<32xbf16> -> vector<16xf32>
        %mul3A_505 = arith.mulf %unpack3A_477, %unpack3A_503 : vector<16xf32>
        %add3A_506 = arith.addf %add3A_462, %mul3A_505 : vector<16xf32>
        %mul3A_507 = arith.mulf %unpack3A_478, %unpack3A_504 : vector<16xf32>
        %add3A_508 = arith.addf %add3A_506, %mul3A_507 : vector<16xf32>
        %get3A_509 = arith.index_cast %scan3A_424 : i32 to index
        %get3A_510 = arith.constant 16 : index
        %get3A_511 = tpu.vector_load %arg20[%get3A_509, %get3A_510] {strides = array<i32>} : memref<64x64xi32, #tpu.memory_space<vmem>>, vector<16xi32>,
        %bitcast3A_512 = vector.bitcast %get3A_511 : vector<16xi32> to vector<32xbf16>
        %unpack3A_513 = tpu.unpack_subelements %bitcast3A_512, 0 {pack_format = #tpu.pack_format<interleaved>} : vector<32xbf16> -> vector<16xf32>
        %unpack3A_514 = tpu.unpack_subelements %bitcast3A_512, 1 {pack_format = #tpu.pack_format<interleaved>} : vector<32xbf16> -> vector<16xf32>
        %mul3A_515 = arith.mulf %unpack3A_477, %unpack3A_513 : vector<16xf32>
        %add3A_516 = arith.addf %add3A_472, %mul3A_515 : vector<16xf32>
        %mul3A_517 = arith.mulf %unpack3A_478, %unpack3A_514 : vector<16xf32>
        %add3A_518 = arith.addf %add3A_516, %mul3A_517 : vector<16xf32>
        %get3A_519 = arith.index_cast %scan3A_424 : i32 to index
        %get3A_520 = arith.constant 32 : index
        %get3A_521 = tpu.vector_load %arg16[%get3A_519, %get3A_520] {strides = array<i32>} : memref<64x64xi32, #tpu.memory_space<vmem>>, vector<16xi32>,
        %bitcast3A_522 = vector.bitcast %get3A_521 : vector<16xi32> to vector<32xbf16>
        %unpack3A_523 = tpu.unpack_subelements %bitcast3A_522, 0 {pack_format = #tpu.pack_format<interleaved>} : vector<32xbf16> -> vector<16xf32>
        %unpack3A_524 = tpu.unpack_subelements %bitcast3A_522, 1 {pack_format = #tpu.pack_format<interleaved>} : vector<32xbf16> -> vector<16xf32>
        %get3A_525 = arith.index_cast %scan3A_424 : i32 to index
        %get3A_526 = arith.constant 32 : index
        %get3A_527 = tpu.vector_load %arg17[%get3A_525, %get3A_526] {strides = array<i32>} : memref<64x64xi32, #tpu.memory_space<vmem>>, vector<16xi32>,
        %bitcast3A_528 = vector.bitcast %get3A_527 : vector<16xi32> to vector<32xbf16>
        %unpack3A_529 = tpu.unpack_subelements %bitcast3A_528, 0 {pack_format = #tpu.pack_format<interleaved>} : vector<32xbf16> -> vector<16xf32>
        %unpack3A_530 = tpu.unpack_subelements %bitcast3A_528, 1 {pack_format = #tpu.pack_format<interleaved>} : vector<32xbf16> -> vector<16xf32>
        %mul3A_531 = arith.mulf %unpack3A_523, %unpack3A_529 : vector<16xf32>
        %add3A_532 = arith.addf %add3A_488, %mul3A_531 : vector<16xf32>
        %mul3A_533 = arith.mulf %unpack3A_524, %unpack3A_530 : vector<16xf32>
        %add3A_534 = arith.addf %add3A_532, %mul3A_533 : vector<16xf32>
        %get3A_535 = arith.index_cast %scan3A_424 : i32 to index
        %get3A_536 = arith.constant 32 : index
        %get3A_537 = tpu.vector_load %arg18[%get3A_535, %get3A_536] {strides = array<i32>} : memref<64x64xi32, #tpu.memory_space<vmem>>, vector<16xi32>,
        %bitcast3A_538 = vector.bitcast %get3A_537 : vector<16xi32> to vector<32xbf16>
        %unpack3A_539 = tpu.unpack_subelements %bitcast3A_538, 0 {pack_format = #tpu.pack_format<interleaved>} : vector<32xbf16> -> vector<16xf32>
        %unpack3A_540 = tpu.unpack_subelements %bitcast3A_538, 1 {pack_format = #tpu.pack_format<interleaved>} : vector<32xbf16> -> vector<16xf32>
        %mul3A_541 = arith.mulf %unpack3A_523, %unpack3A_539 : vector<16xf32>
        %add3A_542 = arith.addf %add3A_498, %mul3A_541 : vector<16xf32>
        %mul3A_543 = arith.mulf %unpack3A_524, %unpack3A_540 : vector<16xf32>
        %add3A_544 = arith.addf %add3A_542, %mul3A_543 : vector<16xf32>
        %get3A_545 = arith.index_cast %scan3A_424 : i32 to index
        %get3A_546 = arith.constant 32 : index
        %get3A_547 = tpu.vector_load %arg19[%get3A_545, %get3A_546] {strides = array<i32>} : memref<64x64xi32, #tpu.memory_space<vmem>>, vector<16xi32>,
        %bitcast3A_548 = vector.bitcast %get3A_547 : vector<16xi32> to vector<32xbf16>
        %unpack3A_549 = tpu.unpack_subelements %bitcast3A_548, 0 {pack_format = #tpu.pack_format<interleaved>} : vector<32xbf16> -> vector<16xf32>
        %unpack3A_550 = tpu.unpack_subelements %bitcast3A_548, 1 {pack_format = #tpu.pack_format<interleaved>} : vector<32xbf16> -> vector<16xf32>
        %mul3A_551 = arith.mulf %unpack3A_523, %unpack3A_549 : vector<16xf32>
        %add3A_552 = arith.addf %add3A_508, %mul3A_551 : vector<16xf32>
        %mul3A_553 = arith.mulf %unpack3A_524, %unpack3A_550 : vector<16xf32>
        %add3A_554 = arith.addf %add3A_552, %mul3A_553 : vector<16xf32>
        %get3A_555 = arith.index_cast %scan3A_424 : i32 to index
        %get3A_556 = arith.constant 32 : index
        %get3A_557 = tpu.vector_load %arg20[%get3A_555, %get3A_556] {strides = array<i32>} : memref<64x64xi32, #tpu.memory_space<vmem>>, vector<16xi32>,
        %bitcast3A_558 = vector.bitcast %get3A_557 : vector<16xi32> to vector<32xbf16>
        %unpack3A_559 = tpu.unpack_subelements %bitcast3A_558, 0 {pack_format = #tpu.pack_format<interleaved>} : vector<32xbf16> -> vector<16xf32>
        %unpack3A_560 = tpu.unpack_subelements %bitcast3A_558, 1 {pack_format = #tpu.pack_format<interleaved>} : vector<32xbf16> -> vector<16xf32>
        %mul3A_561 = arith.mulf %unpack3A_523, %unpack3A_559 : vector<16xf32>
        %add3A_562 = arith.addf %add3A_518, %mul3A_561 : vector<16xf32>
        %mul3A_563 = arith.mulf %unpack3A_524, %unpack3A_560 : vector<16xf32>
        %add3A_564 = arith.addf %add3A_562, %mul3A_563 : vector<16xf32>
        %get3A_565 = arith.index_cast %scan3A_424 : i32 to index
        %get3A_566 = arith.constant 48 : index
        %get3A_567 = tpu.vector_load %arg16[%get3A_565, %get3A_566] {strides = array<i32>} : memref<64x64xi32, #tpu.memory_space<vmem>>, vector<16xi32>,
        %bitcast3A_568 = vector.bitcast %get3A_567 : vector<16xi32> to vector<32xbf16>
        %unpack3A_569 = tpu.unpack_subelements %bitcast3A_568, 0 {pack_format = #tpu.pack_format<interleaved>} : vector<32xbf16> -> vector<16xf32>
        %unpack3A_570 = tpu.unpack_subelements %bitcast3A_568, 1 {pack_format = #tpu.pack_format<interleaved>} : vector<32xbf16> -> vector<16xf32>
        %get3A_571 = arith.index_cast %scan3A_424 : i32 to index
        %get3A_572 = arith.constant 48 : index
        %get3A_573 = tpu.vector_load %arg17[%get3A_571, %get3A_572] {strides = array<i32>} : memref<64x64xi32, #tpu.memory_space<vmem>>, vector<16xi32>,
        %bitcast3A_574 = vector.bitcast %get3A_573 : vector<16xi32> to vector<32xbf16>
        %unpack3A_575 = tpu.unpack_subelements %bitcast3A_574, 0 {pack_format = #tpu.pack_format<interleaved>} : vector<32xbf16> -> vector<16xf32>
        %unpack3A_576 = tpu.unpack_subelements %bitcast3A_574, 1 {pack_format = #tpu.pack_format<interleaved>} : vector<32xbf16> -> vector<16xf32>
        %mul3A_577 = arith.mulf %unpack3A_569, %unpack3A_575 : vector<16xf32>
        %add3A_578 = arith.addf %add3A_534, %mul3A_577 : vector<16xf32>
        %mul3A_579 = arith.mulf %unpack3A_570, %unpack3A_576 : vector<16xf32>
        %add3A_580 = arith.addf %add3A_578, %mul3A_579 : vector<16xf32>
        %get3A_581 = arith.index_cast %scan3A_424 : i32 to index
        %get3A_582 = arith.constant 48 : index
        %get3A_583 = tpu.vector_load %arg18[%get3A_581, %get3A_582] {strides = array<i32>} : memref<64x64xi32, #tpu.memory_space<vmem>>, vector<16xi32>,
        %bitcast3A_584 = vector.bitcast %get3A_583 : vector<16xi32> to vector<32xbf16>
        %unpack3A_585 = tpu.unpack_subelements %bitcast3A_584, 0 {pack_format = #tpu.pack_format<interleaved>} : vector<32xbf16> -> vector<16xf32>
        %unpack3A_586 = tpu.unpack_subelements %bitcast3A_584, 1 {pack_format = #tpu.pack_format<interleaved>} : vector<32xbf16> -> vector<16xf32>
        %mul3A_587 = arith.mulf %unpack3A_569, %unpack3A_585 : vector<16xf32>
        %add3A_588 = arith.addf %add3A_544, %mul3A_587 : vector<16xf32>
        %mul3A_589 = arith.mulf %unpack3A_570, %unpack3A_586 : vector<16xf32>
        %add3A_590 = arith.addf %add3A_588, %mul3A_589 : vector<16xf32>
        %get3A_591 = arith.index_cast %scan3A_424 : i32 to index
        %get3A_592 = arith.constant 48 : index
        %get3A_593 = tpu.vector_load %arg19[%get3A_591, %get3A_592] {strides = array<i32>} : memref<64x64xi32, #tpu.memory_space<vmem>>, vector<16xi32>,
        %bitcast3A_594 = vector.bitcast %get3A_593 : vector<16xi32> to vector<32xbf16>
        %unpack3A_595 = tpu.unpack_subelements %bitcast3A_594, 0 {pack_format = #tpu.pack_format<interleaved>} : vector<32xbf16> -> vector<16xf32>
        %unpack3A_596 = tpu.unpack_subelements %bitcast3A_594, 1 {pack_format = #tpu.pack_format<interleaved>} : vector<32xbf16> -> vector<16xf32>
        %mul3A_597 = arith.mulf %unpack3A_569, %unpack3A_595 : vector<16xf32>
        %add3A_598 = arith.addf %add3A_554, %mul3A_597 : vector<16xf32>
        %mul3A_599 = arith.mulf %unpack3A_570, %unpack3A_596 : vector<16xf32>
        %add3A_600 = arith.addf %add3A_598, %mul3A_599 : vector<16xf32>
        %get3A_601 = arith.index_cast %scan3A_424 : i32 to index
        %get3A_602 = arith.constant 48 : index
        %get3A_603 = tpu.vector_load %arg20[%get3A_601, %get3A_602] {strides = array<i32>} : memref<64x64xi32, #tpu.memory_space<vmem>>, vector<16xi32>,
        %bitcast3A_604 = vector.bitcast %get3A_603 : vector<16xi32> to vector<32xbf16>
        %unpack3A_605 = tpu.unpack_subelements %bitcast3A_604, 0 {pack_format = #tpu.pack_format<interleaved>} : vector<32xbf16> -> vector<16xf32>
        %unpack3A_606 = tpu.unpack_subelements %bitcast3A_604, 1 {pack_format = #tpu.pack_format<interleaved>} : vector<32xbf16> -> vector<16xf32>
        %mul3A_607 = arith.mulf %unpack3A_569, %unpack3A_605 : vector<16xf32>
        %add3A_608 = arith.addf %add3A_564, %mul3A_607 : vector<16xf32>
        %mul3A_609 = arith.mulf %unpack3A_570, %unpack3A_606 : vector<16xf32>
        %add3A_610 = arith.addf %add3A_608, %mul3A_609 : vector<16xf32>
        %broadcast_in_dim3A_611 = arith.constant true
        %broadcast_in_dim3A_612 = vector.broadcast %broadcast_in_dim3A_611 : i1 to vector<16xi1>
        %masked_cumsum3A_613 = tpu.scan <sum>, %add3A_580 masked %broadcast_in_dim3A_612 : vector<16xf32>, vector<16xi1> -> vector<16xf32>
        %broadcast_in_dim3A_614 = arith.constant 0 : i32
        %broadcast_in_dim3A_615 = vector.broadcast %broadcast_in_dim3A_614 : i32 to vector<16xi32>
        %add3A_616 = vector.broadcast %scan3A_424 : i32 to vector<16xi32>
        %add3A_617 = arith.addi %broadcast_in_dim3A_615, %add3A_616 : vector<16xi32>
        tpu.vector_store_idx %arg22[%add3A_617], %masked_cumsum3A_613 masked %eq3A_5 : memref<256xf32, #tpu.memory_space<vmem>>[vector<16xi32>], vector<16xf32>, vector<16xi1>
        %broadcast_in_dim3A_618 = arith.constant true
        %broadcast_in_dim3A_619 = vector.broadcast %broadcast_in_dim3A_618 : i1 to vector<16xi1>
        %masked_cumsum3A_620 = tpu.scan <sum>, %add3A_590 masked %broadcast_in_dim3A_619 : vector<16xf32>, vector<16xi1> -> vector<16xf32>
        %broadcast_in_dim3A_621 = arith.constant 64 : i32
        %broadcast_in_dim3A_622 = vector.broadcast %broadcast_in_dim3A_621 : i32 to vector<16xi32>
        %add3A_623 = vector.broadcast %scan3A_424 : i32 to vector<16xi32>
        %add3A_624 = arith.addi %broadcast_in_dim3A_622, %add3A_623 : vector<16xi32>
        tpu.vector_store_idx %arg22[%add3A_624], %masked_cumsum3A_620 masked %eq3A_5 : memref<256xf32, #tpu.memory_space<vmem>>[vector<16xi32>], vector<16xf32>, vector<16xi1>
        %broadcast_in_dim3A_625 = arith.constant true
        %broadcast_in_dim3A_626 = vector.broadcast %broadcast_in_dim3A_625 : i1 to vector<16xi1>
        %masked_cumsum3A_627 = tpu.scan <sum>, %add3A_600 masked %broadcast_in_dim3A_626 : vector<16xf32>, vector<16xi1> -> vector<16xf32>
        %broadcast_in_dim3A_628 = arith.constant 128 : i32
        %broadcast_in_dim3A_629 = vector.broadcast %broadcast_in_dim3A_628 : i32 to vector<16xi32>
        %add3A_630 = vector.broadcast %scan3A_424 : i32 to vector<16xi32>
        %add3A_631 = arith.addi %broadcast_in_dim3A_629, %add3A_630 : vector<16xi32>
        tpu.vector_store_idx %arg22[%add3A_631], %masked_cumsum3A_627 masked %eq3A_5 : memref<256xf32, #tpu.memory_space<vmem>>[vector<16xi32>], vector<16xf32>, vector<16xi1>
        %broadcast_in_dim3A_632 = arith.constant true
        %broadcast_in_dim3A_633 = vector.broadcast %broadcast_in_dim3A_632 : i1 to vector<16xi1>
        %masked_cumsum3A_634 = tpu.scan <sum>, %add3A_610 masked %broadcast_in_dim3A_633 : vector<16xf32>, vector<16xi1> -> vector<16xf32>
        %broadcast_in_dim3A_635 = arith.constant 192 : i32
        %broadcast_in_dim3A_636 = vector.broadcast %broadcast_in_dim3A_635 : i32 to vector<16xi32>
        %add3A_637 = vector.broadcast %scan3A_424 : i32 to vector<16xi32>
        %add3A_638 = arith.addi %broadcast_in_dim3A_636, %add3A_637 : vector<16xi32>
        tpu.vector_store_idx %arg22[%add3A_638], %masked_cumsum3A_634 masked %eq3A_5 : memref<256xf32, #tpu.memory_space<vmem>>[vector<16xi32>], vector<16xf32>, vector<16xi1>
      }
      %scan3A_202 = arith.constant 64 : i32
      %mul3A_203 = arith.constant 160 : i32
      %mul3A_204 = arith.muli %add3A, %mul3A_203 : i32
      %add3A_205 = arith.addi %mul3A_204, %add3A_64 : i32
      %dma_start3A_206 = arith.constant 0 : i32
      %dma_start3A_207 = tpu.memref_slice %arg5[%add3A_205, %dma_start3A_206] : memref<5120x256xf32, #tpu.memory_space<hbm>> -> memref<1x256xf32, #tpu.memory_space<hbm>>
      %dma_start3A_208 = tpu.memref_squeeze %dma_start3A_207 : memref<1x256xf32, #tpu.memory_space<hbm>> -> memref<256xf32, #tpu.memory_space<hbm>>
      %dma_start3A_209 = arith.constant 0 : i32
      %dma_start3A_210 = tpu.memref_slice %arg5[%add3A_205, %dma_start3A_209] : memref<5120x256xf32, #tpu.memory_space<hbm>> -> memref<1x256xf32, #tpu.memory_space<hbm>>
      %dma_start3A_211 = tpu.memref_squeeze %dma_start3A_210 : memref<1x256xf32, #tpu.memory_space<hbm>> -> memref<256xf32, #tpu.memory_space<hbm>>
      tpu.enqueue_dma source(%arg22 : memref<256xf32, #tpu.memory_space<vmem>>) target(%dma_start3A_211 : memref<256xf32, #tpu.memory_space<hbm>>) target_semaphore(%arg29 : memref<!tpu.dma_semaphore, #tpu.memory_space<semaphore_mem>>)
      scf.yield %scan3A_185 : vector<16xf32>
    }
    %scan3A_42 = arith.constant 80 : i32
    %dma_wait3A = arith.constant 0 : i32
    %dma_wait3A_43 = arith.constant 0 : i32
    %dma_wait3A_44 = tpu.memref_slice %arg3[%add3A, %dma_wait3A, %dma_wait3A_43] : memref<32x160x384xi32, #tpu.memory_space<hbm>> -> memref<1x1x384xi32, #tpu.memory_space<hbm>>
    %dma_wait3A_45 = tpu.memref_squeeze %dma_wait3A_44 : memref<1x1x384xi32, #tpu.memory_space<hbm>> -> memref<384xi32, #tpu.memory_space<hbm>>
    %dma_wait3A_46 = arith.constant 0 : i32
    %dma_wait3A_47 = tpu.memref_slice %arg3[%add3A, %dma_wait3A, %dma_wait3A_46] : memref<32x160x384xi32, #tpu.memory_space<hbm>> -> memref<1x1x384xi32, #tpu.memory_space<hbm>>
    %dma_wait3A_48 = tpu.memref_squeeze %dma_wait3A_47 : memref<1x1x384xi32, #tpu.memory_space<hbm>> -> memref<384xi32, #tpu.memory_space<hbm>>
    tpu.wait_dma2 semaphore(%arg28 : memref<!tpu.dma_semaphore, #tpu.memory_space<semaphore_mem>>) src(%dma_wait3A_48 : memref<384xi32, #tpu.memory_space<hbm>>) dst(%arg21 : memref<256xf32, #tpu.memory_space<vmem>>)
    %dma_wait3A_49 = arith.constant 0 : i32
    %dma_wait3A_50 = arith.constant 0 : i32
    %dma_wait3A_51 = tpu.memref_slice %arg3[%add3A, %dma_wait3A_49, %dma_wait3A_50] : memref<32x160x384xi32, #tpu.memory_space<hbm>> -> memref<1x1x384xi32, #tpu.memory_space<hbm>>
    %dma_wait3A_52 = tpu.memref_squeeze %dma_wait3A_51 : memref<1x1x384xi32, #tpu.memory_space<hbm>> -> memref<384xi32, #tpu.memory_space<hbm>>
    %dma_wait3A_53 = arith.constant 0 : i32
    %dma_wait3A_54 = tpu.memref_slice %arg3[%add3A, %dma_wait3A_49, %dma_wait3A_53] : memref<32x160x384xi32, #tpu.memory_space<hbm>> -> memref<1x1x384xi32, #tpu.memory_space<hbm>>
    %dma_wait3A_55 = tpu.memref_squeeze %dma_wait3A_54 : memref<1x1x384xi32, #tpu.memory_space<hbm>> -> memref<384xi32, #tpu.memory_space<hbm>>
    tpu.wait_dma2 semaphore(%arg29 : memref<!tpu.dma_semaphore, #tpu.memory_space<semaphore_mem>>) src(%dma_wait3A_55 : memref<384xi32, #tpu.memory_space<hbm>>) dst(%arg22 : memref<256xf32, #tpu.memory_space<vmem>>)
    %swap3A = arith.constant 0 : index
    %swap3A_56 = tpu.vector_load %arg23[%swap3A] {strides = array<i32>} : memref<16xf32, #tpu.memory_space<vmem>>, vector<16xf32>,
    tpu.vector_store %arg23[%swap3A], %scan3A_41 {strides = array<i32>} : memref<16xf32, #tpu.memory_space<vmem>>, vector<16xf32>,
    "tpu.region"() ({
      %run_scoped3A_57 = tpu.sem_alloc : memref<!tpu.dma_semaphore, #tpu.memory_space<semaphore_mem>>
      %dma_start3A_58 = arith.constant 0 : i32
      %dma_start3A_59 = tpu.memref_slice %arg6[%add3A, %dma_start3A_58] : memref<32x16xf32, #tpu.memory_space<hbm>> -> memref<1x16xf32, #tpu.memory_space<hbm>>
      %dma_start3A_60 = tpu.memref_squeeze %dma_start3A_59 : memref<1x16xf32, #tpu.memory_space<hbm>> -> memref<16xf32, #tpu.memory_space<hbm>>
      %dma_start3A_61 = arith.constant 0 : i32
      %dma_start3A_62 = tpu.memref_slice %arg6[%add3A, %dma_start3A_61] : memref<32x16xf32, #tpu.memory_space<hbm>> -> memref<1x16xf32, #tpu.memory_space<hbm>>
      %dma_start3A_63 = tpu.memref_squeeze %dma_start3A_62 : memref<1x16xf32, #tpu.memory_space<hbm>> -> memref<16xf32, #tpu.memory_space<hbm>>
      tpu.enqueue_dma source(%arg23 : memref<16xf32, #tpu.memory_space<vmem>>) target(%dma_start3A_63 : memref<16xf32, #tpu.memory_space<hbm>>) target_semaphore(%run_scoped3A_57 : memref<!tpu.dma_semaphore, #tpu.memory_space<semaphore_mem>>)
      %dma_wait3A_64 = arith.constant 0 : i32
      %dma_wait3A_65 = tpu.memref_slice %arg6[%add3A, %dma_wait3A_64] : memref<32x16xf32, #tpu.memory_space<hbm>> -> memref<1x16xf32, #tpu.memory_space<hbm>>
      %dma_wait3A_66 = tpu.memref_squeeze %dma_wait3A_65 : memref<1x16xf32, #tpu.memory_space<hbm>> -> memref<16xf32, #tpu.memory_space<hbm>>
      %dma_wait3A_67 = arith.constant 0 : i32
      %dma_wait3A_68 = tpu.memref_slice %arg6[%add3A, %dma_wait3A_67] : memref<32x16xf32, #tpu.memory_space<hbm>> -> memref<1x16xf32, #tpu.memory_space<hbm>>
      %dma_wait3A_69 = tpu.memref_squeeze %dma_wait3A_68 : memref<1x16xf32, #tpu.memory_space<hbm>> -> memref<16xf32, #tpu.memory_space<hbm>>
      tpu.wait_dma2 semaphore(%run_scoped3A_57 : memref<!tpu.dma_semaphore, #tpu.memory_space<semaphore_mem>>) src(%arg23 : memref<16xf32, #tpu.memory_space<vmem>>) dst(%dma_wait3A_69 : memref<16xf32, #tpu.memory_space<hbm>>)
      tpu.yield
    }) : () -> ()
    return
  }
}

module attributes {stable_mosaic.version = 14 : i64} {
  func.func @_node_body(%arg0: memref<80x128xf32, #tpu.memory_space<vmem>>, %arg1: memref<80x128xf32, #tpu.memory_space<vmem>>, %arg2: memref<80x128xf32, #tpu.memory_space<vmem>>, %arg3: memref<80x128xf32, #tpu.memory_space<vmem>>, %arg4: memref<80x128xf32, #tpu.memory_space<vmem>>, %arg5: memref<80x128xf32, #tpu.memory_space<vmem>>, %arg6: memref<4xf32, #tpu.memory_space<smem>>) attributes {dimension_semantics = [], scalar_prefetch = 0 : i64, scratch_operands = 0 : i64, tpu.core_type = #tpu.core_type<tc>} {
    %get3A = arith.constant 0 : index
    %get3A_0 = arith.constant 0 : index
    %get3A_1 = vector.load %arg0[%get3A, %get3A_0] : memref<80x128xf32, #tpu.memory_space<vmem>>, vector<80x128xf32>
    %get3A_2 = arith.constant 0 : index
    %get3A_3 = arith.constant 0 : index
    %get3A_4 = vector.load %arg1[%get3A_2, %get3A_3] : memref<80x128xf32, #tpu.memory_space<vmem>>, vector<80x128xf32>
    %max3A = arith.maximumf %get3A_1, %get3A_4 : vector<80x128xf32>
    %sub3A = arith.subf %get3A_1, %max3A : vector<80x128xf32>
    %exp3A = math.exp %sub3A : vector<80x128xf32>
    %sub3A_5 = arith.subf %get3A_4, %max3A : vector<80x128xf32>
    %exp3A_6 = math.exp %sub3A_5 : vector<80x128xf32>
    %add3A = arith.addf %exp3A, %exp3A_6 : vector<80x128xf32>
    %log3A = math.log %add3A : vector<80x128xf32>
    %add3A_7 = arith.addf %max3A, %log3A : vector<80x128xf32>
    %sub3A_8 = arith.subf %get3A_1, %add3A_7 : vector<80x128xf32>
    %sub3A_9 = arith.subf %get3A_4, %add3A_7 : vector<80x128xf32>
    %get3A_10 = arith.constant 0 : index
    %get3A_11 = arith.constant 0 : index
    %get3A_12 = vector.load %arg2[%get3A_10, %get3A_11] : memref<80x128xf32, #tpu.memory_space<vmem>>, vector<80x128xf32>
    %sub3A_13 = arith.constant 1.000000e+00 : f32
    %sub3A_14 = vector.broadcast %sub3A_13 : f32 to vector<80x128xf32>
    %sub3A_15 = arith.subf %sub3A_14, %get3A_12 : vector<80x128xf32>
    %mul3A = arith.mulf %sub3A_15, %sub3A_8 : vector<80x128xf32>
    %mul3A_16 = arith.mulf %get3A_12, %sub3A_9 : vector<80x128xf32>
    %add3A_17 = arith.addf %mul3A, %mul3A_16 : vector<80x128xf32>
    %neg3A = arith.constant 0.000000e+00 : f32
    %neg3A_18 = vector.broadcast %neg3A : f32 to vector<80x128xf32>
    %neg3A_19 = arith.subf %neg3A_18, %add3A_17 : vector<80x128xf32>
    %get3A_20 = arith.constant 0 : index
    %get3A_21 = arith.constant 0 : index
    %get3A_22 = vector.load %arg3[%get3A_20, %get3A_21] : memref<80x128xf32, #tpu.memory_space<vmem>>, vector<80x128xf32>
    %mul3A_23 = arith.mulf %neg3A_19, %get3A_22 : vector<80x128xf32>
    %reduce_sum3A = vector.shape_cast %mul3A_23 : vector<80x128xf32> to vector<1x80x128xf32>
    %reduce_sum3A_24 = arith.constant dense<0.000000e+00> : vector<1xf32>
    %reduce_sum3A_25 = vector.multi_reduction <add>, %reduce_sum3A, %reduce_sum3A_24 [1, 2] : vector<1x80x128xf32> to vector<1xf32>
    %reduce_sum3A_26 = vector.shape_cast %reduce_sum3A_25 : vector<1xf32> to vector<1x1x1xf32>
    %reduce_sum3A_27 = vector.extract %reduce_sum3A_26[0, 0, 0] : f32 from vector<1x1x1xf32>
    %swap3A = arith.constant 0 : index
    %swap3A_28 = memref.load %arg6[%swap3A] : memref<4xf32, #tpu.memory_space<smem>>
    memref.store %reduce_sum3A_27, %arg6[%swap3A] : memref<4xf32, #tpu.memory_space<smem>>
    %reduce_sum3A_29 = vector.shape_cast %get3A_22 : vector<80x128xf32> to vector<1x80x128xf32>
    %reduce_sum3A_30 = arith.constant dense<0.000000e+00> : vector<1xf32>
    %reduce_sum3A_31 = vector.multi_reduction <add>, %reduce_sum3A_29, %reduce_sum3A_30 [1, 2] : vector<1x80x128xf32> to vector<1xf32>
    %reduce_sum3A_32 = vector.shape_cast %reduce_sum3A_31 : vector<1xf32> to vector<1x1x1xf32>
    %reduce_sum3A_33 = vector.extract %reduce_sum3A_32[0, 0, 0] : f32 from vector<1x1x1xf32>
    %swap3A_34 = arith.constant 1 : index
    %swap3A_35 = memref.load %arg6[%swap3A_34] : memref<4xf32, #tpu.memory_space<smem>>
    memref.store %reduce_sum3A_33, %arg6[%swap3A_34] : memref<4xf32, #tpu.memory_space<smem>>
    %div3A = arith.divf %exp3A, %add3A : vector<80x128xf32>
    %div3A_36 = arith.divf %exp3A_6, %add3A : vector<80x128xf32>
    %max3A_37 = arith.maximumf %div3A, %div3A_36 : vector<80x128xf32>
    %get3A_38 = arith.constant 0 : index
    %get3A_39 = arith.constant 0 : index
    %get3A_40 = vector.load %arg4[%get3A_38, %get3A_39] : memref<80x128xf32, #tpu.memory_space<vmem>>, vector<80x128xf32>
    %gt3A = arith.constant 8.000000e-01 : f32
    %gt3A_41 = vector.broadcast %gt3A : f32 to vector<80x128xf32>
    %gt3A_42 = arith.cmpf ogt, %max3A_37, %gt3A_41 : vector<80x128xf32>
    %convert_element_type3A = arith.extui %gt3A_42 : vector<80x128xi1> to vector<80x128xi32>
    %convert_element_type3A_43 = arith.sitofp %convert_element_type3A : vector<80x128xi32> to vector<80x128xf32>
    %mul3A_44 = arith.mulf %get3A_40, %convert_element_type3A_43 : vector<80x128xf32>
    %div3A_45 = arith.constant 1.000000e-01 : f32
    %div3A_46 = vector.broadcast %div3A_45 : f32 to vector<80x128xf32>
    %div3A_47 = arith.divf %get3A_1, %div3A_46 : vector<80x128xf32>
    %div3A_48 = arith.constant 1.000000e-01 : f32
    %div3A_49 = vector.broadcast %div3A_48 : f32 to vector<80x128xf32>
    %div3A_50 = arith.divf %get3A_4, %div3A_49 : vector<80x128xf32>
    %max3A_51 = arith.maximumf %div3A_47, %div3A_50 : vector<80x128xf32>
    %sub3A_52 = arith.subf %div3A_47, %max3A_51 : vector<80x128xf32>
    %exp3A_53 = math.exp %sub3A_52 : vector<80x128xf32>
    %sub3A_54 = arith.subf %div3A_50, %max3A_51 : vector<80x128xf32>
    %exp3A_55 = math.exp %sub3A_54 : vector<80x128xf32>
    %add3A_56 = arith.addf %exp3A_53, %exp3A_55 : vector<80x128xf32>
    %div3A_57 = arith.divf %exp3A_53, %add3A_56 : vector<80x128xf32>
    %mul3A_58 = arith.mulf %div3A_57, %sub3A_8 : vector<80x128xf32>
    %div3A_59 = arith.divf %exp3A_55, %add3A_56 : vector<80x128xf32>
    %mul3A_60 = arith.mulf %div3A_59, %sub3A_9 : vector<80x128xf32>
    %add3A_61 = arith.addf %mul3A_58, %mul3A_60 : vector<80x128xf32>
    %neg3A_62 = arith.constant 0.000000e+00 : f32
    %neg3A_63 = vector.broadcast %neg3A_62 : f32 to vector<80x128xf32>
    %neg3A_64 = arith.subf %neg3A_63, %add3A_61 : vector<80x128xf32>
    %mul3A_65 = arith.mulf %neg3A_64, %mul3A_44 : vector<80x128xf32>
    %reduce_sum3A_66 = vector.shape_cast %mul3A_65 : vector<80x128xf32> to vector<1x80x128xf32>
    %reduce_sum3A_67 = arith.constant dense<0.000000e+00> : vector<1xf32>
    %reduce_sum3A_68 = vector.multi_reduction <add>, %reduce_sum3A_66, %reduce_sum3A_67 [1, 2] : vector<1x80x128xf32> to vector<1xf32>
    %reduce_sum3A_69 = vector.shape_cast %reduce_sum3A_68 : vector<1xf32> to vector<1x1x1xf32>
    %reduce_sum3A_70 = vector.extract %reduce_sum3A_69[0, 0, 0] : f32 from vector<1x1x1xf32>
    %swap3A_71 = arith.constant 2 : index
    %swap3A_72 = memref.load %arg6[%swap3A_71] : memref<4xf32, #tpu.memory_space<smem>>
    memref.store %reduce_sum3A_70, %arg6[%swap3A_71] : memref<4xf32, #tpu.memory_space<smem>>
    %reduce_sum3A_73 = vector.shape_cast %mul3A_44 : vector<80x128xf32> to vector<1x80x128xf32>
    %reduce_sum3A_74 = arith.constant dense<0.000000e+00> : vector<1xf32>
    %reduce_sum3A_75 = vector.multi_reduction <add>, %reduce_sum3A_73, %reduce_sum3A_74 [1, 2] : vector<1x80x128xf32> to vector<1xf32>
    %reduce_sum3A_76 = vector.shape_cast %reduce_sum3A_75 : vector<1xf32> to vector<1x1x1xf32>
    %reduce_sum3A_77 = vector.extract %reduce_sum3A_76[0, 0, 0] : f32 from vector<1x1x1xf32>
    %swap3A_78 = arith.constant 3 : index
    %swap3A_79 = memref.load %arg6[%swap3A_78] : memref<4xf32, #tpu.memory_space<smem>>
    memref.store %reduce_sum3A_77, %arg6[%swap3A_78] : memref<4xf32, #tpu.memory_space<smem>>
    %swap3A_80 = arith.constant 0 : index
    %swap3A_81 = arith.constant 0 : index
    %swap3A_82 = vector.load %arg5[%swap3A_80, %swap3A_81] : memref<80x128xf32, #tpu.memory_space<vmem>>, vector<80x128xf32>
    tpu.vector_store %arg5[%swap3A_80, %swap3A_81], %div3A {strides = array<i32>} : memref<80x128xf32, #tpu.memory_space<vmem>>, vector<80x128xf32>,
    return
  }
}

module attributes {stable_mosaic.version = 14 : i64} {
  func.func @_combine_body(%arg0: memref<2560x128xf32, #tpu.memory_space<vmem>>, %arg1: memref<2560x128xf32, #tpu.memory_space<vmem>>, %arg2: memref<2560x128xf32, #tpu.memory_space<vmem>>, %arg3: memref<2560x128xf32, #tpu.memory_space<vmem>>, %arg4: memref<2560x128xf32, #tpu.memory_space<vmem>>, %arg5: memref<32x128xf32, #tpu.memory_space<vmem>>, %arg6: memref<4xf32, #tpu.memory_space<smem>>, %arg7: memref<1xf32, #tpu.memory_space<smem>>) attributes {dimension_semantics = [], scalar_prefetch = 0 : i64, scratch_operands = 0 : i64, tpu.core_type = #tpu.core_type<tc>} {
    %get3A = arith.constant 0 : index
    %get3A_0 = arith.constant 0 : index
    %get3A_1 = vector.load %arg4[%get3A, %get3A_0] : memref<2560x128xf32, #tpu.memory_space<vmem>>, vector<2560x128xf32>
    %get3A_2 = arith.constant 0 : index
    %get3A_3 = arith.constant 0 : index
    %get3A_4 = vector.load %arg0[%get3A_2, %get3A_3] : memref<2560x128xf32, #tpu.memory_space<vmem>>, vector<2560x128xf32>
    %neg3A = arith.constant 0.000000e+00 : f32
    %neg3A_5 = vector.broadcast %neg3A : f32 to vector<2560x128xf32>
    %neg3A_6 = arith.subf %neg3A_5, %get3A_4 : vector<2560x128xf32>
    %custom_jvp_call3A = arith.constant 0.000000e+00 : f32
    %max3A = vector.broadcast %custom_jvp_call3A : f32 to vector<2560x128xf32>
    %max3A_7 = arith.maximumf %neg3A_6, %max3A : vector<2560x128xf32>
    %sub3A = vector.broadcast %custom_jvp_call3A : f32 to vector<2560x128xf32>
    %sub3A_8 = arith.subf %neg3A_6, %sub3A : vector<2560x128xf32>
    %ne3A = arith.cmpf one, %sub3A_8, %sub3A_8 : vector<2560x128xf32>
    %add3A = vector.broadcast %custom_jvp_call3A : f32 to vector<2560x128xf32>
    %add3A_9 = arith.addf %neg3A_6, %add3A : vector<2560x128xf32>
    %abs3A = math.absf %sub3A_8 : vector<2560x128xf32>
    %neg3A_10 = arith.constant 0.000000e+00 : f32
    %neg3A_11 = vector.broadcast %neg3A_10 : f32 to vector<2560x128xf32>
    %neg3A_12 = arith.subf %neg3A_11, %abs3A : vector<2560x128xf32>
    %exp3A = math.exp %neg3A_12 : vector<2560x128xf32>
    %log1p3A = math.log1p %exp3A : vector<2560x128xf32>
    %add3A_13 = arith.addf %max3A_7, %log1p3A : vector<2560x128xf32>
    %select_n3A = arith.select %ne3A, %add3A_9, %add3A_13 : vector<2560x128xi1>, vector<2560x128xf32>
    %neg3A_14 = arith.constant 0.000000e+00 : f32
    %neg3A_15 = vector.broadcast %neg3A_14 : f32 to vector<2560x128xf32>
    %neg3A_16 = arith.subf %neg3A_15, %select_n3A : vector<2560x128xf32>
    %neg3A_17 = arith.constant 0.000000e+00 : f32
    %neg3A_18 = vector.broadcast %neg3A_17 : f32 to vector<2560x128xf32>
    %neg3A_19 = arith.subf %neg3A_18, %neg3A_16 : vector<2560x128xf32>
    %get3A_20 = arith.constant 0 : index
    %get3A_21 = arith.constant 0 : index
    %get3A_22 = vector.load %arg1[%get3A_20, %get3A_21] : memref<2560x128xf32, #tpu.memory_space<vmem>>, vector<2560x128xf32>
    %neg3A_23 = arith.constant 0.000000e+00 : f32
    %neg3A_24 = vector.broadcast %neg3A_23 : f32 to vector<2560x128xf32>
    %neg3A_25 = arith.subf %neg3A_24, %get3A_22 : vector<2560x128xf32>
    %neg3A_26 = arith.constant 0.000000e+00 : f32
    %neg3A_27 = vector.broadcast %neg3A_26 : f32 to vector<2560x128xf32>
    %neg3A_28 = arith.subf %neg3A_27, %neg3A_25 : vector<2560x128xf32>
    %custom_jvp_call3A_29 = arith.constant 0.000000e+00 : f32
    %max3A_30 = vector.broadcast %custom_jvp_call3A_29 : f32 to vector<2560x128xf32>
    %max3A_31 = arith.maximumf %neg3A_28, %max3A_30 : vector<2560x128xf32>
    %sub3A_32 = vector.broadcast %custom_jvp_call3A_29 : f32 to vector<2560x128xf32>
    %sub3A_33 = arith.subf %neg3A_28, %sub3A_32 : vector<2560x128xf32>
    %ne3A_34 = arith.cmpf one, %sub3A_33, %sub3A_33 : vector<2560x128xf32>
    %add3A_35 = vector.broadcast %custom_jvp_call3A_29 : f32 to vector<2560x128xf32>
    %add3A_36 = arith.addf %neg3A_28, %add3A_35 : vector<2560x128xf32>
    %abs3A_37 = math.absf %sub3A_33 : vector<2560x128xf32>
    %neg3A_38 = arith.constant 0.000000e+00 : f32
    %neg3A_39 = vector.broadcast %neg3A_38 : f32 to vector<2560x128xf32>
    %neg3A_40 = arith.subf %neg3A_39, %abs3A_37 : vector<2560x128xf32>
    %exp3A_41 = math.exp %neg3A_40 : vector<2560x128xf32>
    %log1p3A_42 = math.log1p %exp3A_41 : vector<2560x128xf32>
    %add3A_43 = arith.addf %max3A_31, %log1p3A_42 : vector<2560x128xf32>
    %select_n3A_44 = arith.select %ne3A_34, %add3A_36, %add3A_43 : vector<2560x128xi1>, vector<2560x128xf32>
    %neg3A_45 = arith.constant 0.000000e+00 : f32
    %neg3A_46 = vector.broadcast %neg3A_45 : f32 to vector<2560x128xf32>
    %neg3A_47 = arith.subf %neg3A_46, %select_n3A_44 : vector<2560x128xf32>
    %neg3A_48 = arith.constant 0.000000e+00 : f32
    %neg3A_49 = vector.broadcast %neg3A_48 : f32 to vector<2560x128xf32>
    %neg3A_50 = arith.subf %neg3A_49, %neg3A_47 : vector<2560x128xf32>
    %get3A_51 = arith.constant 0 : index
    %get3A_52 = arith.constant 0 : index
    %get3A_53 = vector.load %arg2[%get3A_51, %get3A_52] : memref<2560x128xf32, #tpu.memory_space<vmem>>, vector<2560x128xf32>
    %neg3A_54 = arith.constant 0.000000e+00 : f32
    %neg3A_55 = vector.broadcast %neg3A_54 : f32 to vector<2560x128xf32>
    %neg3A_56 = arith.subf %neg3A_55, %get3A_53 : vector<2560x128xf32>
    %neg3A_57 = arith.constant 0.000000e+00 : f32
    %neg3A_58 = vector.broadcast %neg3A_57 : f32 to vector<2560x128xf32>
    %neg3A_59 = arith.subf %neg3A_58, %neg3A_56 : vector<2560x128xf32>
    %custom_jvp_call3A_60 = arith.constant 0.000000e+00 : f32
    %max3A_61 = vector.broadcast %custom_jvp_call3A_60 : f32 to vector<2560x128xf32>
    %max3A_62 = arith.maximumf %neg3A_59, %max3A_61 : vector<2560x128xf32>
    %sub3A_63 = vector.broadcast %custom_jvp_call3A_60 : f32 to vector<2560x128xf32>
    %sub3A_64 = arith.subf %neg3A_59, %sub3A_63 : vector<2560x128xf32>
    %ne3A_65 = arith.cmpf one, %sub3A_64, %sub3A_64 : vector<2560x128xf32>
    %add3A_66 = vector.broadcast %custom_jvp_call3A_60 : f32 to vector<2560x128xf32>
    %add3A_67 = arith.addf %neg3A_59, %add3A_66 : vector<2560x128xf32>
    %abs3A_68 = math.absf %sub3A_64 : vector<2560x128xf32>
    %neg3A_69 = arith.constant 0.000000e+00 : f32
    %neg3A_70 = vector.broadcast %neg3A_69 : f32 to vector<2560x128xf32>
    %neg3A_71 = arith.subf %neg3A_70, %abs3A_68 : vector<2560x128xf32>
    %exp3A_72 = math.exp %neg3A_71 : vector<2560x128xf32>
    %log1p3A_73 = math.log1p %exp3A_72 : vector<2560x128xf32>
    %add3A_74 = arith.addf %max3A_62, %log1p3A_73 : vector<2560x128xf32>
    %select_n3A_75 = arith.select %ne3A_65, %add3A_67, %add3A_74 : vector<2560x128xi1>, vector<2560x128xf32>
    %neg3A_76 = arith.constant 0.000000e+00 : f32
    %neg3A_77 = vector.broadcast %neg3A_76 : f32 to vector<2560x128xf32>
    %neg3A_78 = arith.subf %neg3A_77, %select_n3A_75 : vector<2560x128xf32>
    %sub3A_79 = arith.subf %neg3A_50, %neg3A_78 : vector<2560x128xf32>
    %get3A_80 = arith.constant 0 : index
    %get3A_81 = arith.constant 0 : index
    %get3A_82 = vector.load %arg3[%get3A_80, %get3A_81] : memref<2560x128xf32, #tpu.memory_space<vmem>>, vector<2560x128xf32>
    %neg3A_83 = arith.constant 0.000000e+00 : f32
    %neg3A_84 = vector.broadcast %neg3A_83 : f32 to vector<2560x128xf32>
    %neg3A_85 = arith.subf %neg3A_84, %get3A_82 : vector<2560x128xf32>
    %neg3A_86 = arith.constant 0.000000e+00 : f32
    %neg3A_87 = vector.broadcast %neg3A_86 : f32 to vector<2560x128xf32>
    %neg3A_88 = arith.subf %neg3A_87, %neg3A_85 : vector<2560x128xf32>
    %custom_jvp_call3A_89 = arith.constant 0.000000e+00 : f32
    %max3A_90 = vector.broadcast %custom_jvp_call3A_89 : f32 to vector<2560x128xf32>
    %max3A_91 = arith.maximumf %neg3A_88, %max3A_90 : vector<2560x128xf32>
    %sub3A_92 = vector.broadcast %custom_jvp_call3A_89 : f32 to vector<2560x128xf32>
    %sub3A_93 = arith.subf %neg3A_88, %sub3A_92 : vector<2560x128xf32>
    %ne3A_94 = arith.cmpf one, %sub3A_93, %sub3A_93 : vector<2560x128xf32>
    %add3A_95 = vector.broadcast %custom_jvp_call3A_89 : f32 to vector<2560x128xf32>
    %add3A_96 = arith.addf %neg3A_88, %add3A_95 : vector<2560x128xf32>
    %abs3A_97 = math.absf %sub3A_93 : vector<2560x128xf32>
    %neg3A_98 = arith.constant 0.000000e+00 : f32
    %neg3A_99 = vector.broadcast %neg3A_98 : f32 to vector<2560x128xf32>
    %neg3A_100 = arith.subf %neg3A_99, %abs3A_97 : vector<2560x128xf32>
    %exp3A_101 = math.exp %neg3A_100 : vector<2560x128xf32>
    %log1p3A_102 = math.log1p %exp3A_101 : vector<2560x128xf32>
    %add3A_103 = arith.addf %max3A_91, %log1p3A_102 : vector<2560x128xf32>
    %select_n3A_104 = arith.select %ne3A_94, %add3A_96, %add3A_103 : vector<2560x128xi1>, vector<2560x128xf32>
    %neg3A_105 = arith.constant 0.000000e+00 : f32
    %neg3A_106 = vector.broadcast %neg3A_105 : f32 to vector<2560x128xf32>
    %neg3A_107 = arith.subf %neg3A_106, %select_n3A_104 : vector<2560x128xf32>
    %sub3A_108 = arith.subf %sub3A_79, %neg3A_107 : vector<2560x128xf32>
    %add3A_109 = arith.addf %neg3A_19, %sub3A_108 : vector<2560x128xf32>
    %mul3A = arith.mulf %get3A_1, %add3A_109 : vector<2560x128xf32>
    %reduce_sum3A = vector.shape_cast %mul3A : vector<2560x128xf32> to vector<1x2560x128xf32>
    %reduce_sum3A_110 = arith.constant dense<0.000000e+00> : vector<1xf32>
    %reduce_sum3A_111 = vector.multi_reduction <add>, %reduce_sum3A, %reduce_sum3A_110 [1, 2] : vector<1x2560x128xf32> to vector<1xf32>
    %reduce_sum3A_112 = vector.shape_cast %reduce_sum3A_111 : vector<1xf32> to vector<1x1x1xf32>
    %reduce_sum3A_113 = vector.extract %reduce_sum3A_112[0, 0, 0] : f32 from vector<1x1x1xf32>
    %reduce_sum3A_114 = vector.shape_cast %get3A_1 : vector<2560x128xf32> to vector<1x2560x128xf32>
    %reduce_sum3A_115 = arith.constant dense<0.000000e+00> : vector<1xf32>
    %reduce_sum3A_116 = vector.multi_reduction <add>, %reduce_sum3A_114, %reduce_sum3A_115 [1, 2] : vector<1x2560x128xf32> to vector<1xf32>
    %reduce_sum3A_117 = vector.shape_cast %reduce_sum3A_116 : vector<1xf32> to vector<1x1x1xf32>
    %reduce_sum3A_118 = vector.extract %reduce_sum3A_117[0, 0, 0] : f32 from vector<1x1x1xf32>
    %get3A_119 = arith.constant 0 : index
    %get3A_120 = arith.constant 0 : index
    %get3A_121 = vector.load %arg5[%get3A_119, %get3A_120] : memref<32x128xf32, #tpu.memory_space<vmem>>, vector<32x128xf32>
    %reduce_sum3A_122 = vector.shape_cast %get3A_121 : vector<32x128xf32> to vector<1x32x128xf32>
    %reduce_sum3A_123 = arith.constant dense<0.000000e+00> : vector<1xf32>
    %reduce_sum3A_124 = vector.multi_reduction <add>, %reduce_sum3A_122, %reduce_sum3A_123 [1, 2] : vector<1x32x128xf32> to vector<1xf32>
    %reduce_sum3A_125 = vector.shape_cast %reduce_sum3A_124 : vector<1xf32> to vector<1x1x1xf32>
    %reduce_sum3A_126 = vector.extract %reduce_sum3A_125[0, 0, 0] : f32 from vector<1x1x1xf32>
    %get3A_127 = arith.constant 0 : index
    %get3A_128 = memref.load %arg6[%get3A_127] : memref<4xf32, #tpu.memory_space<smem>>
    %get3A_129 = arith.constant 1 : index
    %get3A_130 = memref.load %arg6[%get3A_129] : memref<4xf32, #tpu.memory_space<smem>>
    %max3A_131 = arith.constant 1.000000e+00 : f32
    %max3A_132 = arith.maximumf %get3A_130, %max3A_131 : f32
    %div3A = arith.divf %get3A_128, %max3A_132 : f32
    %get3A_133 = arith.constant 2 : index
    %get3A_134 = memref.load %arg6[%get3A_133] : memref<4xf32, #tpu.memory_space<smem>>
    %get3A_135 = arith.constant 3 : index
    %get3A_136 = memref.load %arg6[%get3A_135] : memref<4xf32, #tpu.memory_space<smem>>
    %max3A_137 = arith.constant 1.000000e+00 : f32
    %max3A_138 = arith.maximumf %get3A_136, %max3A_137 : f32
    %div3A_139 = arith.divf %get3A_134, %max3A_138 : f32
    %max3A_140 = arith.constant 9.99999993E-9 : f32
    %max3A_141 = arith.maximumf %reduce_sum3A_118, %max3A_140 : f32
    %div3A_142 = arith.divf %reduce_sum3A_113, %max3A_141 : f32
    %max3A_143 = arith.constant 9.99999993E-9 : f32
    %max3A_144 = arith.maximumf %reduce_sum3A_118, %max3A_143 : f32
    %div3A_145 = arith.divf %reduce_sum3A_126, %max3A_144 : f32
    %mul3A_146 = arith.constant 0.699999988 : f32
    %mul3A_147 = arith.mulf %mul3A_146, %div3A : f32
    %mul3A_148 = arith.constant 3.000000e-01 : f32
    %mul3A_149 = arith.mulf %mul3A_148, %div3A_142 : f32
    %add3A_150 = arith.addf %mul3A_147, %mul3A_149 : f32
    %mul3A_151 = arith.constant 1.000000e-01 : f32
    %mul3A_152 = arith.mulf %mul3A_151, %div3A_139 : f32
    %add3A_153 = arith.addf %add3A_150, %mul3A_152 : f32
    %mul3A_154 = arith.constant 2.000000e-01 : f32
    %mul3A_155 = arith.mulf %mul3A_154, %div3A_145 : f32
    %add3A_156 = arith.addf %add3A_153, %mul3A_155 : f32
    %swap3A = arith.constant 0 : index
    %swap3A_157 = memref.load %arg7[%swap3A] : memref<1xf32, #tpu.memory_space<smem>>
    memref.store %add3A_156, %arg7[%swap3A] : memref<1xf32, #tpu.memory_space<smem>>
    return
  }
}

</mosaic_0001>

<sc_bundles>
// kernel: kernel.5.cloned.1.call-start
scs
__scs_entry_jumppad:
0x0: {  	(pc) =	sbr.rel $0x88, $3  }
0x1: {  	(tag) =	ssettag $0x0;
	lr =	simm.s32 $0x1  }
0x2: {  	[smem:$0x3F9A] =	sst lr;
	_ =	strace $0xD0000000  }
0x3: {  	_ = 	snop  }
0x4: {  	_ = 	snop  }
0x5: {  	_ = 	snop  }
0x6: {  	_ = 	snop  }
0x7: {  	_ = 	snop  }
__scs_overlays_trampoline_lowered:
0x8: {  	[smem:$0x3FA9] =	sst s0  }
0x9: {  	[smem:$0x3FAA] =	sst s1  }
0xa: {  	[smem:$0x3FAB] =	sst s2  }
0xb: {  	[smem:$0x3FAC] =	sst s3  }
0xc: {  	[smem:$0x3FAD] =	sst s4  }
0xd: {  	[smem:$0x3FAE] =	sst s5  }
0xe: {  	[smem:$0x3FAF] =	sst s6  }
0xf: {  	[smem:$0x3FB0] =	sst s7  }
0x10: {  	[smem:$0x3FB1] =	sst s8  }
0x11: {  	[smem:$0x3FB2] =	sst s9;
	s0 =	simm.s32 @!p0 $0x0  }
0x12: {  	s1 =	sld [smem:$0x3F98];
	s0 =	simm.s32 @p0 $0x1  }
0x13: {  	[smem:$0x3FB3] =	sst s0;
	s0 =	simm.s32 @!p1 $0x0  }
0x14: {  	s2 =	sld [smem:$0x3F97];
	s0 =	simm.s32 @p1 $0x1  }
0x15: {  	[smem:$0x3FB4] =	sst s0;
	s0 =	simm.s32 @!p2 $0x0  }
0x16: {  	s3 =	sld [smem:$0x3FDB];
	s0 =	simm.s32 @p2 $0x1  }
0x17: {  	s4 =	simm.s32 $0x1BF5;
	[smem:$0x3FB6] =	sst s0  }
0x18: {  	s0 =	sld [smem:$0x3F99];
	_ =	swait.ge [sflag:s4], $0x0  }
0x19: {  	s7 =	sld [smem:$0x3F9A]  }
0x1a: {  	s8 =	sadd.s32 $0xFFFFE003, lr  }
0x1b: {  	s9 =	sadd.s32 $0xFFFFFEF7, lr;
	s5 =	simm.s32 $0xFFFFFFFF;
	p2 =	slt.u32 s8, $0xFFFFF086  }
0x1c: {  	p1 =	slt.u32 s9, $0xF7A;
	s5 =	simm.s32 @!p2 $0x0  }
0x1d: {  	s5 =	simm.s32 @p1 $0x1;
	p0 =	seq.s32 s7, s2  }
0x1e: {  	s7 =	smul.u32 @!p0 $0xF7A, s2;
	p2 =	seq.s32 @!p0 s5, $0x0  }
0x1f: {  	s9 =	smul.u32 $0xF7A, s1;
	s8 =	simm.s32 @!p0 $0x1BF5;
	p2 =	por !p2, p0  }
0x20: {  	[sflag:s8] =	ssyncset.s32 @!p0 $0xFFFFF086;
	s6 =	sadd.s32 @!p0 s3, s7;
	s7 =	simm.s32 @!p0 $0x108  }
0x21: {  	s3 =	sadd.s32 s3, s9;
	s6 =	sadd.s32 @!p0 $0x88, s6;
	s7 =	simm.s32 @p2 $0x1082  }
0x22: {  	[simem:s7], [sflag:s8] =	dma.local @!p0 [hbm:s6], $0xF7A  }
0x23: {  	s9 =	sor.u32 $0xD0000000, s2;
	s6 =	simm.s32 $0x108;
	_ =	swait.ge @!p0 [sflag:s8], $0x0  }
0x24: {  	s3 =	sadd.s32 $0x88, s3;
	s6 =	simm.s32 @!p1 $0x1082;
	[sflag:s4] =	ssyncset.s32 $0xFFFFF086  }
0x25: {  	[simem:s6], [sflag:s4] =	dma.local [hbm:s3], $0xF7A  }
0x26: {  	[smem:$0x3F9A] =	sst s1;
	(tag) =	ssettag s2;
	_ =	strace s9  }
0x27: {  	s1 =	sld [smem:$0x3FAA]  }
0x28: {  	s2 =	sld [smem:$0x3FAB]  }
0x29: {  	s4 =	sld [smem:$0x3FAD]  }
0x2a: {  	p0 =	seq.s32 s5, $0x0;
	s5 =	sld [smem:$0x3FAE]  }
0x2b: {  	s6 =	sld [smem:$0x3FAF]  }
0x2c: {  	s7 =	sld [smem:$0x3FB0]  }
0x2d: {  	s3 =	simm.s32 $0x108;
	s8 =	sld [smem:$0x3FB1]  }
0x2e: {  	s3 =	simm.s32 @!p0 $0x1082;
	s9 =	sld [smem:$0x3FB2]  }
0x2f: {  	lr =	sadd.s32 s0, s3;
	s0 =	sld [smem:$0x3FA9]  }
0x30: {  	s3 =	sld [smem:$0x3FAC]  }
0x31: {  	[smem:$0x3FB5] =	sst s10  }
0x32: {  	s10 =	sld [smem:$0x3FB3];
	_ =	sdelay $0x3  }
0x33: {  	p0 =	seq.s32 s10, $0x1;
	s10 =	sld [smem:$0x3FB5];
	_ =	sdelay $0x3  }
0x34: {  	[smem:$0x3FB5] =	sst s10  }
0x35: {  	s10 =	sld [smem:$0x3FB4];
	_ =	sdelay $0x3  }
0x36: {  	p1 =	seq.s32 s10, $0x1;
	s10 =	sld [smem:$0x3FB5];
	_ =	sdelay $0x3  }
0x37: {  	[smem:$0x3FB5] =	sst s10  }
0x38: {  	s10 =	sld [smem:$0x3FB6]  }
0x39: {  	_ = 	snop;
	(pc) =	sbr.ind lr, $3  }
0x3a: {  	_ = 	snop  }
0x3b: {  	_ = 	snop  }
0x3c: {  	p2 =	seq.s32 s10, $0x1;
	s10 =	sld [smem:$0x3FB5]  }
0x3d: {  	_ =	shalt  }
0x3e: {  	_ =	shalt  }
0x3f: {  	_ =	shalt  }
0x40: {  	_ =	shalt  }
0x41: {  	_ =	shalt  }
0x42: {  	_ =	shalt  }
0x43: {  	_ =	shalt  }
0x44: {  	_ =	shalt  }
0x45: {  	_ =	shalt  }
0x46: {  	_ =	shalt  }
0x47: {  	_ =	shalt  }
0x48: {  	_ =	shalt  }
0x49: {  	_ =	shalt  }
0x4a: {  	_ =	shalt  }
0x4b: {  	_ =	shalt  }
0x4c: {  	_ =	shalt  }
0x4d: {  	_ =	shalt  }
0x4e: {  	_ =	shalt  }
0x4f: {  	_ =	shalt  }
0x50: {  	_ =	shalt  }
0x51: {  	_ =	shalt  }
0x52: {  	_ =	shalt  }
0x53: {  	_ =	shalt  }
0x54: {  	_ =	shalt  }
0x55: {  	_ =	shalt  }
0x56: {  	_ =	shalt  }
0x57: {  	_ =	shalt  }
0x58: {  	_ =	shalt  }
0x59: {  	_ =	shalt  }
0x5a: {  	_ =	shalt  }
0x5b: {  	_ =	shalt  }
0x5c: {  	_ =	shalt  }
0x5d: {  	_ =	shalt  }
0x5e: {  	_ =	shalt  }
0x5f: {  	_ =	shalt  }
0x60: {  	_ =	shalt  }
0x61: {  	_ =	shalt  }
0x62: {  	_ =	shalt  }
0x63: {  	_ =	shalt  }
0x64: {  	_ =	shalt  }
0x65: {  	_ =	shalt  }
0x66: {  	_ =	shalt  }
0x67: {  	_ =	shalt  }
0x68: {  	_ =	shalt  }
0x69: {  	_ =	shalt  }
0x6a: {  	_ =	shalt  }
0x6b: {  	_ =	shalt  }
0x6c: {  	_ =	shalt  }
0x6d: {  	_ =	shalt  }
0x6e: {  	_ =	shalt  }
0x6f: {  	_ =	shalt  }
0x70: {  	_ =	shalt  }
0x71: {  	_ =	shalt  }
0x72: {  	_ =	shalt  }
0x73: {  	_ =	shalt  }
0x74: {  	_ =	shalt  }
0x75: {  	_ =	shalt  }
0x76: {  	_ =	shalt  }
0x77: {  	_ =	shalt  }
0x78: {  	_ =	shalt  }
0x79: {  	_ =	shalt  }
0x7a: {  	_ =	shalt  }
0x7b: {  	_ =	shalt  }
0x7c: {  	_ =	shalt  }
0x7d: {  	_ =	shalt  }
0x7e: {  	_ =	shalt  }
0x7f: {  	_ =	shalt  }
0x80: {  	_ =	shalt  }
0x81: {  	_ =	shalt  }
0x82: {  	_ =	shalt  }
0x83: {  	_ =	shalt  }
0x84: {  	_ =	shalt  }
0x85: {  	_ =	shalt  }
0x86: {  	_ =	shalt  }
0x87: {  	_ =	shalt  }
.Lfunc_end0:
.L_simem_size_0:
called_computation_lowered:
.L_overlay_start_0:
0x88: {  	s2 =	sld [smem:$0x3FD9]  }
0x89: {  	s3 =	sld [smem:$0x3FFE];
	_ =	sdelay $0x1  }
0x8a: {  	s1 =	srdreg.scid  }
0x8b: {  	s0 =	sand.u32 $0x1, s1  }
0x8c: {  	s16 =	sshll.u32 s0, $0xA;
	s2 =	sadd.s32 s3, s2  }
0x8d: {  	s2 =	sadd.s32 s2, s16  }
0x8e: {  	[smem:$0x3FC1] =	sst s2  }
0x8f: {  	_ = 	snop  }
0x90: {  	(tm) =	ssettm $0x1  }
0x91: {  	s17 =	sld [smem:$0x3FFB];
	_ =	sdelay $0x3  }
0x92: {  	_ =	strace s17  }
0x93: {  	s2 =	sld [smem:$0x3FFC];
	_ =	sdelay $0x3  }
0x94: {  	_ =	strace s2  }
0x95: {  	s2 =	sld [smem:$0x3FFD];
	_ =	sdelay $0x3  }
0x96: {  	_ =	strace s2  }
0x97: {  	_ =	strace $0x8FFFFFFF  }
0x98: {  	s18 =	sld [smem:$0x3FDB];
	_ =	sdelay $0x1  }
0x99: {  	s19 =	simm.s32 $_scs_section_size  }
0x9a: {  	s4 =	simm.s32 $_size__tile_overlayer_lowered;
	s5 =	simm.s32 $_tile_overlayer_lowered  }
0x9b: {  	s22 =	simm.s32 $0x1BFF;
	s21 =	sshll.u32 s5, $0x1;
	s2 =	sadd.s32 s19, s18  }
0x9c: {  	s6 =	simm.s32 $0x0;
	s20 =	sshll.u32 s4, $0x1;
	s4 =	sadd.s32 s21, s2  }
0x9d: {  	[timem:s6], [sflag:s22] =	dma.local [hbm:s4], s20  }
0x9e: {  	_ =	swait.ge [sflag:s22], s20  }
0x9f: {  	s3 =	ssub.s32 $0x0, s20;
	[sflag:s22] =	ssyncset.done $0x0  }
0xa0: {  	[sflag:s22] =	ssyncadd.s32 s3;
	_ =	sdelay $0x1  }
0xa1: {  	s23 =	simm.s32 $0x1B8B  }
0xa2: {  	_ =	swait.ge [sflag:s23], $0x1  }
0xa3: {  	[sflag:s23] =	ssyncset.done $0x0  }
0xa4: {  	s25 =	simm.s32 $0x1B8E;
	s24 =	sld [smem:$0x3FFE];
	[sflag:s23] =	ssyncadd.s32 $0xFFFFFFFF  }
0xa5: {  	s26 =	simm.s32 $execute0_lowered;
	[smem:$0x3FD2] =	sst s25  }
0xa6: {  	s4 =	sshll.u32 s26, $0x1;
	_ =	strace $0x80000046;
	[dreg:$0x1] =	wrdreg $0xFFFFFFFF  }
0xa7: {  	s28 =	simm.s32 $_size_execute0_lowered;
	s2 =	sadd.s32 s2, s4;
	[dreg:$0x0] =	wrdreg $0x0  }
0xa8: {  	s4 =	sshll.u32 s28, $0x1;
	[dreg:$0x2] =	wrdreg s2  }
0xa9: {  	[dreg:$0x3] =	wrdreg s4  }
0xaa: {  	[dreg:$0x4] =	wrdreg $0xC0  }
0xab: {  	_ =	task [dreg:s6], $0x5FFFF  }
0xac: {  	[dreg:$0x1] =	wrdreg $0xFFFFFFFF  }
0xad: {  	[dreg:$0x0] =	wrdreg $0x60  }
0xae: {  	[dreg:$0x2] =	wrdreg s24  }
0xaf: {  	[dreg:$0x3] =	wrdreg $0x0  }
0xb0: {  	[dreg:$0x4] =	wrdreg $0x9  }
0xb1: {  	_ =	task.clear_ibuf [dreg:s6], $0x5FFFF;
	_ =	strace $0x90000046  }
0xb2: {  	s29 =	simm.s32 $0x9;
	_ =	strace $0x80000048  }
0xb3: {  	_ =	swait.ge [sflag:s29], $0x1  }
0xb4: {  	[sflag:s29] =	ssyncadd.s32 $0xFFFFFFFF  }
0xb5: {  	_ =	strace $0x90000048  }
0xb6: {  	_ =	sfence  }
0xb7: {  	s30 =	sld [smem:$0x0];
	_ =	sdelay $0x2  }
0xb8: {  	s31 =	sshll.u32 s1, $0xD;
	s1 =	sshrl.u32 s1, $0x2  }
0xb9: {  	s3 =	sand.u32 $0x4000, s31;
	s1 =	sadd.s32 s1, s30  }
0xba: {  	s0 =	sor.u32 s3, s0;
	s1 =	sshll.u32 s1, $0x11  }
0xbb: {  	s0 =	sor.u32 s1, s0  }
0xbc: {  	s0 =	sadd.s32 $0x8F2B, s0  }
0xbd: {  	[sflag:s0] =	ssyncadd.remote.s32 $0x1  }
0xbe: {  	_ =	sfence.sel $0xFFFF  }
0xbf: {  	[dreg:$0x0] =	wrdreg $0xFFFFFFFF;
	(pc) =	sbr.abs _section_cstart, $3  }
0xc0: {  	[dreg:$0x1] =	wrdreg $0xFFFFFFFF  }
0xc1: {  	_ =	task.clear_ibuf [dreg:s6], $0x2FFFF;
	_ =	strace $0x9FFFFFFF  }
0xc2: {  	(tm) =	ssettm $0x7FFFFFFF  }
0xc3: {  	_ =	shalt  }
tec
execute0_lowered:
.L_overlay_start_1:
0x0: {  	(tag) =	ssettag $0x1  }
0x1: {  	s0 =	rddreg [dreg:$0x0]  }
0x2: {  	s1 =	rddreg [dreg:$0x1]  }
0x3: {  	s3 =	srdreg.scid;
	s5 =	stileid.u32;
	s2 =	simm.s32 $0x0  }
0x4: {  	s16 =	simm.s32 $0x9C40;
	s15 =	simm.s32 $0x7;
	s19 =	simm.s32 $0x40  }
0x5: {  	s30 =	simm.s32 $0xC4D0;
	s31 =	simm.s32 $0x3;
	s28 =	simm.s32 $0xC5D0  }
0x6: {  	s29 =	simm.s32 $0x15650;
	s18 =	simm.s32 $0x16750;
	s13 =	simm.s32 $0x0  }
0x7: {  	s3 =	sand.u32 $0x1, s3;
	s4 =	sshll.u32 s5, $0x1;
	[smem:$0x7FF] =	sst s2  }
0x8: {  	s24 =	sadd.s32 $0x200, s0;
	s6 =	sadd.s32 $0x4FC00, s0;
	p0 =	sne.s32 s5, $0x0  }
0x9: {  	s5 =	simm.s32 $0x4;
	_ =	strace $0x80000047;
	[dreg:$0x3] =	wrdreg s24  }
0xa: {  	s7 =	sor.u32 s3, s4;
	s4 =	sadd.s32 $0x13C00, s0;
	[dreg:$0x4] =	wrdreg s6  }
0xb: {  	s3 =	ssub.s32 $0x2, s3;
	s9 =	smul.u32 $0xF000, s7;
	s10 =	sshll.u32 s7, $0x1  }
0xc: {  	s6 =	sadd.s32 $0x50200, s0;
	s11 =	sshrl.u32 s3, $0x1;
	s0 =	sadd.s32 s10, s0  }
0xd: {  	s3 =	ssub.s32 s3, s11;
	s8 =	sshrl.u32 s9, $0x3;
	s10 =	sor.u32 $0x300, s9  }
0xe: {  	s11 =	sor.u32 $0x480, s9;
	s0 =	sadd.s32 $0x78200, s0;
	s26 =	smax.u32 s3, $0x1  }
0xf: {  	s3 =	simm.s32 $0x16650;
	s9 =	simm.s32 $0x5;
	[dreg:$0x7] =	wrdreg s0  }
0x10: {  	s12 =	sadd.s32 s4, s8;
	s8 =	smul.u32 $0xA0, s7;
	[dreg:$0x8] =	wrdreg s26  }
0x11: {  	s0 =	sshrl.u32 @!p0 s1, $0x3;
	s26 =	simm.s32 $0x14650;
	[dreg:$0x5] =	wrdreg s12  }
0x12: {  	s25 =	sadd.s32 $0x30, s12;
	[dreg:$0x9] =	wrdreg s0;
	s0 =	simm.s32 $0x2  }
0x13: {  	vm0 =	vcmask $0x3F3C;
	[dreg:$0x6] =	wrdreg s25;
	s12 =	sor.u32 $0x1, s8;
	s25 =	simm.s32 $0xC590  }
.LBB2_1:
0x14: {  	[dreg:$0xa] =	wrdreg s13  }
0x15: {  	s13 =	rddreg [dreg:$0x3]  }
0x16: {  	s7 =	simm.s32 @!p0 $0x1C07;
	s14 =	rddreg [dreg:$0x9]  }
0x17: {  	[spmem:s14], [sflag:s7] =	dma.local @!p0 [hbm:s13], $0x13880  }
0x18: {  	s7 =	simm.s32 @!p0 $0x7  }
0x19: {  	_ =	swait.ge @!p0 [sflag:s7], $0x13880  }
0x1a: {  	[sflag:s7] =	ssyncset.done @!p0 $0x0  }
0x1b: {  	s21 =	rddreg [dreg:$0x4];
	[sflag:s7] =	ssyncadd.s32 @!p0 $0xFFFEC780  }
0x1c: {  	[tilespmem:s16], [sflag:$0x7] =	stream.linear.gather [hbm4b:s21+s2], $0x2710, $0x38;
	[tilespmem:$0x16860] =	vst v63  }
0x1d: {  	_ =	swait.ge [sflag:s15], $0x2710  }
0x1e: {  	[sflag:s15] =	ssyncset.done $0x0  }
0x1f: {  	[sflag:s15] =	ssyncadd.s32 $0xFFFFD8F0  }
0x20: {  	[bflag:$0x0] =	sbarrier.arrive $0xFFFF  }
0x21: {  	s23 =	simm.s32 $0xC350;
	s22 =	rddreg [dreg:$0x5]  }
0x22: {  	[tilespmem:s23], [sflag:$0x7] =	stream.linear.gather [hbm4b:s22+s2], $0x180, $0x38;
	[tilespmem:$0x16860] =	vst v63  }
0x23: {  	_ =	swait.ge [sflag:s15], $0x180  }
0x24: {  	[sflag:s15] =	ssyncset.done $0x0  }
0x25: {  	s24 =	simm.s32 $0xC650;
	[sflag:s15] =	ssyncadd.s32 $0xFFFFFE80  }
0x26: {  	[tilespmem:s24], [sflag:$0x3] =	stream.indirect.gather [spmem:s1], $0x40, s23, s19, $0xb8;
	[tilespmem:$0x16860] =	vst v63  }
0x27: {  	s13 =	simm.s32 $0xC390;
	s14 =	simm.s32 $0xD650  }
0x28: {  	[tilespmem:s14], [sflag:$0x3] =	stream.indirect.gather [spmem:s1], $0x40, s13, s19, $0xb8;
	[tilespmem:$0x16860] =	vst v63  }
0x29: {  	s17 =	simm.s32 $0xE650;
	s15 =	simm.s32 $0xC3D0  }
0x2a: {  	[tilespmem:s17], [sflag:$0x3] =	stream.indirect.gather [spmem:s1], $0x40, s15, s19, $0xb8;
	[tilespmem:$0x16860] =	vst v63  }
0x2b: {  	s20 =	simm.s32 $0xC410;
	s21 =	simm.s32 $0xF650  }
0x2c: {  	[tilespmem:s21], [sflag:$0x3] =	stream.indirect.gather [spmem:s1], $0x40, s20, s19, $0xb8;
	[tilespmem:$0x16860] =	vst v63  }
0x2d: {  	s22 =	simm.s32 $0xC450;
	s23 =	simm.s32 $0x10650  }
0x2e: {  	[tilespmem:s23], [sflag:$0x3] =	stream.indirect.gather [spmem:s1], $0x40, s22, s19, $0xb8;
	[tilespmem:$0x16860] =	vst v63  }
0x2f: {  	s24 =	rddreg [dreg:$0x6];
	s15 =	simm.s32 $0x0  }
0x30: {  	v0 =	vimm.f32 $0.0e+00;
	[tilespmem:s30], [sflag:$0x2] =	stream.linear.gather [hbm4b:s24+s2], $0x180, $0x38;
	[tilespmem:$0x16860] =	vst v63  }
.LBB2_2:
0x31: {  	_ =	swait.ge [sflag:s31], $0x1000  }
0x32: {  	[sflag:s31] =	ssyncset.done $0x0  }
0x33: {  	[sflag:s31] =	ssyncadd.s32 $0xFFFFF000  }
0x34: {  	_ =	swait.ge [sflag:s31], $0x1000  }
0x35: {  	[sflag:s31] =	ssyncset.done $0x0  }
0x36: {  	[sflag:s31] =	ssyncadd.s32 $0xFFFFF000  }
0x37: {  	_ =	swait.ge [sflag:s31], $0x1000  }
0x38: {  	[sflag:s31] =	ssyncset.done $0x0  }
0x39: {  	[sflag:s31] =	ssyncadd.s32 $0xFFFFF000  }
0x3a: {  	_ =	swait.ge [sflag:s31], $0x1000  }
0x3b: {  	[sflag:s31] =	ssyncset.done $0x0  }
0x3c: {  	[sflag:s31] =	ssyncadd.s32 $0xFFFFF000  }
0x3d: {  	_ =	swait.ge [sflag:s31], $0x1000  }
0x3e: {  	[sflag:s31] =	ssyncset.done $0x0  }
0x3f: {  	[sflag:s31] =	ssyncadd.s32 $0xFFFFF000  }
0x40: {  	_ =	swait.ge [sflag:s0], $0x180  }
0x41: {  	[sflag:s0] =	ssyncset.done $0x0  }
0x42: {  	s7 =	simm.s32 $0x11650;
	[sflag:s0] =	ssyncadd.s32 $0xFFFFFE80  }
0x43: {  	[tilespmem:s7], [sflag:$0x4] =	stream.indirect.gather [spmem:s1], $0x40, s30, s19, $0xb8;
	[tilespmem:$0x16860] =	vst v63  }
0x44: {  	s22 =	simm.s32 $0xC510;
	s13 =	simm.s32 $0x12650  }
0x45: {  	[tilespmem:s13], [sflag:$0x4] =	stream.indirect.gather [spmem:s1], $0x40, s22, s19, $0xb8;
	[tilespmem:$0x16860] =	vst v63  }
0x46: {  	s23 =	simm.s32 $0xC550;
	s24 =	simm.s32 $0x13650  }
0x47: {  	[tilespmem:s24], [sflag:$0x4] =	stream.indirect.gather [spmem:s1], $0x40, s23, s19, $0xb8;
	[tilespmem:$0x16860] =	vst v63  }
0x48: {  	_ = 	snop  }
0x49: {  	[tilespmem:s26], [sflag:$0x4] =	stream.indirect.gather [spmem:s1], $0x40, s25, s19, $0xb8;
	[tilespmem:$0x16860] =	vst v63  }
0x4a: {  	_ = 	snop  }
0x4b: {  	[tilespmem:s29], [sflag:$0x4] =	stream.indirect.gather [spmem:s1], $0x40, s28, s19, $0xb8;
	[tilespmem:$0x16860] =	vst v63  }
0x4c: {  	v2 =	vld [tilespmem:$0xC350]  }
0x4d: {  	v3 =	vld [tilespmem:$0xC390]  }
0x4e: {  	v1 =	vld [tilespmem:$0xC490]  }
0x4f: {  	v4 =	vld [tilespmem:$0xC360]  }
0x50: {  	v8 =	vld [tilespmem:$0xC3A0]  }
0x51: {  	v9 =	vld [tilespmem:$0xC370]  }
0x52: {  	v10 =	vld [tilespmem:$0xC3B0]  }
0x53: {  	v12 =	vld [tilespmem:$0xC380]  }
0x54: {  	v13 =	vld [tilespmem:$0xC3C0]  }
0x55: {  	v5 =	vld.idx.msk [tilespmem:v2+s16+$0x0], $0xffff  }
0x56: {  	v6 =	vld.idx.msk [tilespmem:v3+s16+$0x0], $0xffff  }
0x57: {  	v2 =	vld [tilespmem:$0xC4A0]  }
0x58: {  	p1 =	seq.s32 s15, $0x4F;
	v7 =	vld.idx.msk [tilespmem:v4+s16+$0x0], $0xffff  }
0x59: {  	p2 =	seq.s32 @!p1 s15, $0x0;
	v8 =	vld.idx.msk [tilespmem:v8+s16+$0x0], $0xffff  }
0x5a: {  	p2 =	por p1, !p2;
	s13 =	smul.u32 @!p1 $0x300, s15;
	v3 =	vld [tilespmem:$0xC4B0]  }
.Ltmp0:
0x5b: {  	v9 =	vld.idx.msk [tilespmem:v9+s16+$0x0], $0xffff;
	(pc) =	sbr.rel @!p2 .LBB2_3-.Ltmp0, $4  }
0x5c: {  	s7 =	sadd.s32 @!p1 s13, s10;
	v11 =	vld.idx.msk [tilespmem:v10+s16+$0x0], $0xffff  }
0x5d: {  	s7 =	sshrl.u32 @!p1 s7, $0x3;
	v4 =	vld [tilespmem:$0xC4C0]  }
0x5e: {  	s14 =	simm.s32 @!p1 $0x0;
	s17 =	simm.s32 @!p1 $0xC350;
	s7 =	sadd.s32 @!p1 s4, s7;
	v10 =	vld.idx.msk [tilespmem:v12+s16+$0x0], $0xffff  }
0x5f: {  	v12 =	vld.idx.msk [tilespmem:v13+s16+$0x0], $0xffff;
	[tilespmem:s17], [sflag:$0x1] =	stream.linear.gather @!p1 [hbm4b:s7+s14], $0x180, $0x38  }
.Ltmp1:
0x60: {  	(pc) =	sbr.rel .LBB2_5-.Ltmp1, $4  }
0x61: {  	_ = 	snop  }
0x62: {  	_ =	swait.ge [sflag:s9], $0x100  }
0x63: {  	[sflag:s9] =	ssyncset.done $0x0  }
0x64: {  	p2 =	por $0x0, $0x0;
	[sflag:s9] =	ssyncadd.s32 $0xFFFFFF00  }
.LBB2_3:
0x65: {  	p2 =	por @!p1 $0x1, $0x1  }
.LBB2_5:
0x66: {  	v5 =	vsub.f32 v5, v6;
	_ =	sdelay $0x1  }
0x67: {  	v58 =	vsub.f32 v7, v8;
	v5 =	vmul.f32 v5, v5;
	_ =	sdelay $0x1  }
0x68: {  	v59 =	vsub.f32 v9, v11;
	v6 =	vmul.f32 v58, v58;
	v5 =	vadd.f32 v5, v5  }
0x69: {  	v62 =	vsub.f32 v10, v12  }
0x6a: {  	v61 =	vmul.f32 v59, v59;
	v60 =	vadd.f32 v6, v6;
	v1 =	vmul.f32 v5, v1  }
0x6b: {  	v63 =	vmul.f32 v62, v62  }
0x6c: {  	v0 =	vadd.f32 v1, v0;
	v1 =	vmul.f32 v60, v2;
	v2 =	vadd.f32 v61, v61;
	_ =	sdelay $0x1  }
0x6d: {  	v0 =	vadd.f32 v1, v0;
	v1 =	vmul.f32 v2, v3;
	v2 =	vadd.f32 v63, v63;
	_ =	sdelay $0x1  }
0x6e: {  	s7 =	sshll.u32 s15, $0x1;
	v0 =	vadd.f32 v1, v0;
	v1 =	vmul.f32 v2, v4  }
0x6f: {  	s17 =	simm.s32 $0x0;
	s14 =	simm.s32 $0xD690;
	s20 =	simm.s32 $0xE690  }
0x70: {  	s21 =	simm.s32 $0xF690;
	s22 =	simm.s32 $0x10690;
	s23 =	simm.s32 $0xC690;
	v0 =	vadd.f32 v1, v0  }
.LBB2_6:
0x71: {  	v1 =	vld [tilespmem:s23+$0xFFFFFFC0]  }
0x72: {  	v2 =	vld [tilespmem:s14+$0xFFFFFFC0]  }
0x73: {  	v3 =	vld [tilespmem:s20+$0xFFFFFFC0]  }
0x74: {  	v6 =	vld [tilespmem:s21+$0xFFFFFFC0]  }
0x75: {  	v7 =	vld [tilespmem:s22+$0xFFFFFFC0]  }
0x76: {  	v9 =	vld [tilespmem:s23+$0xFFFFFFD0]  }
0x77: {  	v10 =	vld [tilespmem:s14+$0xFFFFFFD0]  }
0x78: {  	v12 =	vld [tilespmem:s20+$0xFFFFFFD0]  }
0x79: {  	v47 =	vld [tilespmem:s21+$0xFFFFFFD0]  }
0x7a: {  	v50 =	vld [tilespmem:s22+$0xFFFFFFD0]  }
0x7b: {  	v13 =	vld [tilespmem:s23+$0xFFFFFFE0]  }
0x7c: {  	v55 =	vld [tilespmem:s14+$0xFFFFFFE0]  }
0x7d: {  	v14 =	vld [tilespmem:s20+$0xFFFFFFE0];
	v4 =	vunpack.i.l.bf16.f32 v1;
	v5 =	vunpack.i.l.bf16.f32 v2;
	v1 =	vunpack.i.u.bf16.f32 v1  }
0x7e: {  	v62 =	vld [tilespmem:s21+$0xFFFFFFE0];
	v2 =	vunpack.i.u.bf16.f32 v2;
	v8 =	vunpack.i.l.bf16.f32 v3;
	v3 =	vunpack.i.u.bf16.f32 v3  }
0x7f: {  	v20 =	vld [tilespmem:s22+$0xFFFFFFE0];
	v46 =	vunpack.i.l.bf16.f32 v6;
	v11 =	vunpack.i.l.bf16.f32 v7;
	v6 =	vunpack.i.u.bf16.f32 v6  }
0x80: {  	v15 =	vld [tilespmem:s23+$0xFFFFFFF0];
	v7 =	vunpack.i.u.bf16.f32 v7;
	v48 =	vunpack.i.l.bf16.f32 v9;
	v49 =	vunpack.i.l.bf16.f32 v10  }
0x81: {  	v23 =	vld [tilespmem:s14+$0xFFFFFFF0];
	v52 =	vunpack.i.l.bf16.f32 v12;
	v9 =	vunpack.i.u.bf16.f32 v9;
	v10 =	vunpack.i.u.bf16.f32 v10  }
0x82: {  	v54 =	vunpack.i.u.bf16.f32 v12;
	v57 =	vunpack.i.l.bf16.f32 v47;
	v59 =	vunpack.i.l.bf16.f32 v50  }
0x83: {  	v61 =	vunpack.i.u.bf16.f32 v50;
	v63 =	vunpack.i.l.bf16.f32 v13;
	v17 =	vunpack.i.l.bf16.f32 v55  }
0x84: {  	v28 =	vld [tilespmem:s20+$0xFFFFFFF0];
	v19 =	vunpack.i.l.bf16.f32 v14;
	v13 =	vunpack.i.u.bf16.f32 v13;
	v12 =	vunpack.i.u.bf16.f32 v55  }
0x85: {  	v22 =	vunpack.i.u.bf16.f32 v14;
	v25 =	vunpack.i.l.bf16.f32 v62;
	v27 =	vunpack.i.l.bf16.f32 v20  }
0x86: {  	v33 =	vld [tilespmem:s21+$0xFFFFFFF0];
	v31 =	vunpack.i.l.bf16.f32 v15;
	v32 =	vunpack.i.l.bf16.f32 v23;
	v5 =	vmul.f32 v5, v4  }
0x87: {  	v35 =	vld [tilespmem:s22+$0xFFFFFFF0];
	v36 =	vunpack.i.u.bf16.f32 v15;
	v2 =	vmul.f32 v2, v1;
	v8 =	vmul.f32 v8, v4  }
0x88: {  	v37 =	vunpack.i.u.bf16.f32 v23;
	v3 =	vmul.f32 v3, v1;
	v6 =	vmul.f32 v6, v1  }
0x89: {  	v39 =	vunpack.i.l.bf16.f32 v28;
	v1 =	vmul.f32 v7, v1;
	v51 =	vmul.f32 v49, v48  }
0x8a: {  	v41 =	vunpack.i.u.bf16.f32 v28;
	v53 =	vmul.f32 v10, v9;
	v56 =	vmul.f32 v54, v9  }
0x8b: {  	v42 =	vunpack.i.l.bf16.f32 v33;
	v58 =	vmul.f32 v57, v48;
	v18 =	vmul.f32 v17, v63  }
0x8c: {  	v44 =	vunpack.i.l.bf16.f32 v35;
	v10 =	vmul.f32 v19, v63;
	v21 =	vmul.f32 v12, v13  }
0x8d: {  	v24 =	vmul.f32 v22, v13;
	v26 =	vmul.f32 v25, v63;
	v5 =	vadd.f32 $0.0e+00, v5  }
0x8e: {  	v7 =	vunpack.i.u.bf16.f32 v47;
	v29 =	vmul.f32 v27, v63;
	v34 =	vmul.f32 v32, v31  }
0x8f: {  	v38 =	vmul.f32 v37, v36;
	v2 =	vadd.f32 v5, v2;
	v5 =	vmul.f32 v46, v4  }
0x90: {  	v40 =	vmul.f32 v39, v31;
	v8 =	vadd.f32 $0.0e+00, v8;
	v4 =	vmul.f32 v11, v4  }
0x91: {  	v43 =	vmul.f32 v42, v31;
	v60 =	vmul.f32 v7, v9;
	v5 =	vadd.f32 $0.0e+00, v5  }
0x92: {  	v3 =	vadd.f32 v8, v3;
	v8 =	vmul.f32 v52, v48;
	v4 =	vadd.f32 $0.0e+00, v4  }
0x93: {  	v7 =	vmul.f32 v61, v9;
	v2 =	vadd.f32 v51, v2;
	v5 =	vadd.f32 v5, v6  }
0x94: {  	v3 =	vadd.f32 v8, v3;
	v1 =	vadd.f32 v4, v1;
	v6 =	vmul.f32 v59, v48  }
0x95: {  	v11 =	vunpack.i.u.bf16.f32 v20;
	v2 =	vadd.f32 v2, v53;
	v4 =	vadd.f32 v58, v5  }
0x96: {  	v11 =	vmul.f32 v11, v13;
	v3 =	vadd.f32 v3, v56;
	v1 =	vadd.f32 v6, v1  }
0x97: {  	v8 =	vunpack.i.u.bf16.f32 v62;
	v2 =	vadd.f32 v18, v2;
	v4 =	vadd.f32 v4, v60  }
0x98: {  	v30 =	vmul.f32 v8, v13;
	v3 =	vadd.f32 v10, v3;
	v1 =	vadd.f32 v1, v7  }
0x99: {  	v8 =	vunpack.i.u.bf16.f32 v35;
	v2 =	vadd.f32 v2, v21;
	v4 =	vadd.f32 v26, v4  }
0x9a: {  	v5 =	vmul.f32 v41, v36;
	v3 =	vadd.f32 v3, v24;
	v1 =	vadd.f32 v29, v1  }
0x9b: {  	v10 =	vunpack.i.u.bf16.f32 v33;
	v2 =	vadd.f32 v34, v2;
	v4 =	vadd.f32 v4, v30  }
0x9c: {  	v7 =	vmul.f32 v44, v31;
	v3 =	vadd.f32 v40, v3;
	v1 =	vadd.f32 v1, v11  }
0x9d: {  	v45 =	vmul.f32 v10, v36;
	v2 =	vadd.f32 v2, v38;
	v4 =	vadd.f32 v43, v4  }
0x9e: {  	v46 =	vmul.f32 v8, v36;
	v3 =	vadd.f32 v3, v5;
	v1 =	vadd.f32 v7, v1  }
0x9f: {  	(xrf2) =	vadd.scan.msk.f32 $0xffff, v2;
	v4 =	vadd.f32 v4, v45  }
0xa0: {  	(xrf2) =	vadd.scan.msk.f32 $0xffff, v3;
	v1 =	vadd.f32 v1, v46  }
0xa1: {  	(xrf2) =	vadd.scan.msk.f32 $0xffff, v4  }
0xa2: {  	(xrf2) =	vadd.scan.msk.f32 $0xffff, v1;
	_ =	sdelay $0x2  }
0xa3: {  	v1 =	vmov s17  }
0xa4: {  	v2 =	vor.u32 $0x40, v1  }
0xa5: {  	v3 =	vor.u32 $0x80, v1  }
0xa6: {  	v47 =	vor.u32 $0xC0, v1  }
0xa7: {  	v48, _, _ =	vpop (xrf2)  }
0xa8: {  	[tilespmem:v1+s3+$0x0] =	vst.idx.msk vm0, v48;
	v1, _, _ =	vpop (xrf2)  }
0xa9: {  	[tilespmem:v2+s3+$0x0] =	vst.idx.msk vm0, v1;
	v1, _, _ =	vpop (xrf2)  }
0xaa: {  	[tilespmem:v3+s3+$0x0] =	vst.idx.msk vm0, v1;
	v1, _, _ =	vpop (xrf2)  }
0xab: {  	[tilespmem:v47+s3+$0x0] =	vst.idx.msk vm0, v1  }
0xac: {  	v1 =	vld [tilespmem:s23+$0x0]  }
0xad: {  	v2 =	vld [tilespmem:s14+$0x0]  }
0xae: {  	v3 =	vld [tilespmem:s20+$0x0]  }
0xaf: {  	v51 =	vld [tilespmem:s21+$0x0]  }
0xb0: {  	v52 =	vld [tilespmem:s22+$0x0]  }
0xb1: {  	v54 =	vld [tilespmem:s23+$0x10]  }
0xb2: {  	v56 =	vld [tilespmem:s14+$0x10]  }
0xb3: {  	v58 =	vld [tilespmem:s20+$0x10]  }
0xb4: {  	v59 =	vld [tilespmem:s21+$0x10]  }
0xb5: {  	v62 =	vld [tilespmem:s22+$0x10]  }
0xb6: {  	v16 =	vld [tilespmem:s23+$0x20];
	v49 =	vunpack.i.l.bf16.f32 v1;
	v50 =	vunpack.i.l.bf16.f32 v2;
	v1 =	vunpack.i.u.bf16.f32 v1  }
0xb7: {  	v19 =	vld [tilespmem:s14+$0x20];
	v2 =	vunpack.i.u.bf16.f32 v2;
	v53 =	vunpack.i.l.bf16.f32 v3;
	v3 =	vunpack.i.u.bf16.f32 v3  }
0xb8: {  	v22 =	vld [tilespmem:s20+$0x20];
	v55 =	vunpack.i.l.bf16.f32 v51;
	v57 =	vunpack.i.l.bf16.f32 v52;
	v6 =	vunpack.i.u.bf16.f32 v51  }
0xb9: {  	v27 =	vld [tilespmem:s21+$0x20];
	v7 =	vunpack.i.u.bf16.f32 v52;
	v60 =	vunpack.i.l.bf16.f32 v54;
	v61 =	vunpack.i.l.bf16.f32 v56  }
0xba: {  	v32 =	vld [tilespmem:s22+$0x20];
	v15 =	vunpack.i.l.bf16.f32 v58;
	v9 =	vunpack.i.u.bf16.f32 v54;
	v10 =	vunpack.i.u.bf16.f32 v56  }
0xbb: {  	v33 =	vld [tilespmem:s23+$0x30];
	v18 =	vunpack.i.u.bf16.f32 v58;
	v21 =	vunpack.i.l.bf16.f32 v59;
	v24 =	vunpack.i.l.bf16.f32 v62  }
0xbc: {  	v36 =	vld [tilespmem:s14+$0x30];
	v26 =	vunpack.i.u.bf16.f32 v62;
	v28 =	vunpack.i.l.bf16.f32 v16;
	v29 =	vunpack.i.l.bf16.f32 v19  }
0xbd: {  	v31 =	vunpack.i.l.bf16.f32 v22;
	v13 =	vunpack.i.u.bf16.f32 v16;
	v12 =	vunpack.i.u.bf16.f32 v19  }
0xbe: {  	v41 =	vld [tilespmem:s20+$0x30];
	v35 =	vunpack.i.u.bf16.f32 v22;
	v38 =	vunpack.i.l.bf16.f32 v27;
	v5 =	vmul.f32 v50, v49  }
0xbf: {  	v40 =	vunpack.i.l.bf16.f32 v32;
	v2 =	vmul.f32 v2, v1;
	v8 =	vmul.f32 v53, v49  }
0xc0: {  	v46 =	vld [tilespmem:s21+$0x30];
	v44 =	vunpack.i.l.bf16.f32 v33;
	v3 =	vmul.f32 v3, v1;
	v4 =	vmul.f32 v57, v49  }
0xc1: {  	v45 =	vunpack.i.l.bf16.f32 v36;
	v6 =	vmul.f32 v6, v1;
	v1 =	vmul.f32 v7, v1  }
0xc2: {  	v11 =	vunpack.i.u.bf16.f32 v32;
	v63 =	vmul.f32 v61, v60;
	v17 =	vmul.f32 v10, v9  }
0xc3: {  	v52 =	vunpack.i.l.bf16.f32 v41;
	v20 =	vmul.f32 v18, v9;
	v23 =	vmul.f32 v21, v60  }
0xc4: {  	v54 =	vunpack.i.u.bf16.f32 v41;
	v30 =	vmul.f32 v29, v28;
	v10 =	vmul.f32 v31, v28  }
0xc5: {  	v48 =	vld [tilespmem:s22+$0x30];
	v58 =	vunpack.i.u.bf16.f32 v46;
	v34 =	vmul.f32 v12, v13;
	v37 =	vmul.f32 v35, v13  }
0xc6: {  	v39 =	vmul.f32 v38, v28;
	v42 =	vmul.f32 v40, v28;
	v5 =	vadd.f32 $0.0e+00, v5  }
0xc7: {  	v7 =	vunpack.i.u.bf16.f32 v59;
	v47 =	vmul.f32 v45, v44;
	v11 =	vmul.f32 v11, v13  }
0xc8: {  	v50 =	vunpack.i.u.bf16.f32 v36;
	v2 =	vadd.f32 v5, v2;
	v5 =	vmul.f32 v55, v49  }
0xc9: {  	v53 =	vmul.f32 v52, v44;
	v8 =	vadd.f32 $0.0e+00, v8;
	v4 =	vadd.f32 $0.0e+00, v4  }
0xca: {  	v57 =	vunpack.i.l.bf16.f32 v48;
	v25 =	vmul.f32 v7, v9;
	v5 =	vadd.f32 $0.0e+00, v5  }
0xcb: {  	v3 =	vadd.f32 v8, v3;
	v1 =	vadd.f32 v4, v1;
	v8 =	vmul.f32 v15, v60  }
0xcc: {  	v7 =	vmul.f32 v26, v9;
	v2 =	vadd.f32 v63, v2;
	v5 =	vadd.f32 v5, v6  }
0xcd: {  	v49 =	vunpack.i.u.bf16.f32 v33;
	v3 =	vadd.f32 v8, v3;
	v6 =	vmul.f32 v24, v60  }
0xce: {  	v55 =	vunpack.i.l.bf16.f32 v46;
	v2 =	vadd.f32 v2, v17;
	v4 =	vadd.f32 v23, v5  }
0xcf: {  	v51 =	vmul.f32 v50, v49;
	v3 =	vadd.f32 v3, v20;
	v1 =	vadd.f32 v6, v1  }
0xd0: {  	v56 =	vmul.f32 v55, v44;
	v2 =	vadd.f32 v30, v2;
	v4 =	vadd.f32 v4, v25  }
0xd1: {  	v8 =	vunpack.i.u.bf16.f32 v27;
	v3 =	vadd.f32 v10, v3;
	v1 =	vadd.f32 v1, v7  }
0xd2: {  	v43 =	vmul.f32 v8, v13;
	v2 =	vadd.f32 v2, v34;
	v4 =	vadd.f32 v39, v4  }
0xd3: {  	v59 =	vmul.f32 v58, v49;
	v3 =	vadd.f32 v3, v37;
	v1 =	vadd.f32 v42, v1  }
0xd4: {  	v5 =	vmul.f32 v54, v49;
	v2 =	vadd.f32 v47, v2;
	v4 =	vadd.f32 v4, v43  }
0xd5: {  	v7 =	vmul.f32 v57, v44;
	v3 =	vadd.f32 v53, v3;
	v1 =	vadd.f32 v1, v11  }
0xd6: {  	v8 =	vunpack.i.u.bf16.f32 v48;
	v2 =	vadd.f32 v2, v51;
	v4 =	vadd.f32 v56, v4  }
0xd7: {  	v60 =	vmul.f32 v8, v49;
	v3 =	vadd.f32 v3, v5;
	v1 =	vadd.f32 v7, v1  }
0xd8: {  	(xrf2) =	vadd.scan.msk.f32 $0xffff, v2;
	v4 =	vadd.f32 v4, v59  }
0xd9: {  	(xrf2) =	vadd.scan.msk.f32 $0xffff, v3;
	v1 =	vadd.f32 v1, v60  }
0xda: {  	(xrf2) =	vadd.scan.msk.f32 $0xffff, v4  }
0xdb: {  	(xrf2) =	vadd.scan.msk.f32 $0xffff, v1;
	_ =	sdelay $0x1  }
0xdc: {  	s24 =	sadd.s32 $0x1, s17  }
0xdd: {  	v1 =	vmov s24  }
0xde: {  	v2 =	vor.u32 $0x40, v1  }
0xdf: {  	v3 =	vor.u32 $0x80, v1  }
0xe0: {  	p3 =	slt.u32 s17, $0x3E;
	v61 =	vor.u32 $0xC0, v1  }
.Ltmp2:
0xe1: {  	v62, _, _ =	vpop (xrf2);
	(pc) =	sbr.rel @p3 .LBB2_6-.Ltmp2, $4  }
0xe2: {  	v63, _, _ =	vpop (xrf2);
	[tilespmem:v1+s3+$0x0] =	vst.idx.msk vm0, v62  }
0xe3: {  	[tilespmem:v2+s3+$0x0] =	vst.idx.msk vm0, v63;
	v1, _, _ =	vpop (xrf2)  }
0xe4: {  	s17 =	sadd.s32 $0x2, s17;
	s14 =	sadd.s32 $0x80, s14;
	s20 =	sadd.s32 $0x80, s20;
	[tilespmem:v3+s3+$0x0] =	vst.idx.msk vm0, v1;
	v1, _, _ =	vpop (xrf2)  }
0xe5: {  	s21 =	sadd.s32 $0x80, s21;
	s22 =	sadd.s32 $0x80, s22;
	s23 =	sadd.s32 $0x80, s23;
	[tilespmem:v61+s3+$0x0] =	vst.idx.msk vm0, v1  }
0xe6: {  	s14 =	sadd.s32 s8, s7  }
0xe7: {  	s14 =	sshll.u32 s14, $0x5  }
0xe8: {  	s14 =	sadd.s32 s6, s14  }
0xe9: {  	[hbm4b:s14+s2] =	stream.linear.scatter [tilespmem:s3], [sflag:$0x5], $0x100, $0x38;
	[tilespmem:$0x16860] =	vst v63  }
0xea: {  	_ =	swait.ge [sflag:s5], $0x1000  }
0xeb: {  	[sflag:s5] =	ssyncset.done $0x0  }
0xec: {  	[sflag:s5] =	ssyncadd.s32 $0xFFFFF000  }
0xed: {  	_ =	swait.ge [sflag:s5], $0x1000  }
0xee: {  	[sflag:s5] =	ssyncset.done $0x0  }
0xef: {  	[sflag:s5] =	ssyncadd.s32 $0xFFFFF000  }
0xf0: {  	_ =	swait.ge [sflag:s5], $0x1000  }
0xf1: {  	[sflag:s5] =	ssyncset.done $0x0  }
0xf2: {  	[sflag:s5] =	ssyncadd.s32 $0xFFFFF000  }
0xf3: {  	_ =	swait.ge [sflag:s5], $0x1000  }
0xf4: {  	[sflag:s5] =	ssyncset.done $0x0  }
0xf5: {  	[sflag:s5] =	ssyncadd.s32 $0xFFFFF000  }
0xf6: {  	_ =	swait.ge [sflag:s5], $0x1000  }
0xf7: {  	[sflag:s5] =	ssyncset.done $0x0  }
0xf8: {  	s14 =	simm.s32 @!p1 $0x1;
	[sflag:s5] =	ssyncadd.s32 $0xFFFFF000  }
0xf9: {  	_ =	swait.ge @!p1 [sflag:s14], $0x180  }
0xfa: {  	s17 =	simm.s32 @!p1 $0xC350;
	[sflag:s14] =	ssyncset.done @!p1 $0x0  }
0xfb: {  	s20 =	simm.s32 @!p1 $0xC650;
	[sflag:s14] =	ssyncadd.s32 @!p1 $0xFFFFFE80;
	s14 =	simm.s32 @!p1 $0x40  }
0xfc: {  	[tilespmem:s20], [sflag:$0x3] =	stream.indirect.gather @!p1 [spmem:s1], $0x40, s17, s14, $0xb8;
	[tilespmem:$0x16860] =	vst v63  }
0xfd: {  	s17 =	simm.s32 @!p1 $0xC390;
	s20 =	simm.s32 @!p1 $0xD650  }
0xfe: {  	[tilespmem:s20], [sflag:$0x3] =	stream.indirect.gather @!p1 [spmem:s1], $0x40, s17, s14, $0xb8;
	[tilespmem:$0x16860] =	vst v63  }
0xff: {  	s17 =	simm.s32 @!p1 $0xC3D0;
	s20 =	simm.s32 @!p1 $0xE650  }
0x100: {  	[tilespmem:s20], [sflag:$0x3] =	stream.indirect.gather @!p1 [spmem:s1], $0x40, s17, s14, $0xb8;
	[tilespmem:$0x16860] =	vst v63  }
0x101: {  	s17 =	simm.s32 @!p1 $0xC410;
	s20 =	simm.s32 @!p1 $0xF650  }
0x102: {  	[tilespmem:s20], [sflag:$0x3] =	stream.indirect.gather @!p1 [spmem:s1], $0x40, s17, s14, $0xb8;
	[tilespmem:$0x16860] =	vst v63  }
0x103: {  	s17 =	simm.s32 @!p1 $0xC450;
	s20 =	simm.s32 @!p1 $0x10650  }
0x104: {  	[tilespmem:s20], [sflag:$0x3] =	stream.indirect.gather @!p1 [spmem:s1], $0x40, s17, s14, $0xb8;
	[tilespmem:$0x16860] =	vst v63  }
0x105: {  	v1 =	vld [tilespmem:$0xC4D0]  }
0x106: {  	v2 =	vld [tilespmem:$0xC510]  }
0x107: {  	v3 =	vld [tilespmem:$0xC4E0]  }
0x108: {  	v4 =	vld [tilespmem:$0xC520]  }
0x109: {  	v5 =	vld [tilespmem:$0xC4F0]  }
0x10a: {  	v6 =	vld [tilespmem:$0xC530]  }
0x10b: {  	v7 =	vld [tilespmem:$0xC500]  }
0x10c: {  	v8 =	vld [tilespmem:$0xC540]  }
0x10d: {  	v1 =	vld.idx.msk [tilespmem:v1+s16+$0x0], $0xffff  }
0x10e: {  	v2 =	vld.idx.msk [tilespmem:v2+s16+$0x0], $0xffff  }
0x10f: {  	v9 =	vld [tilespmem:$0xC610]  }
0x110: {  	v3 =	vld.idx.msk [tilespmem:v3+s16+$0x0], $0xffff  }
0x111: {  	v4 =	vld.idx.msk [tilespmem:v4+s16+$0x0], $0xffff  }
0x112: {  	v5 =	vld.idx.msk [tilespmem:v5+s16+$0x0], $0xffff  }
0x113: {  	v1 =	vsub.f32 v1, v2;
	v2 =	vld.idx.msk [tilespmem:v6+s16+$0x0], $0xffff  }
0x114: {  	v59 =	vld.idx.msk [tilespmem:v7+s16+$0x0], $0xffff  }
0x115: {  	v60 =	vld.idx.msk [tilespmem:v8+s16+$0x0], $0xffff;
	v1 =	vmul.f32 v1, v1  }
0x116: {  	v3 =	vsub.f32 v3, v4  }
0x117: {  	v61 =	vld [tilespmem:$0xC620];
	v1 =	vadd.f32 v1, v1  }
0x118: {  	v3 =	vmul.f32 v3, v3;
	v2 =	vsub.f32 v5, v2  }
0x119: {  	v62 =	vld [tilespmem:$0xC630];
	v1 =	vmul.f32 v1, v9  }
0x11a: {  	v6 =	vsub.f32 v59, v60;
	v3 =	vadd.f32 v3, v3;
	v2 =	vmul.f32 v2, v2  }
0x11b: {  	s13 =	sadd.s32 @!p1 s13, s11;
	v0 =	vadd.f32 v1, v0;
	v1 =	vld [tilespmem:$0xC640]  }
0x11c: {  	s13 =	sshrl.u32 @!p1 s13, $0x3;
	v63 =	vmul.f32 v6, v6;
	v3 =	vmul.f32 v3, v61;
	v2 =	vadd.f32 v2, v2  }
0x11d: {  	s13 =	sadd.s32 @!p1 s4, s13;
	s14 =	simm.s32 @!p1 $0x0;
	s17 =	simm.s32 @!p1 $0xC4D0  }
0x11e: {  	[tilespmem:s17], [sflag:$0x2] =	stream.linear.gather @!p1 [hbm4b:s13+s14], $0x180, $0x38;
	v0 =	vadd.f32 v3, v0;
	v3 =	vadd.f32 v63, v63;
	v2 =	vmul.f32 v2, v62;
	[tilespmem:$0x16860] =	vst v63  }
0x11f: {  	s13 =	simm.s32 @!p2 $0x6  }
0x120: {  	s21 =	simm.s32 $0x15690;
	s22 =	simm.s32 $0x11690;
	_ =	swait.ge @!p2 [sflag:s13], $0x100;
	v0 =	vadd.f32 v2, v0;
	v1 =	vmul.f32 v3, v1  }
0x121: {  	s20 =	simm.s32 $0x14690;
	s14 =	simm.s32 $0x12690;
	[sflag:s13] =	ssyncset.done @!p2 $0x0  }
0x122: {  	s17 =	simm.s32 $0x13690;
	[sflag:s13] =	ssyncadd.s32 @!p2 $0xFFFFFF00;
	s13 =	simm.s32 $0x0;
	v0 =	vadd.f32 v1, v0  }
.LBB2_8:
0x123: {  	v1 =	vld [tilespmem:s22+$0xFFFFFFC0]  }
0x124: {  	v2 =	vld [tilespmem:s14+$0xFFFFFFC0]  }
0x125: {  	v3 =	vld [tilespmem:s17+$0xFFFFFFC0]  }
0x126: {  	v6 =	vld [tilespmem:s20+$0xFFFFFFC0]  }
0x127: {  	v7 =	vld [tilespmem:s21+$0xFFFFFFC0]  }
0x128: {  	v9 =	vld [tilespmem:s22+$0xFFFFFFD0]  }
0x129: {  	v10 =	vld [tilespmem:s14+$0xFFFFFFD0]  }
0x12a: {  	v12 =	vld [tilespmem:s17+$0xFFFFFFD0]  }
0x12b: {  	v47 =	vld [tilespmem:s20+$0xFFFFFFD0]  }
0x12c: {  	v50 =	vld [tilespmem:s21+$0xFFFFFFD0]  }
0x12d: {  	v13 =	vld [tilespmem:s22+$0xFFFFFFE0]  }
0x12e: {  	v55 =	vld [tilespmem:s14+$0xFFFFFFE0]  }
0x12f: {  	v14 =	vld [tilespmem:s17+$0xFFFFFFE0];
	v4 =	vunpack.i.l.bf16.f32 v1;
	v5 =	vunpack.i.l.bf16.f32 v2;
	v1 =	vunpack.i.u.bf16.f32 v1  }
0x130: {  	v62 =	vld [tilespmem:s20+$0xFFFFFFE0];
	v2 =	vunpack.i.u.bf16.f32 v2;
	v8 =	vunpack.i.l.bf16.f32 v3;
	v3 =	vunpack.i.u.bf16.f32 v3  }
0x131: {  	v20 =	vld [tilespmem:s21+$0xFFFFFFE0];
	v46 =	vunpack.i.l.bf16.f32 v6;
	v11 =	vunpack.i.l.bf16.f32 v7;
	v6 =	vunpack.i.u.bf16.f32 v6  }
0x132: {  	v15 =	vld [tilespmem:s22+$0xFFFFFFF0];
	v7 =	vunpack.i.u.bf16.f32 v7;
	v48 =	vunpack.i.l.bf16.f32 v9;
	v49 =	vunpack.i.l.bf16.f32 v10  }
0x133: {  	v23 =	vld [tilespmem:s14+$0xFFFFFFF0];
	v52 =	vunpack.i.l.bf16.f32 v12;
	v9 =	vunpack.i.u.bf16.f32 v9;
	v10 =	vunpack.i.u.bf16.f32 v10  }
0x134: {  	v54 =	vunpack.i.u.bf16.f32 v12;
	v57 =	vunpack.i.l.bf16.f32 v47;
	v59 =	vunpack.i.l.bf16.f32 v50  }
0x135: {  	v61 =	vunpack.i.u.bf16.f32 v50;
	v63 =	vunpack.i.l.bf16.f32 v13;
	v17 =	vunpack.i.l.bf16.f32 v55  }
0x136: {  	v28 =	vld [tilespmem:s17+$0xFFFFFFF0];
	v19 =	vunpack.i.l.bf16.f32 v14;
	v13 =	vunpack.i.u.bf16.f32 v13;
	v12 =	vunpack.i.u.bf16.f32 v55  }
0x137: {  	v22 =	vunpack.i.u.bf16.f32 v14;
	v25 =	vunpack.i.l.bf16.f32 v62;
	v27 =	vunpack.i.l.bf16.f32 v20  }
0x138: {  	v33 =	vld [tilespmem:s20+$0xFFFFFFF0];
	v31 =	vunpack.i.l.bf16.f32 v15;
	v32 =	vunpack.i.l.bf16.f32 v23;
	v5 =	vmul.f32 v5, v4  }
0x139: {  	v35 =	vld [tilespmem:s21+$0xFFFFFFF0];
	v36 =	vunpack.i.u.bf16.f32 v15;
	v2 =	vmul.f32 v2, v1;
	v8 =	vmul.f32 v8, v4  }
0x13a: {  	v37 =	vunpack.i.u.bf16.f32 v23;
	v3 =	vmul.f32 v3, v1;
	v6 =	vmul.f32 v6, v1  }
0x13b: {  	v39 =	vunpack.i.l.bf16.f32 v28;
	v1 =	vmul.f32 v7, v1;
	v51 =	vmul.f32 v49, v48  }
0x13c: {  	v41 =	vunpack.i.u.bf16.f32 v28;
	v53 =	vmul.f32 v10, v9;
	v56 =	vmul.f32 v54, v9  }
0x13d: {  	v42 =	vunpack.i.l.bf16.f32 v33;
	v58 =	vmul.f32 v57, v48;
	v18 =	vmul.f32 v17, v63  }
0x13e: {  	v44 =	vunpack.i.l.bf16.f32 v35;
	v10 =	vmul.f32 v19, v63;
	v21 =	vmul.f32 v12, v13  }
0x13f: {  	v24 =	vmul.f32 v22, v13;
	v26 =	vmul.f32 v25, v63;
	v5 =	vadd.f32 $0.0e+00, v5  }
0x140: {  	v7 =	vunpack.i.u.bf16.f32 v47;
	v29 =	vmul.f32 v27, v63;
	v34 =	vmul.f32 v32, v31  }
0x141: {  	v38 =	vmul.f32 v37, v36;
	v2 =	vadd.f32 v5, v2;
	v5 =	vmul.f32 v46, v4  }
0x142: {  	v40 =	vmul.f32 v39, v31;
	v8 =	vadd.f32 $0.0e+00, v8;
	v4 =	vmul.f32 v11, v4  }
0x143: {  	v43 =	vmul.f32 v42, v31;
	v60 =	vmul.f32 v7, v9;
	v5 =	vadd.f32 $0.0e+00, v5  }
0x144: {  	v3 =	vadd.f32 v8, v3;
	v8 =	vmul.f32 v52, v48;
	v4 =	vadd.f32 $0.0e+00, v4  }
0x145: {  	v7 =	vmul.f32 v61, v9;
	v2 =	vadd.f32 v51, v2;
	v5 =	vadd.f32 v5, v6  }
0x146: {  	v3 =	vadd.f32 v8, v3;
	v1 =	vadd.f32 v4, v1;
	v6 =	vmul.f32 v59, v48  }
0x147: {  	v11 =	vunpack.i.u.bf16.f32 v20;
	v2 =	vadd.f32 v2, v53;
	v4 =	vadd.f32 v58, v5  }
0x148: {  	v11 =	vmul.f32 v11, v13;
	v3 =	vadd.f32 v3, v56;
	v1 =	vadd.f32 v6, v1  }
0x149: {  	v8 =	vunpack.i.u.bf16.f32 v62;
	v2 =	vadd.f32 v18, v2;
	v4 =	vadd.f32 v4, v60  }
0x14a: {  	v30 =	vmul.f32 v8, v13;
	v3 =	vadd.f32 v10, v3;
	v1 =	vadd.f32 v1, v7  }
0x14b: {  	v8 =	vunpack.i.u.bf16.f32 v35;
	v2 =	vadd.f32 v2, v21;
	v4 =	vadd.f32 v26, v4  }
0x14c: {  	v5 =	vmul.f32 v41, v36;
	v3 =	vadd.f32 v3, v24;
	v1 =	vadd.f32 v29, v1  }
0x14d: {  	v10 =	vunpack.i.u.bf16.f32 v33;
	v2 =	vadd.f32 v34, v2;
	v4 =	vadd.f32 v4, v30  }
0x14e: {  	v7 =	vmul.f32 v44, v31;
	v3 =	vadd.f32 v40, v3;
	v1 =	vadd.f32 v1, v11  }
0x14f: {  	v45 =	vmul.f32 v10, v36;
	v2 =	vadd.f32 v2, v38;
	v4 =	vadd.f32 v43, v4  }
0x150: {  	v46 =	vmul.f32 v8, v36;
	v3 =	vadd.f32 v3, v5;
	v1 =	vadd.f32 v7, v1  }
0x151: {  	(xrf2) =	vadd.scan.msk.f32 $0xffff, v2;
	v4 =	vadd.f32 v4, v45  }
0x152: {  	(xrf2) =	vadd.scan.msk.f32 $0xffff, v3;
	v1 =	vadd.f32 v1, v46  }
0x153: {  	(xrf2) =	vadd.scan.msk.f32 $0xffff, v4  }
0x154: {  	(xrf2) =	vadd.scan.msk.f32 $0xffff, v1;
	_ =	sdelay $0x2  }
0x155: {  	v1 =	vmov s13  }
0x156: {  	v2 =	vor.u32 $0x40, v1  }
0x157: {  	v3 =	vor.u32 $0x80, v1  }
0x158: {  	v47 =	vor.u32 $0xC0, v1  }
0x159: {  	v48, _, _ =	vpop (xrf2)  }
0x15a: {  	[tilespmem:v1+s18+$0x0] =	vst.idx.msk vm0, v48;
	v1, _, _ =	vpop (xrf2)  }
0x15b: {  	[tilespmem:v2+s18+$0x0] =	vst.idx.msk vm0, v1;
	v1, _, _ =	vpop (xrf2)  }
0x15c: {  	[tilespmem:v3+s18+$0x0] =	vst.idx.msk vm0, v1;
	v1, _, _ =	vpop (xrf2)  }
0x15d: {  	[tilespmem:v47+s18+$0x0] =	vst.idx.msk vm0, v1  }
0x15e: {  	v1 =	vld [tilespmem:s22+$0x0]  }
0x15f: {  	v2 =	vld [tilespmem:s14+$0x0]  }
0x160: {  	v3 =	vld [tilespmem:s17+$0x0]  }
0x161: {  	v51 =	vld [tilespmem:s20+$0x0]  }
0x162: {  	v52 =	vld [tilespmem:s21+$0x0]  }
0x163: {  	v54 =	vld [tilespmem:s22+$0x10]  }
0x164: {  	v56 =	vld [tilespmem:s14+$0x10]  }
0x165: {  	v58 =	vld [tilespmem:s17+$0x10]  }
0x166: {  	v59 =	vld [tilespmem:s20+$0x10]  }
0x167: {  	v62 =	vld [tilespmem:s21+$0x10]  }
0x168: {  	v16 =	vld [tilespmem:s22+$0x20];
	v49 =	vunpack.i.l.bf16.f32 v1;
	v50 =	vunpack.i.l.bf16.f32 v2;
	v1 =	vunpack.i.u.bf16.f32 v1  }
0x169: {  	v19 =	vld [tilespmem:s14+$0x20];
	v2 =	vunpack.i.u.bf16.f32 v2;
	v53 =	vunpack.i.l.bf16.f32 v3;
	v3 =	vunpack.i.u.bf16.f32 v3  }
0x16a: {  	v22 =	vld [tilespmem:s17+$0x20];
	v55 =	vunpack.i.l.bf16.f32 v51;
	v57 =	vunpack.i.l.bf16.f32 v52;
	v6 =	vunpack.i.u.bf16.f32 v51  }
0x16b: {  	v27 =	vld [tilespmem:s20+$0x20];
	v7 =	vunpack.i.u.bf16.f32 v52;
	v60 =	vunpack.i.l.bf16.f32 v54;
	v61 =	vunpack.i.l.bf16.f32 v56  }
0x16c: {  	v32 =	vld [tilespmem:s21+$0x20];
	v15 =	vunpack.i.l.bf16.f32 v58;
	v9 =	vunpack.i.u.bf16.f32 v54;
	v10 =	vunpack.i.u.bf16.f32 v56  }
0x16d: {  	v33 =	vld [tilespmem:s22+$0x30];
	v18 =	vunpack.i.u.bf16.f32 v58;
	v21 =	vunpack.i.l.bf16.f32 v59;
	v24 =	vunpack.i.l.bf16.f32 v62  }
0x16e: {  	v36 =	vld [tilespmem:s14+$0x30];
	v26 =	vunpack.i.u.bf16.f32 v62;
	v28 =	vunpack.i.l.bf16.f32 v16;
	v29 =	vunpack.i.l.bf16.f32 v19  }
0x16f: {  	v31 =	vunpack.i.l.bf16.f32 v22;
	v13 =	vunpack.i.u.bf16.f32 v16;
	v12 =	vunpack.i.u.bf16.f32 v19  }
0x170: {  	v41 =	vld [tilespmem:s17+$0x30];
	v35 =	vunpack.i.u.bf16.f32 v22;
	v38 =	vunpack.i.l.bf16.f32 v27;
	v5 =	vmul.f32 v50, v49  }
0x171: {  	v40 =	vunpack.i.l.bf16.f32 v32;
	v2 =	vmul.f32 v2, v1;
	v8 =	vmul.f32 v53, v49  }
0x172: {  	v46 =	vld [tilespmem:s20+$0x30];
	v44 =	vunpack.i.l.bf16.f32 v33;
	v3 =	vmul.f32 v3, v1;
	v4 =	vmul.f32 v57, v49  }
0x173: {  	v45 =	vunpack.i.l.bf16.f32 v36;
	v6 =	vmul.f32 v6, v1;
	v1 =	vmul.f32 v7, v1  }
0x174: {  	v11 =	vunpack.i.u.bf16.f32 v32;
	v63 =	vmul.f32 v61, v60;
	v17 =	vmul.f32 v10, v9  }
0x175: {  	v52 =	vunpack.i.l.bf16.f32 v41;
	v20 =	vmul.f32 v18, v9;
	v23 =	vmul.f32 v21, v60  }
0x176: {  	v54 =	vunpack.i.u.bf16.f32 v41;
	v30 =	vmul.f32 v29, v28;
	v10 =	vmul.f32 v31, v28  }
0x177: {  	v48 =	vld [tilespmem:s21+$0x30];
	v58 =	vunpack.i.u.bf16.f32 v46;
	v34 =	vmul.f32 v12, v13;
	v37 =	vmul.f32 v35, v13  }
0x178: {  	v39 =	vmul.f32 v38, v28;
	v42 =	vmul.f32 v40, v28;
	v5 =	vadd.f32 $0.0e+00, v5  }
0x179: {  	v7 =	vunpack.i.u.bf16.f32 v59;
	v47 =	vmul.f32 v45, v44;
	v11 =	vmul.f32 v11, v13  }
0x17a: {  	v50 =	vunpack.i.u.bf16.f32 v36;
	v2 =	vadd.f32 v5, v2;
	v5 =	vmul.f32 v55, v49  }
0x17b: {  	v53 =	vmul.f32 v52, v44;
	v8 =	vadd.f32 $0.0e+00, v8;
	v4 =	vadd.f32 $0.0e+00, v4  }
0x17c: {  	v57 =	vunpack.i.l.bf16.f32 v48;
	v25 =	vmul.f32 v7, v9;
	v5 =	vadd.f32 $0.0e+00, v5  }
0x17d: {  	v3 =	vadd.f32 v8, v3;
	v1 =	vadd.f32 v4, v1;
	v8 =	vmul.f32 v15, v60  }
0x17e: {  	v7 =	vmul.f32 v26, v9;
	v2 =	vadd.f32 v63, v2;
	v5 =	vadd.f32 v5, v6  }
0x17f: {  	v49 =	vunpack.i.u.bf16.f32 v33;
	v3 =	vadd.f32 v8, v3;
	v6 =	vmul.f32 v24, v60  }
0x180: {  	v55 =	vunpack.i.l.bf16.f32 v46;
	v2 =	vadd.f32 v2, v17;
	v4 =	vadd.f32 v23, v5  }
0x181: {  	v51 =	vmul.f32 v50, v49;
	v3 =	vadd.f32 v3, v20;
	v1 =	vadd.f32 v6, v1  }
0x182: {  	v56 =	vmul.f32 v55, v44;
	v2 =	vadd.f32 v30, v2;
	v4 =	vadd.f32 v4, v25  }
0x183: {  	v8 =	vunpack.i.u.bf16.f32 v27;
	v3 =	vadd.f32 v10, v3;
	v1 =	vadd.f32 v1, v7  }
0x184: {  	v43 =	vmul.f32 v8, v13;
	v2 =	vadd.f32 v2, v34;
	v4 =	vadd.f32 v39, v4  }
0x185: {  	v59 =	vmul.f32 v58, v49;
	v3 =	vadd.f32 v3, v37;
	v1 =	vadd.f32 v42, v1  }
0x186: {  	v5 =	vmul.f32 v54, v49;
	v2 =	vadd.f32 v47, v2;
	v4 =	vadd.f32 v4, v43  }
0x187: {  	v7 =	vmul.f32 v57, v44;
	v3 =	vadd.f32 v53, v3;
	v1 =	vadd.f32 v1, v11  }
0x188: {  	v8 =	vunpack.i.u.bf16.f32 v48;
	v2 =	vadd.f32 v2, v51;
	v4 =	vadd.f32 v56, v4  }
0x189: {  	v60 =	vmul.f32 v8, v49;
	v3 =	vadd.f32 v3, v5;
	v1 =	vadd.f32 v7, v1  }
0x18a: {  	(xrf2) =	vadd.scan.msk.f32 $0xffff, v2;
	v4 =	vadd.f32 v4, v59  }
0x18b: {  	(xrf2) =	vadd.scan.msk.f32 $0xffff, v3;
	v1 =	vadd.f32 v1, v60  }
0x18c: {  	(xrf2) =	vadd.scan.msk.f32 $0xffff, v4  }
0x18d: {  	(xrf2) =	vadd.scan.msk.f32 $0xffff, v1;
	_ =	sdelay $0x1  }
0x18e: {  	s23 =	sadd.s32 $0x1, s13  }
0x18f: {  	v1 =	vmov s23  }
0x190: {  	v2 =	vor.u32 $0x40, v1  }
0x191: {  	v3 =	vor.u32 $0x80, v1  }
0x192: {  	p1 =	slt.u32 s13, $0x3E;
	v61 =	vor.u32 $0xC0, v1  }
.Ltmp3:
0x193: {  	v62, _, _ =	vpop (xrf2);
	(pc) =	sbr.rel @p1 .LBB2_8-.Ltmp3, $4  }
0x194: {  	v63, _, _ =	vpop (xrf2);
	[tilespmem:v1+s18+$0x0] =	vst.idx.msk vm0, v62  }
0x195: {  	[tilespmem:v2+s18+$0x0] =	vst.idx.msk vm0, v63;
	v1, _, _ =	vpop (xrf2)  }
0x196: {  	s13 =	sadd.s32 $0x2, s13;
	s14 =	sadd.s32 $0x80, s14;
	s17 =	sadd.s32 $0x80, s17;
	[tilespmem:v3+s18+$0x0] =	vst.idx.msk vm0, v1;
	v1, _, _ =	vpop (xrf2)  }
0x197: {  	s20 =	sadd.s32 $0x80, s20;
	s21 =	sadd.s32 $0x80, s21;
	s22 =	sadd.s32 $0x80, s22;
	[tilespmem:v61+s18+$0x0] =	vst.idx.msk vm0, v1  }
0x198: {  	s15 =	sadd.s32 $0x1, s15  }
0x199: {  	p1 =	sne.s32 s15, $0x50  }
.Ltmp4:
0x19a: {  	s7 =	sadd.s32 s7, s12;
	(pc) =	sbr.rel @p1 .LBB2_2-.Ltmp4, $4  }
0x19b: {  	s7 =	sshll.u32 s7, $0x5  }
0x19c: {  	s7 =	sand.u32 $0x1FFFFFE0, s7  }
0x19d: {  	s7 =	sadd.s32 s6, s7  }
0x19e: {  	[hbm4b:s7+s2] =	stream.linear.scatter [tilespmem:s18], [sflag:$0x6], $0x100, $0x38;
	[tilespmem:$0x16860] =	vst v63  }
0x19f: {  	_ =	swait.ge [sflag:s9], $0x100  }
0x1a0: {  	[sflag:s9] =	ssyncset.done $0x0  }
0x1a1: {  	s7 =	simm.s32 $0x6;
	[sflag:s9] =	ssyncadd.s32 $0xFFFFFF00  }
0x1a2: {  	_ =	swait.ge [sflag:s7], $0x100  }
0x1a3: {  	[sflag:s7] =	ssyncset.done $0x0  }
0x1a4: {  	[sflag:s7] =	ssyncadd.s32 $0xFFFFFF00  }
0x1a5: {  	s13 =	simm.s32 $0x16850;
	s15 =	simm.s32 $0x7;
	s22 =	rddreg [dreg:$0x7];
	[tilespmem:$0x16850] =	vst v0  }
0x1a6: {  	[hbm4b:s22+s2] =	stream.linear.scatter [tilespmem:s13], [sflag:$0x7], $0x10, $0x38;
	[tilespmem:$0x16860] =	vst v63  }
0x1a7: {  	_ =	swait.ge [sflag:s15], $0x10  }
0x1a8: {  	s23 =	rddreg [dreg:$0xa]  }
0x1a9: {  	s24 =	rddreg [dreg:$0x8];
	s13 =	sadd.s32 $0x1, s23  }
0x1aa: {  	p1 =	sne.s32 s13, s24  }
.Ltmp5:
0x1ab: {  	_ = 	snop;
	(pc) =	sbr.rel @p1 .LBB2_1-.Ltmp5, $3  }
0x1ac: {  	_ =	sdelay $0x1  }
0x1ad: {  	[sflag:s15] =	ssyncset.done $0x0  }
0x1ae: {  	[sflag:s15] =	ssyncadd.s32 $0xFFFFFFF0  }
0x1af: {  	_ =	sfence.sel $0x180000  }
0x1b0: {  	[bflag:$0x0] =	sbarrier.arrive $0xFFFF  }
0x1b1: {  	_ =	strace $0x90000047  }
0x1b2: {  	[bflag:$0x2] =	sbarrier.arrive $0xFFFF  }
0x1b3: {  	s0 =	rddreg [dreg:$0x2]  }
0x1b4: {  	s0 =	sadd.s32 @!p0 $0x100000, s0  }
0x1b5: {  	[sflag:s0] =	ssyncadd.tile.s32 @!p0 $0x1;
	_ =	shalt  }
.Lfunc_end2:
_tile_overlayer_lowered:
.L_overlay_start_2:
0x1b6: {  	(tag) =	ssettag $0x2  }
0x1b7: {  	s0 =	rddreg [dreg:$0x0];
	s2 =	stileid.u32  }
0x1b8: {  	s1 =	rddreg [dreg:$0x1];
	p0 =	sne.s32 s2, $0x0  }
0x1b9: {  	s3 =	rddreg [dreg:$0x2];
	[bflag:$0x3] =	sbarrier.arrive $0xFFFF;
	s2 =	simm.s32 @!p0 $0x1C07  }
0x1ba: {  	[timem:s3], [sflag:s2] =	dma.local @!p0 [hbm:s0], s1  }
0x1bb: {  	s0 =	simm.s32 @!p0 $0x7  }
0x1bc: {  	_ =	swait.ge @!p0 [sflag:s0], s1  }
0x1bd: {  	s1 =	ssub.s32 @!p0 $0x0, s1;
	[sflag:s0] =	ssyncset.done @!p0 $0x0  }
0x1be: {  	[sflag:s0] =	ssyncadd.s32 @!p0 s1  }
0x1bf: {  	[bflag:$0x3] =	sbarrier.arrive $0xFFFF  }
0x1c0: {  	_ =	shalt  }

</sc_bundles>
